<compile_context>
chip_gen: v7x
topology: tpu7x:2x2x1
jax: 0.10.2.dev20260603
libtpu: 0.0.44.dev20260713+nightly
codegen_flags: <defaults>
</compile_context>

<pallas_src>
import functools

import jax
import jax.numpy as jnp
from jax import lax
from jax.experimental import pallas as pl
from jax.experimental.pallas import tpu as pltpu
from jax.experimental.pallas import tpu_sc as plsc

_N_IN = 256
_N_H1 = 1024
_N_H2 = 1024
_N_OUT = 128
_FAN = 16
_BATCH = 2048

_NC = 2
_NS = 16
_NW = _NC * _NS
_L = 16


def _sc_densify(src1, w1, src2, w2, src3, w3):
    mesh = plsc.VectorSubcoreMesh(core_axis_name="c", subcore_axis_name="s")

    @functools.partial(
        pl.kernel,
        mesh=mesh,
        compiler_params=pltpu.CompilerParams(needs_layout_passes=False,
                                             skip_device_barrier=True),
        out_type=[
            jax.ShapeDtypeStruct((_N_H1, _N_IN), jnp.float32),
            jax.ShapeDtypeStruct((_N_H2, _N_H1), jnp.float32),
            jax.ShapeDtypeStruct((_N_OUT, _N_H2), jnp.float32),
        ],
        scratch_types=[
            pltpu.VMEM((_N_H2 // _NW * _FAN,), jnp.int32),
            pltpu.VMEM((_N_H2 // _NW * _FAN,), jnp.float32),
            pltpu.VMEM((_N_H1 // _NW, _N_IN), jnp.float32),
            pltpu.VMEM((_N_H2 // _NW, _N_H1), jnp.float32),
            pltpu.VMEM((_N_OUT // _NW, _N_H2), jnp.float32),
            pltpu.VMEM((_N_H1 // _NW * _FAN,), jnp.int32),
            pltpu.VMEM((_N_H1 // _NW * _FAN,), jnp.float32),
            pltpu.VMEM((_N_OUT // _NW * _FAN,), jnp.int32),
            pltpu.VMEM((_N_OUT // _NW * _FAN,), jnp.float32),
            pltpu.SemaphoreType.DMA,
            pltpu.SemaphoreType.DMA,
            pltpu.SemaphoreType.DMA,
            pltpu.SemaphoreType.DMA,
        ],
    )
    def k(src1_h, w1_h, src2_h, w2_h, src3_h, w3_h, o1, o2, o3,
          src2_v, w2_v, acc1, acc2, acc3, src1_v, w1_v, src3_v, w3_v,
          in1_sem, in2_sem, in3_sem, out_sem):
        wid = lax.axis_index("s") * _NC + lax.axis_index("c")
        lanes = lax.iota(jnp.int32, _L)
        zeros16 = jnp.zeros((_L,), jnp.float32)

        layers = (
            (src2_h, w2_h, o2, acc2, src2_v, w2_v, in2_sem, _N_H2, _N_H1),
            (src1_h, w1_h, o1, acc1, src1_v, w1_v, in1_sem, _N_H1, _N_IN),
            (src3_h, w3_h, o3, acc3, src3_v, w3_v, in3_sem, _N_OUT, _N_H2),
        )

        in_dmas = []
        for (src_h, w_h, _, _, src_v, w_v, sem, n_nodes, _) in layers:
            n_e = (n_nodes // _NW) * _FAN
            base_e = wid * n_e
            in_dmas.append(pltpu.async_copy(
                src_h.at[pl.ds(base_e, n_e)], src_v, sem))
            in_dmas.append(pltpu.async_copy(
                w_h.at[pl.ds(base_e, n_e)], w_v, sem))

        for (_, _, _, acc, _, _, _, n_nodes, d) in layers:
            npw = n_nodes // _NW

            def zero_body(j, _, acc=acc, d=d):
                for c in range(d // _L):
                    acc[j, pl.ds(c * _L, _L)] = zeros16
                return 0
            lax.fori_loop(0, npw, zero_body, 0)

        out_dmas = []
        for li, (_, _, o_h, acc, src_v, w_v, _, n_nodes, d) in enumerate(
                layers):
            in_dmas[2 * li].wait()
            in_dmas[2 * li + 1].wait()
            npw = n_nodes // _NW
            nblocks = max(1, npw // _L)
            for nb in range(nblocks):
                local_nodes = lanes + nb * _L
                mask = local_nodes < npw if npw < _L else None
                for i in range(_FAN):
                    eidx = local_nodes * _FAN + i
                    cols = plsc.load_gather(src_v, [eidx])
                    vals = plsc.load_gather(w_v, [eidx])
                    if mask is None:
                        plsc.addupdate_scatter(acc, [local_nodes, cols], vals)
                    else:
                        plsc.addupdate_scatter(acc, [local_nodes, cols], vals,
                                               mask=mask)
                rows = min(_L, npw)
                out_dmas.append(pltpu.async_copy(
                    acc.at[pl.ds(nb * _L, rows)],
                    o_h.at[pl.ds(wid * npw + nb * _L, rows)], out_sem))
        for dma in out_dmas:
            dma.wait()

    return k(src1, w1, src2, w2, src3, w3)


def _tc_forward(x, w1t, w2t, w3t):
    bm = 1024
    dn = (((1,), (1,)), ((), ()))

    def body(x_ref, w1_ref, w2_ref, w3_ref, o_ref):
        h1 = jnp.tanh(lax.dot_general(x_ref[...], w1_ref[...], dn,
                                      preferred_element_type=jnp.float32))
        h2 = jnp.tanh(lax.dot_general(h1, w2_ref[...], dn,
                                      preferred_element_type=jnp.float32))
        o_ref[...] = jnp.tanh(lax.dot_general(h2, w3_ref[...], dn,
                                              preferred_element_type=jnp.float32))

    return pl.pallas_call(
        body,
        grid=(_BATCH // bm,),
        in_specs=[
            pl.BlockSpec((bm, _N_IN), lambda i: (i, 0)),
            pl.BlockSpec((_N_H1, _N_IN), lambda i: (0, 0)),
            pl.BlockSpec((_N_H2, _N_H1), lambda i: (0, 0)),
            pl.BlockSpec((_N_OUT, _N_H2), lambda i: (0, 0)),
        ],
        out_specs=pl.BlockSpec((bm, _N_OUT), lambda i: (i, 0)),
        out_shape=jax.ShapeDtypeStruct((_BATCH, _N_OUT), jnp.float32),
    )(x, w1t, w2t, w3t)


def kernel(x, w1, w2, w3, src1, dst1, src2, dst2, src3, dst3):
    del dst1, dst2, dst3
    w1t, w2t, w3t = _sc_densify(src1, w1, src2, w2, src3, w3)
    return _tc_forward(x, w1t, w2t, w3t)

# --- scband reference (transcript-rebuilt; emitter-appended) ---
"""Pipeline reference for scband-genome-net-torch-81930796138998 (READ-ONLY COPY).

The authoritative reference and input builder live on the scoring server;
editing this copy changes nothing except your own understanding.
"""

import jax, jax.numpy as jnp
import numpy as np

N_IN = 256
N_H1 = 1024
N_H2 = 1024
N_OUT = 128
FAN_IN = 16
BATCH = 2048


def _build_graph():
    # Deterministic NEAT-style layered DAG: each non-input node has FAN_IN
    # enabled incoming connections from the previous layer.
    rng = np.random.default_rng(0)
    src1 = rng.integers(0, N_IN, size=N_H1 * FAN_IN).astype(np.int32)
    dst1 = np.repeat(np.arange(N_H1), FAN_IN).astype(np.int32)
    src2 = rng.integers(0, N_H1, size=N_H2 * FAN_IN).astype(np.int32)
    dst2 = np.repeat(np.arange(N_H2), FAN_IN).astype(np.int32)
    src3 = rng.integers(0, N_H2, size=N_OUT * FAN_IN).astype(np.int32)
    dst3 = np.repeat(np.arange(N_OUT), FAN_IN).astype(np.int32)
    return src1, dst1, src2, dst2, src3, dst3


def setup_inputs(seed: int = 0) -> dict:
    key = jax.random.key(seed)
    k1, k2, k3, k4 = jax.random.split(key, 4)
    src1, dst1, src2, dst2, src3, dst3 = _build_graph()
    x = jax.random.normal(k1, (BATCH, N_IN), dtype=jnp.float32)
    w1 = jax.random.normal(k2, (N_H1 * FAN_IN,), dtype=jnp.float32) * 0.1
    w2 = jax.random.normal(k3, (N_H2 * FAN_IN,), dtype=jnp.float32) * 0.1
    w3 = jax.random.normal(k4, (N_OUT * FAN_IN,), dtype=jnp.float32) * 0.1
    return {
        "x": x,
        "w1": w1, "w2": w2, "w3": w3,
        "src1": jnp.asarray(src1), "dst1": jnp.asarray(dst1),
        "src2": jnp.asarray(src2), "dst2": jnp.asarray(dst2),
        "src3": jnp.asarray(src3), "dst3": jnp.asarray(dst3),
    }


def _layer(vals, src, dst, w, n_out_nodes):
    # Faithful to the torch loop: each destination node accumulates
    # sum_i(v_src * w) over its incoming connections, then tanh.
    contrib = vals[:, src] * w[None, :]            # gather  [B, E]
    agg = jnp.zeros((vals.shape[0], n_out_nodes), vals.dtype)
    agg = agg.at[:, dst].add(contrib)              # scatter-add over edges
    return jnp.tanh(agg)


def reference(x, w1, w2, w3, src1, dst1, src2, dst2, src3, dst3) -> jnp.ndarray:
    h1 = _layer(x, src1, dst1, w1, N_H1)
    h2 = _layer(h1, src2, dst2, w2, N_H2)
    out = _layer(h2, src3, dst3, w3, N_OUT)
    return out

if __name__ == "__main__":
    import jax
    _d = setup_inputs()
    print(jax.jit(kernel)(*tuple(_d.values())))

</pallas_src>

<mosaic_0001>
#map = affine_map<(d0, d1) -> (0)>
#map1 = affine_map<(d0, d1) -> (0, 0)>
module attributes {stable_mosaic.version = 14 : i64} {
  func.func @k(%arg0: i32, %arg1: i32, %arg2: memref<16384xi32, #tpu.memory_space<hbm>>, %arg3: memref<16384xf32, #tpu.memory_space<hbm>>, %arg4: memref<16384xi32, #tpu.memory_space<hbm>>, %arg5: memref<16384xf32, #tpu.memory_space<hbm>>, %arg6: memref<2048xi32, #tpu.memory_space<hbm>>, %arg7: memref<2048xf32, #tpu.memory_space<hbm>>, %arg8: memref<1024x256xf32, #tpu.memory_space<hbm>>, %arg9: memref<1024x1024xf32, #tpu.memory_space<hbm>>, %arg10: memref<128x1024xf32, #tpu.memory_space<hbm>>, %arg11: memref<512xi32, #tpu.memory_space<vmem>>, %arg12: memref<512xf32, #tpu.memory_space<vmem>>, %arg13: memref<32x256xf32, #tpu.memory_space<vmem>>, %arg14: memref<32x1024xf32, #tpu.memory_space<vmem>>, %arg15: memref<4x1024xf32, #tpu.memory_space<vmem>>, %arg16: memref<512xi32, #tpu.memory_space<vmem>>, %arg17: memref<512xf32, #tpu.memory_space<vmem>>, %arg18: memref<64xi32, #tpu.memory_space<vmem>>, %arg19: memref<64xf32, #tpu.memory_space<vmem>>, %arg20: memref<!tpu.dma_semaphore, #tpu.memory_space<semaphore_mem>>, %arg21: memref<!tpu.dma_semaphore, #tpu.memory_space<semaphore_mem>>, %arg22: memref<!tpu.dma_semaphore, #tpu.memory_space<semaphore_mem>>, %arg23: memref<!tpu.dma_semaphore, #tpu.memory_space<semaphore_mem>>) attributes {dimension_semantics = [#tpu.dimension_semantics<core_parallel>, #tpu.dimension_semantics<subcore_parallel>], iteration_bounds = array<i64: 2, 16>, scalar_prefetch = 0 : i64, scratch_operands = 13 : i64, tpu.core_type = #tpu.core_type<sc_vector_subcore>, window_params = [{transform_indices = #map}, {transform_indices = #map}, {transform_indices = #map}, {transform_indices = #map}, {transform_indices = #map}, {transform_indices = #map}, {transform_indices = #map1}, {transform_indices = #map1}, {transform_indices = #map1}]} {
    %mul3A = arith.constant 2 : i32
    %mul3A_0 = arith.muli %arg1, %mul3A : i32
    %add3A = arith.addi %mul3A_0, %arg0 : i32
    %iota3A = tpu.iota {dimensions = array<i32: 0>} : vector<16xi32>
    %broadcast_in_dim3A = arith.constant 0.000000e+00 : f32
    %broadcast_in_dim3A_1 = vector.broadcast %broadcast_in_dim3A : f32 to vector<16xf32>
    %mul3A_2 = arith.constant 512 : i32
    %mul3A_3 = arith.muli %add3A, %mul3A_2 : i32
    %dma_start3A = tpu.memref_slice %arg4[%mul3A_3] : memref<16384xi32, #tpu.memory_space<hbm>> -> memref<512xi32, #tpu.memory_space<hbm>>
    %dma_start3A_4 = tpu.memref_slice %arg4[%mul3A_3] : memref<16384xi32, #tpu.memory_space<hbm>> -> memref<512xi32, #tpu.memory_space<hbm>>
    tpu.enqueue_dma source(%dma_start3A_4 : memref<512xi32, #tpu.memory_space<hbm>>) target(%arg11 : memref<512xi32, #tpu.memory_space<vmem>>) target_semaphore(%arg21 : memref<!tpu.dma_semaphore, #tpu.memory_space<semaphore_mem>>)
    %dma_start3A_5 = tpu.memref_slice %arg5[%mul3A_3] : memref<16384xf32, #tpu.memory_space<hbm>> -> memref<512xf32, #tpu.memory_space<hbm>>
    %dma_start3A_6 = tpu.memref_slice %arg5[%mul3A_3] : memref<16384xf32, #tpu.memory_space<hbm>> -> memref<512xf32, #tpu.memory_space<hbm>>
    tpu.enqueue_dma source(%dma_start3A_6 : memref<512xf32, #tpu.memory_space<hbm>>) target(%arg12 : memref<512xf32, #tpu.memory_space<vmem>>) target_semaphore(%arg21 : memref<!tpu.dma_semaphore, #tpu.memory_space<semaphore_mem>>)
    %mul3A_7 = arith.constant 512 : i32
    %mul3A_8 = arith.muli %add3A, %mul3A_7 : i32
    %dma_start3A_9 = tpu.memref_slice %arg2[%mul3A_8] : memref<16384xi32, #tpu.memory_space<hbm>> -> memref<512xi32, #tpu.memory_space<hbm>>
    %dma_start3A_10 = tpu.memref_slice %arg2[%mul3A_8] : memref<16384xi32, #tpu.memory_space<hbm>> -> memref<512xi32, #tpu.memory_space<hbm>>
    tpu.enqueue_dma source(%dma_start3A_10 : memref<512xi32, #tpu.memory_space<hbm>>) target(%arg16 : memref<512xi32, #tpu.memory_space<vmem>>) target_semaphore(%arg20 : memref<!tpu.dma_semaphore, #tpu.memory_space<semaphore_mem>>)
    %dma_start3A_11 = tpu.memref_slice %arg3[%mul3A_8] : memref<16384xf32, #tpu.memory_space<hbm>> -> memref<512xf32, #tpu.memory_space<hbm>>
    %dma_start3A_12 = tpu.memref_slice %arg3[%mul3A_8] : memref<16384xf32, #tpu.memory_space<hbm>> -> memref<512xf32, #tpu.memory_space<hbm>>
    tpu.enqueue_dma source(%dma_start3A_12 : memref<512xf32, #tpu.memory_space<hbm>>) target(%arg17 : memref<512xf32, #tpu.memory_space<vmem>>) target_semaphore(%arg20 : memref<!tpu.dma_semaphore, #tpu.memory_space<semaphore_mem>>)
    %mul3A_13 = arith.constant 64 : i32
    %mul3A_14 = arith.muli %add3A, %mul3A_13 : i32
    %dma_start3A_15 = tpu.memref_slice %arg6[%mul3A_14] : memref<2048xi32, #tpu.memory_space<hbm>> -> memref<64xi32, #tpu.memory_space<hbm>>
    %dma_start3A_16 = tpu.memref_slice %arg6[%mul3A_14] : memref<2048xi32, #tpu.memory_space<hbm>> -> memref<64xi32, #tpu.memory_space<hbm>>
    tpu.enqueue_dma source(%dma_start3A_16 : memref<64xi32, #tpu.memory_space<hbm>>) target(%arg18 : memref<64xi32, #tpu.memory_space<vmem>>) target_semaphore(%arg22 : memref<!tpu.dma_semaphore, #tpu.memory_space<semaphore_mem>>)
    %dma_start3A_17 = tpu.memref_slice %arg7[%mul3A_14] : memref<2048xf32, #tpu.memory_space<hbm>> -> memref<64xf32, #tpu.memory_space<hbm>>
    %dma_start3A_18 = tpu.memref_slice %arg7[%mul3A_14] : memref<2048xf32, #tpu.memory_space<hbm>> -> memref<64xf32, #tpu.memory_space<hbm>>
    tpu.enqueue_dma source(%dma_start3A_18 : memref<64xf32, #tpu.memory_space<hbm>>) target(%arg19 : memref<64xf32, #tpu.memory_space<vmem>>) target_semaphore(%arg22 : memref<!tpu.dma_semaphore, #tpu.memory_space<semaphore_mem>>)
    %scan3A = arith.constant 0 : i32
    %scan3A_19 = arith.constant 0 : i32
    %scan3A_20 = arith.constant 32 : i32
    %scan3A_21 = arith.addi %scan3A_19, %scan3A_20 : i32
    %scan3A_22 = arith.constant 1 : i32
    %scan3A_23 = scf.for %scan3A_826 = %scan3A_19 to %scan3A_21 step %scan3A_22 iter_args(%scan3A_827 = %scan3A) -> (i32)  : i32 {
      %swap3A = arith.index_cast %scan3A_826 : i32 to index
      %swap3A_828 = arith.constant 0 : index
      %swap3A_829 = tpu.vector_load %arg14[%swap3A, %swap3A_828] {strides = array<i32>} : memref<32x1024xf32, #tpu.memory_space<vmem>>, vector<16xf32>,
      tpu.vector_store %arg14[%swap3A, %swap3A_828], %broadcast_in_dim3A_1 {strides = array<i32>} : memref<32x1024xf32, #tpu.memory_space<vmem>>, vector<16xf32>,
      %swap3A_830 = arith.index_cast %scan3A_826 : i32 to index
      %swap3A_831 = arith.constant 16 : index
      %swap3A_832 = tpu.vector_load %arg14[%swap3A_830, %swap3A_831] {strides = array<i32>} : memref<32x1024xf32, #tpu.memory_space<vmem>>, vector<16xf32>,
      tpu.vector_store %arg14[%swap3A_830, %swap3A_831], %broadcast_in_dim3A_1 {strides = array<i32>} : memref<32x1024xf32, #tpu.memory_space<vmem>>, vector<16xf32>,
      %swap3A_833 = arith.index_cast %scan3A_826 : i32 to index
      %swap3A_834 = arith.constant 32 : index
      %swap3A_835 = tpu.vector_load %arg14[%swap3A_833, %swap3A_834] {strides = array<i32>} : memref<32x1024xf32, #tpu.memory_space<vmem>>, vector<16xf32>,
      tpu.vector_store %arg14[%swap3A_833, %swap3A_834], %broadcast_in_dim3A_1 {strides = array<i32>} : memref<32x1024xf32, #tpu.memory_space<vmem>>, vector<16xf32>,
      %swap3A_836 = arith.index_cast %scan3A_826 : i32 to index
      %swap3A_837 = arith.constant 48 : index
      %swap3A_838 = tpu.vector_load %arg14[%swap3A_836, %swap3A_837] {strides = array<i32>} : memref<32x1024xf32, #tpu.memory_space<vmem>>, vector<16xf32>,
      tpu.vector_store %arg14[%swap3A_836, %swap3A_837], %broadcast_in_dim3A_1 {strides = array<i32>} : memref<32x1024xf32, #tpu.memory_space<vmem>>, vector<16xf32>,
      %swap3A_839 = arith.index_cast %scan3A_826 : i32 to index
      %swap3A_840 = arith.constant 64 : index
      %swap3A_841 = tpu.vector_load %arg14[%swap3A_839, %swap3A_840] {strides = array<i32>} : memref<32x1024xf32, #tpu.memory_space<vmem>>, vector<16xf32>,
      tpu.vector_store %arg14[%swap3A_839, %swap3A_840], %broadcast_in_dim3A_1 {strides = array<i32>} : memref<32x1024xf32, #tpu.memory_space<vmem>>, vector<16xf32>,
      %swap3A_842 = arith.index_cast %scan3A_826 : i32 to index
      %swap3A_843 = arith.constant 80 : index
      %swap3A_844 = tpu.vector_load %arg14[%swap3A_842, %swap3A_843] {strides = array<i32>} : memref<32x1024xf32, #tpu.memory_space<vmem>>, vector<16xf32>,
      tpu.vector_store %arg14[%swap3A_842, %swap3A_843], %broadcast_in_dim3A_1 {strides = array<i32>} : memref<32x1024xf32, #tpu.memory_space<vmem>>, vector<16xf32>,
      %swap3A_845 = arith.index_cast %scan3A_826 : i32 to index
      %swap3A_846 = arith.constant 96 : index
      %swap3A_847 = tpu.vector_load %arg14[%swap3A_845, %swap3A_846] {strides = array<i32>} : memref<32x1024xf32, #tpu.memory_space<vmem>>, vector<16xf32>,
      tpu.vector_store %arg14[%swap3A_845, %swap3A_846], %broadcast_in_dim3A_1 {strides = array<i32>} : memref<32x1024xf32, #tpu.memory_space<vmem>>, vector<16xf32>,
      %swap3A_848 = arith.index_cast %scan3A_826 : i32 to index
      %swap3A_849 = arith.constant 112 : index
      %swap3A_850 = tpu.vector_load %arg14[%swap3A_848, %swap3A_849] {strides = array<i32>} : memref<32x1024xf32, #tpu.memory_space<vmem>>, vector<16xf32>,
      tpu.vector_store %arg14[%swap3A_848, %swap3A_849], %broadcast_in_dim3A_1 {strides = array<i32>} : memref<32x1024xf32, #tpu.memory_space<vmem>>, vector<16xf32>,
      %swap3A_851 = arith.index_cast %scan3A_826 : i32 to index
      %swap3A_852 = arith.constant 128 : index
      %swap3A_853 = tpu.vector_load %arg14[%swap3A_851, %swap3A_852] {strides = array<i32>} : memref<32x1024xf32, #tpu.memory_space<vmem>>, vector<16xf32>,
      tpu.vector_store %arg14[%swap3A_851, %swap3A_852], %broadcast_in_dim3A_1 {strides = array<i32>} : memref<32x1024xf32, #tpu.memory_space<vmem>>, vector<16xf32>,
      %swap3A_854 = arith.index_cast %scan3A_826 : i32 to index
      %swap3A_855 = arith.constant 144 : index
      %swap3A_856 = tpu.vector_load %arg14[%swap3A_854, %swap3A_855] {strides = array<i32>} : memref<32x1024xf32, #tpu.memory_space<vmem>>, vector<16xf32>,
      tpu.vector_store %arg14[%swap3A_854, %swap3A_855], %broadcast_in_dim3A_1 {strides = array<i32>} : memref<32x1024xf32, #tpu.memory_space<vmem>>, vector<16xf32>,
      %swap3A_857 = arith.index_cast %scan3A_826 : i32 to index
      %swap3A_858 = arith.constant 160 : index
      %swap3A_859 = tpu.vector_load %arg14[%swap3A_857, %swap3A_858] {strides = array<i32>} : memref<32x1024xf32, #tpu.memory_space<vmem>>, vector<16xf32>,
      tpu.vector_store %arg14[%swap3A_857, %swap3A_858], %broadcast_in_dim3A_1 {strides = array<i32>} : memref<32x1024xf32, #tpu.memory_space<vmem>>, vector<16xf32>,
      %swap3A_860 = arith.index_cast %scan3A_826 : i32 to index
      %swap3A_861 = arith.constant 176 : index
      %swap3A_862 = tpu.vector_load %arg14[%swap3A_860, %swap3A_861] {strides = array<i32>} : memref<32x1024xf32, #tpu.memory_space<vmem>>, vector<16xf32>,
      tpu.vector_store %arg14[%swap3A_860, %swap3A_861], %broadcast_in_dim3A_1 {strides = array<i32>} : memref<32x1024xf32, #tpu.memory_space<vmem>>, vector<16xf32>,
      %swap3A_863 = arith.index_cast %scan3A_826 : i32 to index
      %swap3A_864 = arith.constant 192 : index
      %swap3A_865 = tpu.vector_load %arg14[%swap3A_863, %swap3A_864] {strides = array<i32>} : memref<32x1024xf32, #tpu.memory_space<vmem>>, vector<16xf32>,
      tpu.vector_store %arg14[%swap3A_863, %swap3A_864], %broadcast_in_dim3A_1 {strides = array<i32>} : memref<32x1024xf32, #tpu.memory_space<vmem>>, vector<16xf32>,
      %swap3A_866 = arith.index_cast %scan3A_826 : i32 to index
      %swap3A_867 = arith.constant 208 : index
      %swap3A_868 = tpu.vector_load %arg14[%swap3A_866, %swap3A_867] {strides = array<i32>} : memref<32x1024xf32, #tpu.memory_space<vmem>>, vector<16xf32>,
      tpu.vector_store %arg14[%swap3A_866, %swap3A_867], %broadcast_in_dim3A_1 {strides = array<i32>} : memref<32x1024xf32, #tpu.memory_space<vmem>>, vector<16xf32>,
      %swap3A_869 = arith.index_cast %scan3A_826 : i32 to index
      %swap3A_870 = arith.constant 224 : index
      %swap3A_871 = tpu.vector_load %arg14[%swap3A_869, %swap3A_870] {strides = array<i32>} : memref<32x1024xf32, #tpu.memory_space<vmem>>, vector<16xf32>,
      tpu.vector_store %arg14[%swap3A_869, %swap3A_870], %broadcast_in_dim3A_1 {strides = array<i32>} : memref<32x1024xf32, #tpu.memory_space<vmem>>, vector<16xf32>,
      %swap3A_872 = arith.index_cast %scan3A_826 : i32 to index
      %swap3A_873 = arith.constant 240 : index
      %swap3A_874 = tpu.vector_load %arg14[%swap3A_872, %swap3A_873] {strides = array<i32>} : memref<32x1024xf32, #tpu.memory_space<vmem>>, vector<16xf32>,
      tpu.vector_store %arg14[%swap3A_872, %swap3A_873], %broadcast_in_dim3A_1 {strides = array<i32>} : memref<32x1024xf32, #tpu.memory_space<vmem>>, vector<16xf32>,
      %swap3A_875 = arith.index_cast %scan3A_826 : i32 to index
      %swap3A_876 = arith.constant 256 : index
      %swap3A_877 = tpu.vector_load %arg14[%swap3A_875, %swap3A_876] {strides = array<i32>} : memref<32x1024xf32, #tpu.memory_space<vmem>>, vector<16xf32>,
      tpu.vector_store %arg14[%swap3A_875, %swap3A_876], %broadcast_in_dim3A_1 {strides = array<i32>} : memref<32x1024xf32, #tpu.memory_space<vmem>>, vector<16xf32>,
      %swap3A_878 = arith.index_cast %scan3A_826 : i32 to index
      %swap3A_879 = arith.constant 272 : index
      %swap3A_880 = tpu.vector_load %arg14[%swap3A_878, %swap3A_879] {strides = array<i32>} : memref<32x1024xf32, #tpu.memory_space<vmem>>, vector<16xf32>,
      tpu.vector_store %arg14[%swap3A_878, %swap3A_879], %broadcast_in_dim3A_1 {strides = array<i32>} : memref<32x1024xf32, #tpu.memory_space<vmem>>, vector<16xf32>,
      %swap3A_881 = arith.index_cast %scan3A_826 : i32 to index
      %swap3A_882 = arith.constant 288 : index
      %swap3A_883 = tpu.vector_load %arg14[%swap3A_881, %swap3A_882] {strides = array<i32>} : memref<32x1024xf32, #tpu.memory_space<vmem>>, vector<16xf32>,
      tpu.vector_store %arg14[%swap3A_881, %swap3A_882], %broadcast_in_dim3A_1 {strides = array<i32>} : memref<32x1024xf32, #tpu.memory_space<vmem>>, vector<16xf32>,
      %swap3A_884 = arith.index_cast %scan3A_826 : i32 to index
      %swap3A_885 = arith.constant 304 : index
      %swap3A_886 = tpu.vector_load %arg14[%swap3A_884, %swap3A_885] {strides = array<i32>} : memref<32x1024xf32, #tpu.memory_space<vmem>>, vector<16xf32>,
      tpu.vector_store %arg14[%swap3A_884, %swap3A_885], %broadcast_in_dim3A_1 {strides = array<i32>} : memref<32x1024xf32, #tpu.memory_space<vmem>>, vector<16xf32>,
      %swap3A_887 = arith.index_cast %scan3A_826 : i32 to index
      %swap3A_888 = arith.constant 320 : index
      %swap3A_889 = tpu.vector_load %arg14[%swap3A_887, %swap3A_888] {strides = array<i32>} : memref<32x1024xf32, #tpu.memory_space<vmem>>, vector<16xf32>,
      tpu.vector_store %arg14[%swap3A_887, %swap3A_888], %broadcast_in_dim3A_1 {strides = array<i32>} : memref<32x1024xf32, #tpu.memory_space<vmem>>, vector<16xf32>,
      %swap3A_890 = arith.index_cast %scan3A_826 : i32 to index
      %swap3A_891 = arith.constant 336 : index
      %swap3A_892 = tpu.vector_load %arg14[%swap3A_890, %swap3A_891] {strides = array<i32>} : memref<32x1024xf32, #tpu.memory_space<vmem>>, vector<16xf32>,
      tpu.vector_store %arg14[%swap3A_890, %swap3A_891], %broadcast_in_dim3A_1 {strides = array<i32>} : memref<32x1024xf32, #tpu.memory_space<vmem>>, vector<16xf32>,
      %swap3A_893 = arith.index_cast %scan3A_826 : i32 to index
      %swap3A_894 = arith.constant 352 : index
      %swap3A_895 = tpu.vector_load %arg14[%swap3A_893, %swap3A_894] {strides = array<i32>} : memref<32x1024xf32, #tpu.memory_space<vmem>>, vector<16xf32>,
      tpu.vector_store %arg14[%swap3A_893, %swap3A_894], %broadcast_in_dim3A_1 {strides = array<i32>} : memref<32x1024xf32, #tpu.memory_space<vmem>>, vector<16xf32>,
      %swap3A_896 = arith.index_cast %scan3A_826 : i32 to index
      %swap3A_897 = arith.constant 368 : index
      %swap3A_898 = tpu.vector_load %arg14[%swap3A_896, %swap3A_897] {strides = array<i32>} : memref<32x1024xf32, #tpu.memory_space<vmem>>, vector<16xf32>,
      tpu.vector_store %arg14[%swap3A_896, %swap3A_897], %broadcast_in_dim3A_1 {strides = array<i32>} : memref<32x1024xf32, #tpu.memory_space<vmem>>, vector<16xf32>,
      %swap3A_899 = arith.index_cast %scan3A_826 : i32 to index
      %swap3A_900 = arith.constant 384 : index
      %swap3A_901 = tpu.vector_load %arg14[%swap3A_899, %swap3A_900] {strides = array<i32>} : memref<32x1024xf32, #tpu.memory_space<vmem>>, vector<16xf32>,
      tpu.vector_store %arg14[%swap3A_899, %swap3A_900], %broadcast_in_dim3A_1 {strides = array<i32>} : memref<32x1024xf32, #tpu.memory_space<vmem>>, vector<16xf32>,
      %swap3A_902 = arith.index_cast %scan3A_826 : i32 to index
      %swap3A_903 = arith.constant 400 : index
      %swap3A_904 = tpu.vector_load %arg14[%swap3A_902, %swap3A_903] {strides = array<i32>} : memref<32x1024xf32, #tpu.memory_space<vmem>>, vector<16xf32>,
      tpu.vector_store %arg14[%swap3A_902, %swap3A_903], %broadcast_in_dim3A_1 {strides = array<i32>} : memref<32x1024xf32, #tpu.memory_space<vmem>>, vector<16xf32>,
      %swap3A_905 = arith.index_cast %scan3A_826 : i32 to index
      %swap3A_906 = arith.constant 416 : index
      %swap3A_907 = tpu.vector_load %arg14[%swap3A_905, %swap3A_906] {strides = array<i32>} : memref<32x1024xf32, #tpu.memory_space<vmem>>, vector<16xf32>,
      tpu.vector_store %arg14[%swap3A_905, %swap3A_906], %broadcast_in_dim3A_1 {strides = array<i32>} : memref<32x1024xf32, #tpu.memory_space<vmem>>, vector<16xf32>,
      %swap3A_908 = arith.index_cast %scan3A_826 : i32 to index
      %swap3A_909 = arith.constant 432 : index
      %swap3A_910 = tpu.vector_load %arg14[%swap3A_908, %swap3A_909] {strides = array<i32>} : memref<32x1024xf32, #tpu.memory_space<vmem>>, vector<16xf32>,
      tpu.vector_store %arg14[%swap3A_908, %swap3A_909], %broadcast_in_dim3A_1 {strides = array<i32>} : memref<32x1024xf32, #tpu.memory_space<vmem>>, vector<16xf32>,
      %swap3A_911 = arith.index_cast %scan3A_826 : i32 to index
      %swap3A_912 = arith.constant 448 : index
      %swap3A_913 = tpu.vector_load %arg14[%swap3A_911, %swap3A_912] {strides = array<i32>} : memref<32x1024xf32, #tpu.memory_space<vmem>>, vector<16xf32>,
      tpu.vector_store %arg14[%swap3A_911, %swap3A_912], %broadcast_in_dim3A_1 {strides = array<i32>} : memref<32x1024xf32, #tpu.memory_space<vmem>>, vector<16xf32>,
      %swap3A_914 = arith.index_cast %scan3A_826 : i32 to index
      %swap3A_915 = arith.constant 464 : index
      %swap3A_916 = tpu.vector_load %arg14[%swap3A_914, %swap3A_915] {strides = array<i32>} : memref<32x1024xf32, #tpu.memory_space<vmem>>, vector<16xf32>,
      tpu.vector_store %arg14[%swap3A_914, %swap3A_915], %broadcast_in_dim3A_1 {strides = array<i32>} : memref<32x1024xf32, #tpu.memory_space<vmem>>, vector<16xf32>,
      %swap3A_917 = arith.index_cast %scan3A_826 : i32 to index
      %swap3A_918 = arith.constant 480 : index
      %swap3A_919 = tpu.vector_load %arg14[%swap3A_917, %swap3A_918] {strides = array<i32>} : memref<32x1024xf32, #tpu.memory_space<vmem>>, vector<16xf32>,
      tpu.vector_store %arg14[%swap3A_917, %swap3A_918], %broadcast_in_dim3A_1 {strides = array<i32>} : memref<32x1024xf32, #tpu.memory_space<vmem>>, vector<16xf32>,
      %swap3A_920 = arith.index_cast %scan3A_826 : i32 to index
      %swap3A_921 = arith.constant 496 : index
      %swap3A_922 = tpu.vector_load %arg14[%swap3A_920, %swap3A_921] {strides = array<i32>} : memref<32x1024xf32, #tpu.memory_space<vmem>>, vector<16xf32>,
      tpu.vector_store %arg14[%swap3A_920, %swap3A_921], %broadcast_in_dim3A_1 {strides = array<i32>} : memref<32x1024xf32, #tpu.memory_space<vmem>>, vector<16xf32>,
      %swap3A_923 = arith.index_cast %scan3A_826 : i32 to index
      %swap3A_924 = arith.constant 512 : index
      %swap3A_925 = tpu.vector_load %arg14[%swap3A_923, %swap3A_924] {strides = array<i32>} : memref<32x1024xf32, #tpu.memory_space<vmem>>, vector<16xf32>,
      tpu.vector_store %arg14[%swap3A_923, %swap3A_924], %broadcast_in_dim3A_1 {strides = array<i32>} : memref<32x1024xf32, #tpu.memory_space<vmem>>, vector<16xf32>,
      %swap3A_926 = arith.index_cast %scan3A_826 : i32 to index
      %swap3A_927 = arith.constant 528 : index
      %swap3A_928 = tpu.vector_load %arg14[%swap3A_926, %swap3A_927] {strides = array<i32>} : memref<32x1024xf32, #tpu.memory_space<vmem>>, vector<16xf32>,
      tpu.vector_store %arg14[%swap3A_926, %swap3A_927], %broadcast_in_dim3A_1 {strides = array<i32>} : memref<32x1024xf32, #tpu.memory_space<vmem>>, vector<16xf32>,
      %swap3A_929 = arith.index_cast %scan3A_826 : i32 to index
      %swap3A_930 = arith.constant 544 : index
      %swap3A_931 = tpu.vector_load %arg14[%swap3A_929, %swap3A_930] {strides = array<i32>} : memref<32x1024xf32, #tpu.memory_space<vmem>>, vector<16xf32>,
      tpu.vector_store %arg14[%swap3A_929, %swap3A_930], %broadcast_in_dim3A_1 {strides = array<i32>} : memref<32x1024xf32, #tpu.memory_space<vmem>>, vector<16xf32>,
      %swap3A_932 = arith.index_cast %scan3A_826 : i32 to index
      %swap3A_933 = arith.constant 560 : index
      %swap3A_934 = tpu.vector_load %arg14[%swap3A_932, %swap3A_933] {strides = array<i32>} : memref<32x1024xf32, #tpu.memory_space<vmem>>, vector<16xf32>,
      tpu.vector_store %arg14[%swap3A_932, %swap3A_933], %broadcast_in_dim3A_1 {strides = array<i32>} : memref<32x1024xf32, #tpu.memory_space<vmem>>, vector<16xf32>,
      %swap3A_935 = arith.index_cast %scan3A_826 : i32 to index
      %swap3A_936 = arith.constant 576 : index
      %swap3A_937 = tpu.vector_load %arg14[%swap3A_935, %swap3A_936] {strides = array<i32>} : memref<32x1024xf32, #tpu.memory_space<vmem>>, vector<16xf32>,
      tpu.vector_store %arg14[%swap3A_935, %swap3A_936], %broadcast_in_dim3A_1 {strides = array<i32>} : memref<32x1024xf32, #tpu.memory_space<vmem>>, vector<16xf32>,
      %swap3A_938 = arith.index_cast %scan3A_826 : i32 to index
      %swap3A_939 = arith.constant 592 : index
      %swap3A_940 = tpu.vector_load %arg14[%swap3A_938, %swap3A_939] {strides = array<i32>} : memref<32x1024xf32, #tpu.memory_space<vmem>>, vector<16xf32>,
      tpu.vector_store %arg14[%swap3A_938, %swap3A_939], %broadcast_in_dim3A_1 {strides = array<i32>} : memref<32x1024xf32, #tpu.memory_space<vmem>>, vector<16xf32>,
      %swap3A_941 = arith.index_cast %scan3A_826 : i32 to index
      %swap3A_942 = arith.constant 608 : index
      %swap3A_943 = tpu.vector_load %arg14[%swap3A_941, %swap3A_942] {strides = array<i32>} : memref<32x1024xf32, #tpu.memory_space<vmem>>, vector<16xf32>,
      tpu.vector_store %arg14[%swap3A_941, %swap3A_942], %broadcast_in_dim3A_1 {strides = array<i32>} : memref<32x1024xf32, #tpu.memory_space<vmem>>, vector<16xf32>,
      %swap3A_944 = arith.index_cast %scan3A_826 : i32 to index
      %swap3A_945 = arith.constant 624 : index
      %swap3A_946 = tpu.vector_load %arg14[%swap3A_944, %swap3A_945] {strides = array<i32>} : memref<32x1024xf32, #tpu.memory_space<vmem>>, vector<16xf32>,
      tpu.vector_store %arg14[%swap3A_944, %swap3A_945], %broadcast_in_dim3A_1 {strides = array<i32>} : memref<32x1024xf32, #tpu.memory_space<vmem>>, vector<16xf32>,
      %swap3A_947 = arith.index_cast %scan3A_826 : i32 to index
      %swap3A_948 = arith.constant 640 : index
      %swap3A_949 = tpu.vector_load %arg14[%swap3A_947, %swap3A_948] {strides = array<i32>} : memref<32x1024xf32, #tpu.memory_space<vmem>>, vector<16xf32>,
      tpu.vector_store %arg14[%swap3A_947, %swap3A_948], %broadcast_in_dim3A_1 {strides = array<i32>} : memref<32x1024xf32, #tpu.memory_space<vmem>>, vector<16xf32>,
      %swap3A_950 = arith.index_cast %scan3A_826 : i32 to index
      %swap3A_951 = arith.constant 656 : index
      %swap3A_952 = tpu.vector_load %arg14[%swap3A_950, %swap3A_951] {strides = array<i32>} : memref<32x1024xf32, #tpu.memory_space<vmem>>, vector<16xf32>,
      tpu.vector_store %arg14[%swap3A_950, %swap3A_951], %broadcast_in_dim3A_1 {strides = array<i32>} : memref<32x1024xf32, #tpu.memory_space<vmem>>, vector<16xf32>,
      %swap3A_953 = arith.index_cast %scan3A_826 : i32 to index
      %swap3A_954 = arith.constant 672 : index
      %swap3A_955 = tpu.vector_load %arg14[%swap3A_953, %swap3A_954] {strides = array<i32>} : memref<32x1024xf32, #tpu.memory_space<vmem>>, vector<16xf32>,
      tpu.vector_store %arg14[%swap3A_953, %swap3A_954], %broadcast_in_dim3A_1 {strides = array<i32>} : memref<32x1024xf32, #tpu.memory_space<vmem>>, vector<16xf32>,
      %swap3A_956 = arith.index_cast %scan3A_826 : i32 to index
      %swap3A_957 = arith.constant 688 : index
      %swap3A_958 = tpu.vector_load %arg14[%swap3A_956, %swap3A_957] {strides = array<i32>} : memref<32x1024xf32, #tpu.memory_space<vmem>>, vector<16xf32>,
      tpu.vector_store %arg14[%swap3A_956, %swap3A_957], %broadcast_in_dim3A_1 {strides = array<i32>} : memref<32x1024xf32, #tpu.memory_space<vmem>>, vector<16xf32>,
      %swap3A_959 = arith.index_cast %scan3A_826 : i32 to index
      %swap3A_960 = arith.constant 704 : index
      %swap3A_961 = tpu.vector_load %arg14[%swap3A_959, %swap3A_960] {strides = array<i32>} : memref<32x1024xf32, #tpu.memory_space<vmem>>, vector<16xf32>,
      tpu.vector_store %arg14[%swap3A_959, %swap3A_960], %broadcast_in_dim3A_1 {strides = array<i32>} : memref<32x1024xf32, #tpu.memory_space<vmem>>, vector<16xf32>,
      %swap3A_962 = arith.index_cast %scan3A_826 : i32 to index
      %swap3A_963 = arith.constant 720 : index
      %swap3A_964 = tpu.vector_load %arg14[%swap3A_962, %swap3A_963] {strides = array<i32>} : memref<32x1024xf32, #tpu.memory_space<vmem>>, vector<16xf32>,
      tpu.vector_store %arg14[%swap3A_962, %swap3A_963], %broadcast_in_dim3A_1 {strides = array<i32>} : memref<32x1024xf32, #tpu.memory_space<vmem>>, vector<16xf32>,
      %swap3A_965 = arith.index_cast %scan3A_826 : i32 to index
      %swap3A_966 = arith.constant 736 : index
      %swap3A_967 = tpu.vector_load %arg14[%swap3A_965, %swap3A_966] {strides = array<i32>} : memref<32x1024xf32, #tpu.memory_space<vmem>>, vector<16xf32>,
      tpu.vector_store %arg14[%swap3A_965, %swap3A_966], %broadcast_in_dim3A_1 {strides = array<i32>} : memref<32x1024xf32, #tpu.memory_space<vmem>>, vector<16xf32>,
      %swap3A_968 = arith.index_cast %scan3A_826 : i32 to index
      %swap3A_969 = arith.constant 752 : index
      %swap3A_970 = tpu.vector_load %arg14[%swap3A_968, %swap3A_969] {strides = array<i32>} : memref<32x1024xf32, #tpu.memory_space<vmem>>, vector<16xf32>,
      tpu.vector_store %arg14[%swap3A_968, %swap3A_969], %broadcast_in_dim3A_1 {strides = array<i32>} : memref<32x1024xf32, #tpu.memory_space<vmem>>, vector<16xf32>,
      %swap3A_971 = arith.index_cast %scan3A_826 : i32 to index
      %swap3A_972 = arith.constant 768 : index
      %swap3A_973 = tpu.vector_load %arg14[%swap3A_971, %swap3A_972] {strides = array<i32>} : memref<32x1024xf32, #tpu.memory_space<vmem>>, vector<16xf32>,
      tpu.vector_store %arg14[%swap3A_971, %swap3A_972], %broadcast_in_dim3A_1 {strides = array<i32>} : memref<32x1024xf32, #tpu.memory_space<vmem>>, vector<16xf32>,
      %swap3A_974 = arith.index_cast %scan3A_826 : i32 to index
      %swap3A_975 = arith.constant 784 : index
      %swap3A_976 = tpu.vector_load %arg14[%swap3A_974, %swap3A_975] {strides = array<i32>} : memref<32x1024xf32, #tpu.memory_space<vmem>>, vector<16xf32>,
      tpu.vector_store %arg14[%swap3A_974, %swap3A_975], %broadcast_in_dim3A_1 {strides = array<i32>} : memref<32x1024xf32, #tpu.memory_space<vmem>>, vector<16xf32>,
      %swap3A_977 = arith.index_cast %scan3A_826 : i32 to index
      %swap3A_978 = arith.constant 800 : index
      %swap3A_979 = tpu.vector_load %arg14[%swap3A_977, %swap3A_978] {strides = array<i32>} : memref<32x1024xf32, #tpu.memory_space<vmem>>, vector<16xf32>,
      tpu.vector_store %arg14[%swap3A_977, %swap3A_978], %broadcast_in_dim3A_1 {strides = array<i32>} : memref<32x1024xf32, #tpu.memory_space<vmem>>, vector<16xf32>,
      %swap3A_980 = arith.index_cast %scan3A_826 : i32 to index
      %swap3A_981 = arith.constant 816 : index
      %swap3A_982 = tpu.vector_load %arg14[%swap3A_980, %swap3A_981] {strides = array<i32>} : memref<32x1024xf32, #tpu.memory_space<vmem>>, vector<16xf32>,
      tpu.vector_store %arg14[%swap3A_980, %swap3A_981], %broadcast_in_dim3A_1 {strides = array<i32>} : memref<32x1024xf32, #tpu.memory_space<vmem>>, vector<16xf32>,
      %swap3A_983 = arith.index_cast %scan3A_826 : i32 to index
      %swap3A_984 = arith.constant 832 : index
      %swap3A_985 = tpu.vector_load %arg14[%swap3A_983, %swap3A_984] {strides = array<i32>} : memref<32x1024xf32, #tpu.memory_space<vmem>>, vector<16xf32>,
      tpu.vector_store %arg14[%swap3A_983, %swap3A_984], %broadcast_in_dim3A_1 {strides = array<i32>} : memref<32x1024xf32, #tpu.memory_space<vmem>>, vector<16xf32>,
      %swap3A_986 = arith.index_cast %scan3A_826 : i32 to index
      %swap3A_987 = arith.constant 848 : index
      %swap3A_988 = tpu.vector_load %arg14[%swap3A_986, %swap3A_987] {strides = array<i32>} : memref<32x1024xf32, #tpu.memory_space<vmem>>, vector<16xf32>,
      tpu.vector_store %arg14[%swap3A_986, %swap3A_987], %broadcast_in_dim3A_1 {strides = array<i32>} : memref<32x1024xf32, #tpu.memory_space<vmem>>, vector<16xf32>,
      %swap3A_989 = arith.index_cast %scan3A_826 : i32 to index
      %swap3A_990 = arith.constant 864 : index
      %swap3A_991 = tpu.vector_load %arg14[%swap3A_989, %swap3A_990] {strides = array<i32>} : memref<32x1024xf32, #tpu.memory_space<vmem>>, vector<16xf32>,
      tpu.vector_store %arg14[%swap3A_989, %swap3A_990], %broadcast_in_dim3A_1 {strides = array<i32>} : memref<32x1024xf32, #tpu.memory_space<vmem>>, vector<16xf32>,
      %swap3A_992 = arith.index_cast %scan3A_826 : i32 to index
      %swap3A_993 = arith.constant 880 : index
      %swap3A_994 = tpu.vector_load %arg14[%swap3A_992, %swap3A_993] {strides = array<i32>} : memref<32x1024xf32, #tpu.memory_space<vmem>>, vector<16xf32>,
      tpu.vector_store %arg14[%swap3A_992, %swap3A_993], %broadcast_in_dim3A_1 {strides = array<i32>} : memref<32x1024xf32, #tpu.memory_space<vmem>>, vector<16xf32>,
      %swap3A_995 = arith.index_cast %scan3A_826 : i32 to index
      %swap3A_996 = arith.constant 896 : index
      %swap3A_997 = tpu.vector_load %arg14[%swap3A_995, %swap3A_996] {strides = array<i32>} : memref<32x1024xf32, #tpu.memory_space<vmem>>, vector<16xf32>,
      tpu.vector_store %arg14[%swap3A_995, %swap3A_996], %broadcast_in_dim3A_1 {strides = array<i32>} : memref<32x1024xf32, #tpu.memory_space<vmem>>, vector<16xf32>,
      %swap3A_998 = arith.index_cast %scan3A_826 : i32 to index
      %swap3A_999 = arith.constant 912 : index
      %swap3A_1000 = tpu.vector_load %arg14[%swap3A_998, %swap3A_999] {strides = array<i32>} : memref<32x1024xf32, #tpu.memory_space<vmem>>, vector<16xf32>,
      tpu.vector_store %arg14[%swap3A_998, %swap3A_999], %broadcast_in_dim3A_1 {strides = array<i32>} : memref<32x1024xf32, #tpu.memory_space<vmem>>, vector<16xf32>,
      %swap3A_1001 = arith.index_cast %scan3A_826 : i32 to index
      %swap3A_1002 = arith.constant 928 : index
      %swap3A_1003 = tpu.vector_load %arg14[%swap3A_1001, %swap3A_1002] {strides = array<i32>} : memref<32x1024xf32, #tpu.memory_space<vmem>>, vector<16xf32>,
      tpu.vector_store %arg14[%swap3A_1001, %swap3A_1002], %broadcast_in_dim3A_1 {strides = array<i32>} : memref<32x1024xf32, #tpu.memory_space<vmem>>, vector<16xf32>,
      %swap3A_1004 = arith.index_cast %scan3A_826 : i32 to index
      %swap3A_1005 = arith.constant 944 : index
      %swap3A_1006 = tpu.vector_load %arg14[%swap3A_1004, %swap3A_1005] {strides = array<i32>} : memref<32x1024xf32, #tpu.memory_space<vmem>>, vector<16xf32>,
      tpu.vector_store %arg14[%swap3A_1004, %swap3A_1005], %broadcast_in_dim3A_1 {strides = array<i32>} : memref<32x1024xf32, #tpu.memory_space<vmem>>, vector<16xf32>,
      %swap3A_1007 = arith.index_cast %scan3A_826 : i32 to index
      %swap3A_1008 = arith.constant 960 : index
      %swap3A_1009 = tpu.vector_load %arg14[%swap3A_1007, %swap3A_1008] {strides = array<i32>} : memref<32x1024xf32, #tpu.memory_space<vmem>>, vector<16xf32>,
      tpu.vector_store %arg14[%swap3A_1007, %swap3A_1008], %broadcast_in_dim3A_1 {strides = array<i32>} : memref<32x1024xf32, #tpu.memory_space<vmem>>, vector<16xf32>,
      %swap3A_1010 = arith.index_cast %scan3A_826 : i32 to index
      %swap3A_1011 = arith.constant 976 : index
      %swap3A_1012 = tpu.vector_load %arg14[%swap3A_1010, %swap3A_1011] {strides = array<i32>} : memref<32x1024xf32, #tpu.memory_space<vmem>>, vector<16xf32>,
      tpu.vector_store %arg14[%swap3A_1010, %swap3A_1011], %broadcast_in_dim3A_1 {strides = array<i32>} : memref<32x1024xf32, #tpu.memory_space<vmem>>, vector<16xf32>,
      %swap3A_1013 = arith.index_cast %scan3A_826 : i32 to index
      %swap3A_1014 = arith.constant 992 : index
      %swap3A_1015 = tpu.vector_load %arg14[%swap3A_1013, %swap3A_1014] {strides = array<i32>} : memref<32x1024xf32, #tpu.memory_space<vmem>>, vector<16xf32>,
      tpu.vector_store %arg14[%swap3A_1013, %swap3A_1014], %broadcast_in_dim3A_1 {strides = array<i32>} : memref<32x1024xf32, #tpu.memory_space<vmem>>, vector<16xf32>,
      %swap3A_1016 = arith.index_cast %scan3A_826 : i32 to index
      %swap3A_1017 = arith.constant 1008 : index
      %swap3A_1018 = tpu.vector_load %arg14[%swap3A_1016, %swap3A_1017] {strides = array<i32>} : memref<32x1024xf32, #tpu.memory_space<vmem>>, vector<16xf32>,
      tpu.vector_store %arg14[%swap3A_1016, %swap3A_1017], %broadcast_in_dim3A_1 {strides = array<i32>} : memref<32x1024xf32, #tpu.memory_space<vmem>>, vector<16xf32>,
      %scan3A_1019 = arith.constant 0 : i32
      scf.yield %scan3A_1019 : i32
    }
    %scan3A_24 = arith.constant 32 : i32
    %scan3A_25 = arith.constant 0 : i32
    %scan3A_26 = arith.constant 0 : i32
    %scan3A_27 = arith.constant 32 : i32
    %scan3A_28 = arith.addi %scan3A_26, %scan3A_27 : i32
    %scan3A_29 = arith.constant 1 : i32
    %scan3A_30 = scf.for %scan3A_826 = %scan3A_26 to %scan3A_28 step %scan3A_29 iter_args(%scan3A_827 = %scan3A_25) -> (i32)  : i32 {
      %swap3A = arith.index_cast %scan3A_826 : i32 to index
      %swap3A_828 = arith.constant 0 : index
      %swap3A_829 = tpu.vector_load %arg13[%swap3A, %swap3A_828] {strides = array<i32>} : memref<32x256xf32, #tpu.memory_space<vmem>>, vector<16xf32>,
      tpu.vector_store %arg13[%swap3A, %swap3A_828], %broadcast_in_dim3A_1 {strides = array<i32>} : memref<32x256xf32, #tpu.memory_space<vmem>>, vector<16xf32>,
      %swap3A_830 = arith.index_cast %scan3A_826 : i32 to index
      %swap3A_831 = arith.constant 16 : index
      %swap3A_832 = tpu.vector_load %arg13[%swap3A_830, %swap3A_831] {strides = array<i32>} : memref<32x256xf32, #tpu.memory_space<vmem>>, vector<16xf32>,
      tpu.vector_store %arg13[%swap3A_830, %swap3A_831], %broadcast_in_dim3A_1 {strides = array<i32>} : memref<32x256xf32, #tpu.memory_space<vmem>>, vector<16xf32>,
      %swap3A_833 = arith.index_cast %scan3A_826 : i32 to index
      %swap3A_834 = arith.constant 32 : index
      %swap3A_835 = tpu.vector_load %arg13[%swap3A_833, %swap3A_834] {strides = array<i32>} : memref<32x256xf32, #tpu.memory_space<vmem>>, vector<16xf32>,
      tpu.vector_store %arg13[%swap3A_833, %swap3A_834], %broadcast_in_dim3A_1 {strides = array<i32>} : memref<32x256xf32, #tpu.memory_space<vmem>>, vector<16xf32>,
      %swap3A_836 = arith.index_cast %scan3A_826 : i32 to index
      %swap3A_837 = arith.constant 48 : index
      %swap3A_838 = tpu.vector_load %arg13[%swap3A_836, %swap3A_837] {strides = array<i32>} : memref<32x256xf32, #tpu.memory_space<vmem>>, vector<16xf32>,
      tpu.vector_store %arg13[%swap3A_836, %swap3A_837], %broadcast_in_dim3A_1 {strides = array<i32>} : memref<32x256xf32, #tpu.memory_space<vmem>>, vector<16xf32>,
      %swap3A_839 = arith.index_cast %scan3A_826 : i32 to index
      %swap3A_840 = arith.constant 64 : index
      %swap3A_841 = tpu.vector_load %arg13[%swap3A_839, %swap3A_840] {strides = array<i32>} : memref<32x256xf32, #tpu.memory_space<vmem>>, vector<16xf32>,
      tpu.vector_store %arg13[%swap3A_839, %swap3A_840], %broadcast_in_dim3A_1 {strides = array<i32>} : memref<32x256xf32, #tpu.memory_space<vmem>>, vector<16xf32>,
      %swap3A_842 = arith.index_cast %scan3A_826 : i32 to index
      %swap3A_843 = arith.constant 80 : index
      %swap3A_844 = tpu.vector_load %arg13[%swap3A_842, %swap3A_843] {strides = array<i32>} : memref<32x256xf32, #tpu.memory_space<vmem>>, vector<16xf32>,
      tpu.vector_store %arg13[%swap3A_842, %swap3A_843], %broadcast_in_dim3A_1 {strides = array<i32>} : memref<32x256xf32, #tpu.memory_space<vmem>>, vector<16xf32>,
      %swap3A_845 = arith.index_cast %scan3A_826 : i32 to index
      %swap3A_846 = arith.constant 96 : index
      %swap3A_847 = tpu.vector_load %arg13[%swap3A_845, %swap3A_846] {strides = array<i32>} : memref<32x256xf32, #tpu.memory_space<vmem>>, vector<16xf32>,
      tpu.vector_store %arg13[%swap3A_845, %swap3A_846], %broadcast_in_dim3A_1 {strides = array<i32>} : memref<32x256xf32, #tpu.memory_space<vmem>>, vector<16xf32>,
      %swap3A_848 = arith.index_cast %scan3A_826 : i32 to index
      %swap3A_849 = arith.constant 112 : index
      %swap3A_850 = tpu.vector_load %arg13[%swap3A_848, %swap3A_849] {strides = array<i32>} : memref<32x256xf32, #tpu.memory_space<vmem>>, vector<16xf32>,
      tpu.vector_store %arg13[%swap3A_848, %swap3A_849], %broadcast_in_dim3A_1 {strides = array<i32>} : memref<32x256xf32, #tpu.memory_space<vmem>>, vector<16xf32>,
      %swap3A_851 = arith.index_cast %scan3A_826 : i32 to index
      %swap3A_852 = arith.constant 128 : index
      %swap3A_853 = tpu.vector_load %arg13[%swap3A_851, %swap3A_852] {strides = array<i32>} : memref<32x256xf32, #tpu.memory_space<vmem>>, vector<16xf32>,
      tpu.vector_store %arg13[%swap3A_851, %swap3A_852], %broadcast_in_dim3A_1 {strides = array<i32>} : memref<32x256xf32, #tpu.memory_space<vmem>>, vector<16xf32>,
      %swap3A_854 = arith.index_cast %scan3A_826 : i32 to index
      %swap3A_855 = arith.constant 144 : index
      %swap3A_856 = tpu.vector_load %arg13[%swap3A_854, %swap3A_855] {strides = array<i32>} : memref<32x256xf32, #tpu.memory_space<vmem>>, vector<16xf32>,
      tpu.vector_store %arg13[%swap3A_854, %swap3A_855], %broadcast_in_dim3A_1 {strides = array<i32>} : memref<32x256xf32, #tpu.memory_space<vmem>>, vector<16xf32>,
      %swap3A_857 = arith.index_cast %scan3A_826 : i32 to index
      %swap3A_858 = arith.constant 160 : index
      %swap3A_859 = tpu.vector_load %arg13[%swap3A_857, %swap3A_858] {strides = array<i32>} : memref<32x256xf32, #tpu.memory_space<vmem>>, vector<16xf32>,
      tpu.vector_store %arg13[%swap3A_857, %swap3A_858], %broadcast_in_dim3A_1 {strides = array<i32>} : memref<32x256xf32, #tpu.memory_space<vmem>>, vector<16xf32>,
      %swap3A_860 = arith.index_cast %scan3A_826 : i32 to index
      %swap3A_861 = arith.constant 176 : index
      %swap3A_862 = tpu.vector_load %arg13[%swap3A_860, %swap3A_861] {strides = array<i32>} : memref<32x256xf32, #tpu.memory_space<vmem>>, vector<16xf32>,
      tpu.vector_store %arg13[%swap3A_860, %swap3A_861], %broadcast_in_dim3A_1 {strides = array<i32>} : memref<32x256xf32, #tpu.memory_space<vmem>>, vector<16xf32>,
      %swap3A_863 = arith.index_cast %scan3A_826 : i32 to index
      %swap3A_864 = arith.constant 192 : index
      %swap3A_865 = tpu.vector_load %arg13[%swap3A_863, %swap3A_864] {strides = array<i32>} : memref<32x256xf32, #tpu.memory_space<vmem>>, vector<16xf32>,
      tpu.vector_store %arg13[%swap3A_863, %swap3A_864], %broadcast_in_dim3A_1 {strides = array<i32>} : memref<32x256xf32, #tpu.memory_space<vmem>>, vector<16xf32>,
      %swap3A_866 = arith.index_cast %scan3A_826 : i32 to index
      %swap3A_867 = arith.constant 208 : index
      %swap3A_868 = tpu.vector_load %arg13[%swap3A_866, %swap3A_867] {strides = array<i32>} : memref<32x256xf32, #tpu.memory_space<vmem>>, vector<16xf32>,
      tpu.vector_store %arg13[%swap3A_866, %swap3A_867], %broadcast_in_dim3A_1 {strides = array<i32>} : memref<32x256xf32, #tpu.memory_space<vmem>>, vector<16xf32>,
      %swap3A_869 = arith.index_cast %scan3A_826 : i32 to index
      %swap3A_870 = arith.constant 224 : index
      %swap3A_871 = tpu.vector_load %arg13[%swap3A_869, %swap3A_870] {strides = array<i32>} : memref<32x256xf32, #tpu.memory_space<vmem>>, vector<16xf32>,
      tpu.vector_store %arg13[%swap3A_869, %swap3A_870], %broadcast_in_dim3A_1 {strides = array<i32>} : memref<32x256xf32, #tpu.memory_space<vmem>>, vector<16xf32>,
      %swap3A_872 = arith.index_cast %scan3A_826 : i32 to index
      %swap3A_873 = arith.constant 240 : index
      %swap3A_874 = tpu.vector_load %arg13[%swap3A_872, %swap3A_873] {strides = array<i32>} : memref<32x256xf32, #tpu.memory_space<vmem>>, vector<16xf32>,
      tpu.vector_store %arg13[%swap3A_872, %swap3A_873], %broadcast_in_dim3A_1 {strides = array<i32>} : memref<32x256xf32, #tpu.memory_space<vmem>>, vector<16xf32>,
      %scan3A_875 = arith.constant 0 : i32
      scf.yield %scan3A_875 : i32
    }
    %scan3A_31 = arith.constant 32 : i32
    %scan3A_32 = arith.constant 0 : i32
    %scan3A_33 = arith.constant 0 : i32
    %scan3A_34 = arith.constant 4 : i32
    %scan3A_35 = arith.addi %scan3A_33, %scan3A_34 : i32
    %scan3A_36 = arith.constant 1 : i32
    %scan3A_37 = scf.for %scan3A_826 = %scan3A_33 to %scan3A_35 step %scan3A_36 iter_args(%scan3A_827 = %scan3A_32) -> (i32)  : i32 {
      %swap3A = arith.index_cast %scan3A_826 : i32 to index
      %swap3A_828 = arith.constant 0 : index
      %swap3A_829 = tpu.vector_load %arg15[%swap3A, %swap3A_828] {strides = array<i32>} : memref<4x1024xf32, #tpu.memory_space<vmem>>, vector<16xf32>,
      tpu.vector_store %arg15[%swap3A, %swap3A_828], %broadcast_in_dim3A_1 {strides = array<i32>} : memref<4x1024xf32, #tpu.memory_space<vmem>>, vector<16xf32>,
      %swap3A_830 = arith.index_cast %scan3A_826 : i32 to index
      %swap3A_831 = arith.constant 16 : index
      %swap3A_832 = tpu.vector_load %arg15[%swap3A_830, %swap3A_831] {strides = array<i32>} : memref<4x1024xf32, #tpu.memory_space<vmem>>, vector<16xf32>,
      tpu.vector_store %arg15[%swap3A_830, %swap3A_831], %broadcast_in_dim3A_1 {strides = array<i32>} : memref<4x1024xf32, #tpu.memory_space<vmem>>, vector<16xf32>,
      %swap3A_833 = arith.index_cast %scan3A_826 : i32 to index
      %swap3A_834 = arith.constant 32 : index
      %swap3A_835 = tpu.vector_load %arg15[%swap3A_833, %swap3A_834] {strides = array<i32>} : memref<4x1024xf32, #tpu.memory_space<vmem>>, vector<16xf32>,
      tpu.vector_store %arg15[%swap3A_833, %swap3A_834], %broadcast_in_dim3A_1 {strides = array<i32>} : memref<4x1024xf32, #tpu.memory_space<vmem>>, vector<16xf32>,
      %swap3A_836 = arith.index_cast %scan3A_826 : i32 to index
      %swap3A_837 = arith.constant 48 : index
      %swap3A_838 = tpu.vector_load %arg15[%swap3A_836, %swap3A_837] {strides = array<i32>} : memref<4x1024xf32, #tpu.memory_space<vmem>>, vector<16xf32>,
      tpu.vector_store %arg15[%swap3A_836, %swap3A_837], %broadcast_in_dim3A_1 {strides = array<i32>} : memref<4x1024xf32, #tpu.memory_space<vmem>>, vector<16xf32>,
      %swap3A_839 = arith.index_cast %scan3A_826 : i32 to index
      %swap3A_840 = arith.constant 64 : index
      %swap3A_841 = tpu.vector_load %arg15[%swap3A_839, %swap3A_840] {strides = array<i32>} : memref<4x1024xf32, #tpu.memory_space<vmem>>, vector<16xf32>,
      tpu.vector_store %arg15[%swap3A_839, %swap3A_840], %broadcast_in_dim3A_1 {strides = array<i32>} : memref<4x1024xf32, #tpu.memory_space<vmem>>, vector<16xf32>,
      %swap3A_842 = arith.index_cast %scan3A_826 : i32 to index
      %swap3A_843 = arith.constant 80 : index
      %swap3A_844 = tpu.vector_load %arg15[%swap3A_842, %swap3A_843] {strides = array<i32>} : memref<4x1024xf32, #tpu.memory_space<vmem>>, vector<16xf32>,
      tpu.vector_store %arg15[%swap3A_842, %swap3A_843], %broadcast_in_dim3A_1 {strides = array<i32>} : memref<4x1024xf32, #tpu.memory_space<vmem>>, vector<16xf32>,
      %swap3A_845 = arith.index_cast %scan3A_826 : i32 to index
      %swap3A_846 = arith.constant 96 : index
      %swap3A_847 = tpu.vector_load %arg15[%swap3A_845, %swap3A_846] {strides = array<i32>} : memref<4x1024xf32, #tpu.memory_space<vmem>>, vector<16xf32>,
      tpu.vector_store %arg15[%swap3A_845, %swap3A_846], %broadcast_in_dim3A_1 {strides = array<i32>} : memref<4x1024xf32, #tpu.memory_space<vmem>>, vector<16xf32>,
      %swap3A_848 = arith.index_cast %scan3A_826 : i32 to index
      %swap3A_849 = arith.constant 112 : index
      %swap3A_850 = tpu.vector_load %arg15[%swap3A_848, %swap3A_849] {strides = array<i32>} : memref<4x1024xf32, #tpu.memory_space<vmem>>, vector<16xf32>,
      tpu.vector_store %arg15[%swap3A_848, %swap3A_849], %broadcast_in_dim3A_1 {strides = array<i32>} : memref<4x1024xf32, #tpu.memory_space<vmem>>, vector<16xf32>,
      %swap3A_851 = arith.index_cast %scan3A_826 : i32 to index
      %swap3A_852 = arith.constant 128 : index
      %swap3A_853 = tpu.vector_load %arg15[%swap3A_851, %swap3A_852] {strides = array<i32>} : memref<4x1024xf32, #tpu.memory_space<vmem>>, vector<16xf32>,
      tpu.vector_store %arg15[%swap3A_851, %swap3A_852], %broadcast_in_dim3A_1 {strides = array<i32>} : memref<4x1024xf32, #tpu.memory_space<vmem>>, vector<16xf32>,
      %swap3A_854 = arith.index_cast %scan3A_826 : i32 to index
      %swap3A_855 = arith.constant 144 : index
      %swap3A_856 = tpu.vector_load %arg15[%swap3A_854, %swap3A_855] {strides = array<i32>} : memref<4x1024xf32, #tpu.memory_space<vmem>>, vector<16xf32>,
      tpu.vector_store %arg15[%swap3A_854, %swap3A_855], %broadcast_in_dim3A_1 {strides = array<i32>} : memref<4x1024xf32, #tpu.memory_space<vmem>>, vector<16xf32>,
      %swap3A_857 = arith.index_cast %scan3A_826 : i32 to index
      %swap3A_858 = arith.constant 160 : index
      %swap3A_859 = tpu.vector_load %arg15[%swap3A_857, %swap3A_858] {strides = array<i32>} : memref<4x1024xf32, #tpu.memory_space<vmem>>, vector<16xf32>,
      tpu.vector_store %arg15[%swap3A_857, %swap3A_858], %broadcast_in_dim3A_1 {strides = array<i32>} : memref<4x1024xf32, #tpu.memory_space<vmem>>, vector<16xf32>,
      %swap3A_860 = arith.index_cast %scan3A_826 : i32 to index
      %swap3A_861 = arith.constant 176 : index
      %swap3A_862 = tpu.vector_load %arg15[%swap3A_860, %swap3A_861] {strides = array<i32>} : memref<4x1024xf32, #tpu.memory_space<vmem>>, vector<16xf32>,
      tpu.vector_store %arg15[%swap3A_860, %swap3A_861], %broadcast_in_dim3A_1 {strides = array<i32>} : memref<4x1024xf32, #tpu.memory_space<vmem>>, vector<16xf32>,
      %swap3A_863 = arith.index_cast %scan3A_826 : i32 to index
      %swap3A_864 = arith.constant 192 : index
      %swap3A_865 = tpu.vector_load %arg15[%swap3A_863, %swap3A_864] {strides = array<i32>} : memref<4x1024xf32, #tpu.memory_space<vmem>>, vector<16xf32>,
      tpu.vector_store %arg15[%swap3A_863, %swap3A_864], %broadcast_in_dim3A_1 {strides = array<i32>} : memref<4x1024xf32, #tpu.memory_space<vmem>>, vector<16xf32>,
      %swap3A_866 = arith.index_cast %scan3A_826 : i32 to index
      %swap3A_867 = arith.constant 208 : index
      %swap3A_868 = tpu.vector_load %arg15[%swap3A_866, %swap3A_867] {strides = array<i32>} : memref<4x1024xf32, #tpu.memory_space<vmem>>, vector<16xf32>,
      tpu.vector_store %arg15[%swap3A_866, %swap3A_867], %broadcast_in_dim3A_1 {strides = array<i32>} : memref<4x1024xf32, #tpu.memory_space<vmem>>, vector<16xf32>,
      %swap3A_869 = arith.index_cast %scan3A_826 : i32 to index
      %swap3A_870 = arith.constant 224 : index
      %swap3A_871 = tpu.vector_load %arg15[%swap3A_869, %swap3A_870] {strides = array<i32>} : memref<4x1024xf32, #tpu.memory_space<vmem>>, vector<16xf32>,
      tpu.vector_store %arg15[%swap3A_869, %swap3A_870], %broadcast_in_dim3A_1 {strides = array<i32>} : memref<4x1024xf32, #tpu.memory_space<vmem>>, vector<16xf32>,
      %swap3A_872 = arith.index_cast %scan3A_826 : i32 to index
      %swap3A_873 = arith.constant 240 : index
      %swap3A_874 = tpu.vector_load %arg15[%swap3A_872, %swap3A_873] {strides = array<i32>} : memref<4x1024xf32, #tpu.memory_space<vmem>>, vector<16xf32>,
      tpu.vector_store %arg15[%swap3A_872, %swap3A_873], %broadcast_in_dim3A_1 {strides = array<i32>} : memref<4x1024xf32, #tpu.memory_space<vmem>>, vector<16xf32>,
      %swap3A_875 = arith.index_cast %scan3A_826 : i32 to index
      %swap3A_876 = arith.constant 256 : index
      %swap3A_877 = tpu.vector_load %arg15[%swap3A_875, %swap3A_876] {strides = array<i32>} : memref<4x1024xf32, #tpu.memory_space<vmem>>, vector<16xf32>,
      tpu.vector_store %arg15[%swap3A_875, %swap3A_876], %broadcast_in_dim3A_1 {strides = array<i32>} : memref<4x1024xf32, #tpu.memory_space<vmem>>, vector<16xf32>,
      %swap3A_878 = arith.index_cast %scan3A_826 : i32 to index
      %swap3A_879 = arith.constant 272 : index
      %swap3A_880 = tpu.vector_load %arg15[%swap3A_878, %swap3A_879] {strides = array<i32>} : memref<4x1024xf32, #tpu.memory_space<vmem>>, vector<16xf32>,
      tpu.vector_store %arg15[%swap3A_878, %swap3A_879], %broadcast_in_dim3A_1 {strides = array<i32>} : memref<4x1024xf32, #tpu.memory_space<vmem>>, vector<16xf32>,
      %swap3A_881 = arith.index_cast %scan3A_826 : i32 to index
      %swap3A_882 = arith.constant 288 : index
      %swap3A_883 = tpu.vector_load %arg15[%swap3A_881, %swap3A_882] {strides = array<i32>} : memref<4x1024xf32, #tpu.memory_space<vmem>>, vector<16xf32>,
      tpu.vector_store %arg15[%swap3A_881, %swap3A_882], %broadcast_in_dim3A_1 {strides = array<i32>} : memref<4x1024xf32, #tpu.memory_space<vmem>>, vector<16xf32>,
      %swap3A_884 = arith.index_cast %scan3A_826 : i32 to index
      %swap3A_885 = arith.constant 304 : index
      %swap3A_886 = tpu.vector_load %arg15[%swap3A_884, %swap3A_885] {strides = array<i32>} : memref<4x1024xf32, #tpu.memory_space<vmem>>, vector<16xf32>,
      tpu.vector_store %arg15[%swap3A_884, %swap3A_885], %broadcast_in_dim3A_1 {strides = array<i32>} : memref<4x1024xf32, #tpu.memory_space<vmem>>, vector<16xf32>,
      %swap3A_887 = arith.index_cast %scan3A_826 : i32 to index
      %swap3A_888 = arith.constant 320 : index
      %swap3A_889 = tpu.vector_load %arg15[%swap3A_887, %swap3A_888] {strides = array<i32>} : memref<4x1024xf32, #tpu.memory_space<vmem>>, vector<16xf32>,
      tpu.vector_store %arg15[%swap3A_887, %swap3A_888], %broadcast_in_dim3A_1 {strides = array<i32>} : memref<4x1024xf32, #tpu.memory_space<vmem>>, vector<16xf32>,
      %swap3A_890 = arith.index_cast %scan3A_826 : i32 to index
      %swap3A_891 = arith.constant 336 : index
      %swap3A_892 = tpu.vector_load %arg15[%swap3A_890, %swap3A_891] {strides = array<i32>} : memref<4x1024xf32, #tpu.memory_space<vmem>>, vector<16xf32>,
      tpu.vector_store %arg15[%swap3A_890, %swap3A_891], %broadcast_in_dim3A_1 {strides = array<i32>} : memref<4x1024xf32, #tpu.memory_space<vmem>>, vector<16xf32>,
      %swap3A_893 = arith.index_cast %scan3A_826 : i32 to index
      %swap3A_894 = arith.constant 352 : index
      %swap3A_895 = tpu.vector_load %arg15[%swap3A_893, %swap3A_894] {strides = array<i32>} : memref<4x1024xf32, #tpu.memory_space<vmem>>, vector<16xf32>,
      tpu.vector_store %arg15[%swap3A_893, %swap3A_894], %broadcast_in_dim3A_1 {strides = array<i32>} : memref<4x1024xf32, #tpu.memory_space<vmem>>, vector<16xf32>,
      %swap3A_896 = arith.index_cast %scan3A_826 : i32 to index
      %swap3A_897 = arith.constant 368 : index
      %swap3A_898 = tpu.vector_load %arg15[%swap3A_896, %swap3A_897] {strides = array<i32>} : memref<4x1024xf32, #tpu.memory_space<vmem>>, vector<16xf32>,
      tpu.vector_store %arg15[%swap3A_896, %swap3A_897], %broadcast_in_dim3A_1 {strides = array<i32>} : memref<4x1024xf32, #tpu.memory_space<vmem>>, vector<16xf32>,
      %swap3A_899 = arith.index_cast %scan3A_826 : i32 to index
      %swap3A_900 = arith.constant 384 : index
      %swap3A_901 = tpu.vector_load %arg15[%swap3A_899, %swap3A_900] {strides = array<i32>} : memref<4x1024xf32, #tpu.memory_space<vmem>>, vector<16xf32>,
      tpu.vector_store %arg15[%swap3A_899, %swap3A_900], %broadcast_in_dim3A_1 {strides = array<i32>} : memref<4x1024xf32, #tpu.memory_space<vmem>>, vector<16xf32>,
      %swap3A_902 = arith.index_cast %scan3A_826 : i32 to index
      %swap3A_903 = arith.constant 400 : index
      %swap3A_904 = tpu.vector_load %arg15[%swap3A_902, %swap3A_903] {strides = array<i32>} : memref<4x1024xf32, #tpu.memory_space<vmem>>, vector<16xf32>,
      tpu.vector_store %arg15[%swap3A_902, %swap3A_903], %broadcast_in_dim3A_1 {strides = array<i32>} : memref<4x1024xf32, #tpu.memory_space<vmem>>, vector<16xf32>,
      %swap3A_905 = arith.index_cast %scan3A_826 : i32 to index
      %swap3A_906 = arith.constant 416 : index
      %swap3A_907 = tpu.vector_load %arg15[%swap3A_905, %swap3A_906] {strides = array<i32>} : memref<4x1024xf32, #tpu.memory_space<vmem>>, vector<16xf32>,
      tpu.vector_store %arg15[%swap3A_905, %swap3A_906], %broadcast_in_dim3A_1 {strides = array<i32>} : memref<4x1024xf32, #tpu.memory_space<vmem>>, vector<16xf32>,
      %swap3A_908 = arith.index_cast %scan3A_826 : i32 to index
      %swap3A_909 = arith.constant 432 : index
      %swap3A_910 = tpu.vector_load %arg15[%swap3A_908, %swap3A_909] {strides = array<i32>} : memref<4x1024xf32, #tpu.memory_space<vmem>>, vector<16xf32>,
      tpu.vector_store %arg15[%swap3A_908, %swap3A_909], %broadcast_in_dim3A_1 {strides = array<i32>} : memref<4x1024xf32, #tpu.memory_space<vmem>>, vector<16xf32>,
      %swap3A_911 = arith.index_cast %scan3A_826 : i32 to index
      %swap3A_912 = arith.constant 448 : index
      %swap3A_913 = tpu.vector_load %arg15[%swap3A_911, %swap3A_912] {strides = array<i32>} : memref<4x1024xf32, #tpu.memory_space<vmem>>, vector<16xf32>,
      tpu.vector_store %arg15[%swap3A_911, %swap3A_912], %broadcast_in_dim3A_1 {strides = array<i32>} : memref<4x1024xf32, #tpu.memory_space<vmem>>, vector<16xf32>,
      %swap3A_914 = arith.index_cast %scan3A_826 : i32 to index
      %swap3A_915 = arith.constant 464 : index
      %swap3A_916 = tpu.vector_load %arg15[%swap3A_914, %swap3A_915] {strides = array<i32>} : memref<4x1024xf32, #tpu.memory_space<vmem>>, vector<16xf32>,
      tpu.vector_store %arg15[%swap3A_914, %swap3A_915], %broadcast_in_dim3A_1 {strides = array<i32>} : memref<4x1024xf32, #tpu.memory_space<vmem>>, vector<16xf32>,
      %swap3A_917 = arith.index_cast %scan3A_826 : i32 to index
      %swap3A_918 = arith.constant 480 : index
      %swap3A_919 = tpu.vector_load %arg15[%swap3A_917, %swap3A_918] {strides = array<i32>} : memref<4x1024xf32, #tpu.memory_space<vmem>>, vector<16xf32>,
      tpu.vector_store %arg15[%swap3A_917, %swap3A_918], %broadcast_in_dim3A_1 {strides = array<i32>} : memref<4x1024xf32, #tpu.memory_space<vmem>>, vector<16xf32>,
      %swap3A_920 = arith.index_cast %scan3A_826 : i32 to index
      %swap3A_921 = arith.constant 496 : index
      %swap3A_922 = tpu.vector_load %arg15[%swap3A_920, %swap3A_921] {strides = array<i32>} : memref<4x1024xf32, #tpu.memory_space<vmem>>, vector<16xf32>,
      tpu.vector_store %arg15[%swap3A_920, %swap3A_921], %broadcast_in_dim3A_1 {strides = array<i32>} : memref<4x1024xf32, #tpu.memory_space<vmem>>, vector<16xf32>,
      %swap3A_923 = arith.index_cast %scan3A_826 : i32 to index
      %swap3A_924 = arith.constant 512 : index
      %swap3A_925 = tpu.vector_load %arg15[%swap3A_923, %swap3A_924] {strides = array<i32>} : memref<4x1024xf32, #tpu.memory_space<vmem>>, vector<16xf32>,
      tpu.vector_store %arg15[%swap3A_923, %swap3A_924], %broadcast_in_dim3A_1 {strides = array<i32>} : memref<4x1024xf32, #tpu.memory_space<vmem>>, vector<16xf32>,
      %swap3A_926 = arith.index_cast %scan3A_826 : i32 to index
      %swap3A_927 = arith.constant 528 : index
      %swap3A_928 = tpu.vector_load %arg15[%swap3A_926, %swap3A_927] {strides = array<i32>} : memref<4x1024xf32, #tpu.memory_space<vmem>>, vector<16xf32>,
      tpu.vector_store %arg15[%swap3A_926, %swap3A_927], %broadcast_in_dim3A_1 {strides = array<i32>} : memref<4x1024xf32, #tpu.memory_space<vmem>>, vector<16xf32>,
      %swap3A_929 = arith.index_cast %scan3A_826 : i32 to index
      %swap3A_930 = arith.constant 544 : index
      %swap3A_931 = tpu.vector_load %arg15[%swap3A_929, %swap3A_930] {strides = array<i32>} : memref<4x1024xf32, #tpu.memory_space<vmem>>, vector<16xf32>,
      tpu.vector_store %arg15[%swap3A_929, %swap3A_930], %broadcast_in_dim3A_1 {strides = array<i32>} : memref<4x1024xf32, #tpu.memory_space<vmem>>, vector<16xf32>,
      %swap3A_932 = arith.index_cast %scan3A_826 : i32 to index
      %swap3A_933 = arith.constant 560 : index
      %swap3A_934 = tpu.vector_load %arg15[%swap3A_932, %swap3A_933] {strides = array<i32>} : memref<4x1024xf32, #tpu.memory_space<vmem>>, vector<16xf32>,
      tpu.vector_store %arg15[%swap3A_932, %swap3A_933], %broadcast_in_dim3A_1 {strides = array<i32>} : memref<4x1024xf32, #tpu.memory_space<vmem>>, vector<16xf32>,
      %swap3A_935 = arith.index_cast %scan3A_826 : i32 to index
      %swap3A_936 = arith.constant 576 : index
      %swap3A_937 = tpu.vector_load %arg15[%swap3A_935, %swap3A_936] {strides = array<i32>} : memref<4x1024xf32, #tpu.memory_space<vmem>>, vector<16xf32>,
      tpu.vector_store %arg15[%swap3A_935, %swap3A_936], %broadcast_in_dim3A_1 {strides = array<i32>} : memref<4x1024xf32, #tpu.memory_space<vmem>>, vector<16xf32>,
      %swap3A_938 = arith.index_cast %scan3A_826 : i32 to index
      %swap3A_939 = arith.constant 592 : index
      %swap3A_940 = tpu.vector_load %arg15[%swap3A_938, %swap3A_939] {strides = array<i32>} : memref<4x1024xf32, #tpu.memory_space<vmem>>, vector<16xf32>,
      tpu.vector_store %arg15[%swap3A_938, %swap3A_939], %broadcast_in_dim3A_1 {strides = array<i32>} : memref<4x1024xf32, #tpu.memory_space<vmem>>, vector<16xf32>,
      %swap3A_941 = arith.index_cast %scan3A_826 : i32 to index
      %swap3A_942 = arith.constant 608 : index
      %swap3A_943 = tpu.vector_load %arg15[%swap3A_941, %swap3A_942] {strides = array<i32>} : memref<4x1024xf32, #tpu.memory_space<vmem>>, vector<16xf32>,
      tpu.vector_store %arg15[%swap3A_941, %swap3A_942], %broadcast_in_dim3A_1 {strides = array<i32>} : memref<4x1024xf32, #tpu.memory_space<vmem>>, vector<16xf32>,
      %swap3A_944 = arith.index_cast %scan3A_826 : i32 to index
      %swap3A_945 = arith.constant 624 : index
      %swap3A_946 = tpu.vector_load %arg15[%swap3A_944, %swap3A_945] {strides = array<i32>} : memref<4x1024xf32, #tpu.memory_space<vmem>>, vector<16xf32>,
      tpu.vector_store %arg15[%swap3A_944, %swap3A_945], %broadcast_in_dim3A_1 {strides = array<i32>} : memref<4x1024xf32, #tpu.memory_space<vmem>>, vector<16xf32>,
      %swap3A_947 = arith.index_cast %scan3A_826 : i32 to index
      %swap3A_948 = arith.constant 640 : index
      %swap3A_949 = tpu.vector_load %arg15[%swap3A_947, %swap3A_948] {strides = array<i32>} : memref<4x1024xf32, #tpu.memory_space<vmem>>, vector<16xf32>,
      tpu.vector_store %arg15[%swap3A_947, %swap3A_948], %broadcast_in_dim3A_1 {strides = array<i32>} : memref<4x1024xf32, #tpu.memory_space<vmem>>, vector<16xf32>,
      %swap3A_950 = arith.index_cast %scan3A_826 : i32 to index
      %swap3A_951 = arith.constant 656 : index
      %swap3A_952 = tpu.vector_load %arg15[%swap3A_950, %swap3A_951] {strides = array<i32>} : memref<4x1024xf32, #tpu.memory_space<vmem>>, vector<16xf32>,
      tpu.vector_store %arg15[%swap3A_950, %swap3A_951], %broadcast_in_dim3A_1 {strides = array<i32>} : memref<4x1024xf32, #tpu.memory_space<vmem>>, vector<16xf32>,
      %swap3A_953 = arith.index_cast %scan3A_826 : i32 to index
      %swap3A_954 = arith.constant 672 : index
      %swap3A_955 = tpu.vector_load %arg15[%swap3A_953, %swap3A_954] {strides = array<i32>} : memref<4x1024xf32, #tpu.memory_space<vmem>>, vector<16xf32>,
      tpu.vector_store %arg15[%swap3A_953, %swap3A_954], %broadcast_in_dim3A_1 {strides = array<i32>} : memref<4x1024xf32, #tpu.memory_space<vmem>>, vector<16xf32>,
      %swap3A_956 = arith.index_cast %scan3A_826 : i32 to index
      %swap3A_957 = arith.constant 688 : index
      %swap3A_958 = tpu.vector_load %arg15[%swap3A_956, %swap3A_957] {strides = array<i32>} : memref<4x1024xf32, #tpu.memory_space<vmem>>, vector<16xf32>,
      tpu.vector_store %arg15[%swap3A_956, %swap3A_957], %broadcast_in_dim3A_1 {strides = array<i32>} : memref<4x1024xf32, #tpu.memory_space<vmem>>, vector<16xf32>,
      %swap3A_959 = arith.index_cast %scan3A_826 : i32 to index
      %swap3A_960 = arith.constant 704 : index
      %swap3A_961 = tpu.vector_load %arg15[%swap3A_959, %swap3A_960] {strides = array<i32>} : memref<4x1024xf32, #tpu.memory_space<vmem>>, vector<16xf32>,
      tpu.vector_store %arg15[%swap3A_959, %swap3A_960], %broadcast_in_dim3A_1 {strides = array<i32>} : memref<4x1024xf32, #tpu.memory_space<vmem>>, vector<16xf32>,
      %swap3A_962 = arith.index_cast %scan3A_826 : i32 to index
      %swap3A_963 = arith.constant 720 : index
      %swap3A_964 = tpu.vector_load %arg15[%swap3A_962, %swap3A_963] {strides = array<i32>} : memref<4x1024xf32, #tpu.memory_space<vmem>>, vector<16xf32>,
      tpu.vector_store %arg15[%swap3A_962, %swap3A_963], %broadcast_in_dim3A_1 {strides = array<i32>} : memref<4x1024xf32, #tpu.memory_space<vmem>>, vector<16xf32>,
      %swap3A_965 = arith.index_cast %scan3A_826 : i32 to index
      %swap3A_966 = arith.constant 736 : index
      %swap3A_967 = tpu.vector_load %arg15[%swap3A_965, %swap3A_966] {strides = array<i32>} : memref<4x1024xf32, #tpu.memory_space<vmem>>, vector<16xf32>,
      tpu.vector_store %arg15[%swap3A_965, %swap3A_966], %broadcast_in_dim3A_1 {strides = array<i32>} : memref<4x1024xf32, #tpu.memory_space<vmem>>, vector<16xf32>,
      %swap3A_968 = arith.index_cast %scan3A_826 : i32 to index
      %swap3A_969 = arith.constant 752 : index
      %swap3A_970 = tpu.vector_load %arg15[%swap3A_968, %swap3A_969] {strides = array<i32>} : memref<4x1024xf32, #tpu.memory_space<vmem>>, vector<16xf32>,
      tpu.vector_store %arg15[%swap3A_968, %swap3A_969], %broadcast_in_dim3A_1 {strides = array<i32>} : memref<4x1024xf32, #tpu.memory_space<vmem>>, vector<16xf32>,
      %swap3A_971 = arith.index_cast %scan3A_826 : i32 to index
      %swap3A_972 = arith.constant 768 : index
      %swap3A_973 = tpu.vector_load %arg15[%swap3A_971, %swap3A_972] {strides = array<i32>} : memref<4x1024xf32, #tpu.memory_space<vmem>>, vector<16xf32>,
      tpu.vector_store %arg15[%swap3A_971, %swap3A_972], %broadcast_in_dim3A_1 {strides = array<i32>} : memref<4x1024xf32, #tpu.memory_space<vmem>>, vector<16xf32>,
      %swap3A_974 = arith.index_cast %scan3A_826 : i32 to index
      %swap3A_975 = arith.constant 784 : index
      %swap3A_976 = tpu.vector_load %arg15[%swap3A_974, %swap3A_975] {strides = array<i32>} : memref<4x1024xf32, #tpu.memory_space<vmem>>, vector<16xf32>,
      tpu.vector_store %arg15[%swap3A_974, %swap3A_975], %broadcast_in_dim3A_1 {strides = array<i32>} : memref<4x1024xf32, #tpu.memory_space<vmem>>, vector<16xf32>,
      %swap3A_977 = arith.index_cast %scan3A_826 : i32 to index
      %swap3A_978 = arith.constant 800 : index
      %swap3A_979 = tpu.vector_load %arg15[%swap3A_977, %swap3A_978] {strides = array<i32>} : memref<4x1024xf32, #tpu.memory_space<vmem>>, vector<16xf32>,
      tpu.vector_store %arg15[%swap3A_977, %swap3A_978], %broadcast_in_dim3A_1 {strides = array<i32>} : memref<4x1024xf32, #tpu.memory_space<vmem>>, vector<16xf32>,
      %swap3A_980 = arith.index_cast %scan3A_826 : i32 to index
      %swap3A_981 = arith.constant 816 : index
      %swap3A_982 = tpu.vector_load %arg15[%swap3A_980, %swap3A_981] {strides = array<i32>} : memref<4x1024xf32, #tpu.memory_space<vmem>>, vector<16xf32>,
      tpu.vector_store %arg15[%swap3A_980, %swap3A_981], %broadcast_in_dim3A_1 {strides = array<i32>} : memref<4x1024xf32, #tpu.memory_space<vmem>>, vector<16xf32>,
      %swap3A_983 = arith.index_cast %scan3A_826 : i32 to index
      %swap3A_984 = arith.constant 832 : index
      %swap3A_985 = tpu.vector_load %arg15[%swap3A_983, %swap3A_984] {strides = array<i32>} : memref<4x1024xf32, #tpu.memory_space<vmem>>, vector<16xf32>,
      tpu.vector_store %arg15[%swap3A_983, %swap3A_984], %broadcast_in_dim3A_1 {strides = array<i32>} : memref<4x1024xf32, #tpu.memory_space<vmem>>, vector<16xf32>,
      %swap3A_986 = arith.index_cast %scan3A_826 : i32 to index
      %swap3A_987 = arith.constant 848 : index
      %swap3A_988 = tpu.vector_load %arg15[%swap3A_986, %swap3A_987] {strides = array<i32>} : memref<4x1024xf32, #tpu.memory_space<vmem>>, vector<16xf32>,
      tpu.vector_store %arg15[%swap3A_986, %swap3A_987], %broadcast_in_dim3A_1 {strides = array<i32>} : memref<4x1024xf32, #tpu.memory_space<vmem>>, vector<16xf32>,
      %swap3A_989 = arith.index_cast %scan3A_826 : i32 to index
      %swap3A_990 = arith.constant 864 : index
      %swap3A_991 = tpu.vector_load %arg15[%swap3A_989, %swap3A_990] {strides = array<i32>} : memref<4x1024xf32, #tpu.memory_space<vmem>>, vector<16xf32>,
      tpu.vector_store %arg15[%swap3A_989, %swap3A_990], %broadcast_in_dim3A_1 {strides = array<i32>} : memref<4x1024xf32, #tpu.memory_space<vmem>>, vector<16xf32>,
      %swap3A_992 = arith.index_cast %scan3A_826 : i32 to index
      %swap3A_993 = arith.constant 880 : index
      %swap3A_994 = tpu.vector_load %arg15[%swap3A_992, %swap3A_993] {strides = array<i32>} : memref<4x1024xf32, #tpu.memory_space<vmem>>, vector<16xf32>,
      tpu.vector_store %arg15[%swap3A_992, %swap3A_993], %broadcast_in_dim3A_1 {strides = array<i32>} : memref<4x1024xf32, #tpu.memory_space<vmem>>, vector<16xf32>,
      %swap3A_995 = arith.index_cast %scan3A_826 : i32 to index
      %swap3A_996 = arith.constant 896 : index
      %swap3A_997 = tpu.vector_load %arg15[%swap3A_995, %swap3A_996] {strides = array<i32>} : memref<4x1024xf32, #tpu.memory_space<vmem>>, vector<16xf32>,
      tpu.vector_store %arg15[%swap3A_995, %swap3A_996], %broadcast_in_dim3A_1 {strides = array<i32>} : memref<4x1024xf32, #tpu.memory_space<vmem>>, vector<16xf32>,
      %swap3A_998 = arith.index_cast %scan3A_826 : i32 to index
      %swap3A_999 = arith.constant 912 : index
      %swap3A_1000 = tpu.vector_load %arg15[%swap3A_998, %swap3A_999] {strides = array<i32>} : memref<4x1024xf32, #tpu.memory_space<vmem>>, vector<16xf32>,
      tpu.vector_store %arg15[%swap3A_998, %swap3A_999], %broadcast_in_dim3A_1 {strides = array<i32>} : memref<4x1024xf32, #tpu.memory_space<vmem>>, vector<16xf32>,
      %swap3A_1001 = arith.index_cast %scan3A_826 : i32 to index
      %swap3A_1002 = arith.constant 928 : index
      %swap3A_1003 = tpu.vector_load %arg15[%swap3A_1001, %swap3A_1002] {strides = array<i32>} : memref<4x1024xf32, #tpu.memory_space<vmem>>, vector<16xf32>,
      tpu.vector_store %arg15[%swap3A_1001, %swap3A_1002], %broadcast_in_dim3A_1 {strides = array<i32>} : memref<4x1024xf32, #tpu.memory_space<vmem>>, vector<16xf32>,
      %swap3A_1004 = arith.index_cast %scan3A_826 : i32 to index
      %swap3A_1005 = arith.constant 944 : index
      %swap3A_1006 = tpu.vector_load %arg15[%swap3A_1004, %swap3A_1005] {strides = array<i32>} : memref<4x1024xf32, #tpu.memory_space<vmem>>, vector<16xf32>,
      tpu.vector_store %arg15[%swap3A_1004, %swap3A_1005], %broadcast_in_dim3A_1 {strides = array<i32>} : memref<4x1024xf32, #tpu.memory_space<vmem>>, vector<16xf32>,
      %swap3A_1007 = arith.index_cast %scan3A_826 : i32 to index
      %swap3A_1008 = arith.constant 960 : index
      %swap3A_1009 = tpu.vector_load %arg15[%swap3A_1007, %swap3A_1008] {strides = array<i32>} : memref<4x1024xf32, #tpu.memory_space<vmem>>, vector<16xf32>,
      tpu.vector_store %arg15[%swap3A_1007, %swap3A_1008], %broadcast_in_dim3A_1 {strides = array<i32>} : memref<4x1024xf32, #tpu.memory_space<vmem>>, vector<16xf32>,
      %swap3A_1010 = arith.index_cast %scan3A_826 : i32 to index
      %swap3A_1011 = arith.constant 976 : index
      %swap3A_1012 = tpu.vector_load %arg15[%swap3A_1010, %swap3A_1011] {strides = array<i32>} : memref<4x1024xf32, #tpu.memory_space<vmem>>, vector<16xf32>,
      tpu.vector_store %arg15[%swap3A_1010, %swap3A_1011], %broadcast_in_dim3A_1 {strides = array<i32>} : memref<4x1024xf32, #tpu.memory_space<vmem>>, vector<16xf32>,
      %swap3A_1013 = arith.index_cast %scan3A_826 : i32 to index
      %swap3A_1014 = arith.constant 992 : index
      %swap3A_1015 = tpu.vector_load %arg15[%swap3A_1013, %swap3A_1014] {strides = array<i32>} : memref<4x1024xf32, #tpu.memory_space<vmem>>, vector<16xf32>,
      tpu.vector_store %arg15[%swap3A_1013, %swap3A_1014], %broadcast_in_dim3A_1 {strides = array<i32>} : memref<4x1024xf32, #tpu.memory_space<vmem>>, vector<16xf32>,
      %swap3A_1016 = arith.index_cast %scan3A_826 : i32 to index
      %swap3A_1017 = arith.constant 1008 : index
      %swap3A_1018 = tpu.vector_load %arg15[%swap3A_1016, %swap3A_1017] {strides = array<i32>} : memref<4x1024xf32, #tpu.memory_space<vmem>>, vector<16xf32>,
      tpu.vector_store %arg15[%swap3A_1016, %swap3A_1017], %broadcast_in_dim3A_1 {strides = array<i32>} : memref<4x1024xf32, #tpu.memory_space<vmem>>, vector<16xf32>,
      %scan3A_1019 = arith.constant 0 : i32
      scf.yield %scan3A_1019 : i32
    }
    %scan3A_38 = arith.constant 4 : i32
    %dma_wait3A = tpu.memref_slice %arg4[%mul3A_3] : memref<16384xi32, #tpu.memory_space<hbm>> -> memref<512xi32, #tpu.memory_space<hbm>>
    %dma_wait3A_39 = tpu.memref_slice %arg4[%mul3A_3] : memref<16384xi32, #tpu.memory_space<hbm>> -> memref<512xi32, #tpu.memory_space<hbm>>
    tpu.wait_dma2 semaphore(%arg21 : memref<!tpu.dma_semaphore, #tpu.memory_space<semaphore_mem>>) src(%dma_wait3A_39 : memref<512xi32, #tpu.memory_space<hbm>>) dst(%arg11 : memref<512xi32, #tpu.memory_space<vmem>>)
    %dma_wait3A_40 = tpu.memref_slice %arg5[%mul3A_3] : memref<16384xf32, #tpu.memory_space<hbm>> -> memref<512xf32, #tpu.memory_space<hbm>>
    %dma_wait3A_41 = tpu.memref_slice %arg5[%mul3A_3] : memref<16384xf32, #tpu.memory_space<hbm>> -> memref<512xf32, #tpu.memory_space<hbm>>
    tpu.wait_dma2 semaphore(%arg21 : memref<!tpu.dma_semaphore, #tpu.memory_space<semaphore_mem>>) src(%dma_wait3A_41 : memref<512xf32, #tpu.memory_space<hbm>>) dst(%arg12 : memref<512xf32, #tpu.memory_space<vmem>>)
    %add3A_42 = arith.constant 0 : i32
    %add3A_43 = vector.broadcast %add3A_42 : i32 to vector<16xi32>
    %add3A_44 = arith.addi %iota3A, %add3A_43 : vector<16xi32>
    %mul3A_45 = arith.constant 16 : i32
    %mul3A_46 = vector.broadcast %mul3A_45 : i32 to vector<16xi32>
    %mul3A_47 = arith.muli %add3A_44, %mul3A_46 : vector<16xi32>
    %add3A_48 = arith.constant 0 : i32
    %add3A_49 = vector.broadcast %add3A_48 : i32 to vector<16xi32>
    %add3A_50 = arith.addi %mul3A_47, %add3A_49 : vector<16xi32>
    %gather3A = tpu.vector_load_idx %arg11[%add3A_50] : memref<512xi32, #tpu.memory_space<vmem>>[vector<16xi32>], vector<16xi32>,
    %gather3A_51 = tpu.vector_load_idx %arg12[%add3A_50] : memref<512xf32, #tpu.memory_space<vmem>>[vector<16xi32>], vector<16xf32>,
    tpu.vector_store_idx %arg14[%add3A_44, %gather3A], %gather3A_51 {add = true} : memref<32x1024xf32, #tpu.memory_space<vmem>>[vector<16xi32>, vector<16xi32>], vector<16xf32>,
    %mul3A_52 = arith.constant 16 : i32
    %mul3A_53 = vector.broadcast %mul3A_52 : i32 to vector<16xi32>
    %mul3A_54 = arith.muli %add3A_44, %mul3A_53 : vector<16xi32>
    %add3A_55 = arith.constant 1 : i32
    %add3A_56 = vector.broadcast %add3A_55 : i32 to vector<16xi32>
    %add3A_57 = arith.addi %mul3A_54, %add3A_56 : vector<16xi32>
    %gather3A_58 = tpu.vector_load_idx %arg11[%add3A_57] : memref<512xi32, #tpu.memory_space<vmem>>[vector<16xi32>], vector<16xi32>,
    %gather3A_59 = tpu.vector_load_idx %arg12[%add3A_57] : memref<512xf32, #tpu.memory_space<vmem>>[vector<16xi32>], vector<16xf32>,
    tpu.vector_store_idx %arg14[%add3A_44, %gather3A_58], %gather3A_59 {add = true} : memref<32x1024xf32, #tpu.memory_space<vmem>>[vector<16xi32>, vector<16xi32>], vector<16xf32>,
    %mul3A_60 = arith.constant 16 : i32
    %mul3A_61 = vector.broadcast %mul3A_60 : i32 to vector<16xi32>
    %mul3A_62 = arith.muli %add3A_44, %mul3A_61 : vector<16xi32>
    %add3A_63 = arith.constant 2 : i32
    %add3A_64 = vector.broadcast %add3A_63 : i32 to vector<16xi32>
    %add3A_65 = arith.addi %mul3A_62, %add3A_64 : vector<16xi32>
    %gather3A_66 = tpu.vector_load_idx %arg11[%add3A_65] : memref<512xi32, #tpu.memory_space<vmem>>[vector<16xi32>], vector<16xi32>,
    %gather3A_67 = tpu.vector_load_idx %arg12[%add3A_65] : memref<512xf32, #tpu.memory_space<vmem>>[vector<16xi32>], vector<16xf32>,
    tpu.vector_store_idx %arg14[%add3A_44, %gather3A_66], %gather3A_67 {add = true} : memref<32x1024xf32, #tpu.memory_space<vmem>>[vector<16xi32>, vector<16xi32>], vector<16xf32>,
    %mul3A_68 = arith.constant 16 : i32
    %mul3A_69 = vector.broadcast %mul3A_68 : i32 to vector<16xi32>
    %mul3A_70 = arith.muli %add3A_44, %mul3A_69 : vector<16xi32>
    %add3A_71 = arith.constant 3 : i32
    %add3A_72 = vector.broadcast %add3A_71 : i32 to vector<16xi32>
    %add3A_73 = arith.addi %mul3A_70, %add3A_72 : vector<16xi32>
    %gather3A_74 = tpu.vector_load_idx %arg11[%add3A_73] : memref<512xi32, #tpu.memory_space<vmem>>[vector<16xi32>], vector<16xi32>,
    %gather3A_75 = tpu.vector_load_idx %arg12[%add3A_73] : memref<512xf32, #tpu.memory_space<vmem>>[vector<16xi32>], vector<16xf32>,
    tpu.vector_store_idx %arg14[%add3A_44, %gather3A_74], %gather3A_75 {add = true} : memref<32x1024xf32, #tpu.memory_space<vmem>>[vector<16xi32>, vector<16xi32>], vector<16xf32>,
    %mul3A_76 = arith.constant 16 : i32
    %mul3A_77 = vector.broadcast %mul3A_76 : i32 to vector<16xi32>
    %mul3A_78 = arith.muli %add3A_44, %mul3A_77 : vector<16xi32>
    %add3A_79 = arith.constant 4 : i32
    %add3A_80 = vector.broadcast %add3A_79 : i32 to vector<16xi32>
    %add3A_81 = arith.addi %mul3A_78, %add3A_80 : vector<16xi32>
    %gather3A_82 = tpu.vector_load_idx %arg11[%add3A_81] : memref<512xi32, #tpu.memory_space<vmem>>[vector<16xi32>], vector<16xi32>,
    %gather3A_83 = tpu.vector_load_idx %arg12[%add3A_81] : memref<512xf32, #tpu.memory_space<vmem>>[vector<16xi32>], vector<16xf32>,
    tpu.vector_store_idx %arg14[%add3A_44, %gather3A_82], %gather3A_83 {add = true} : memref<32x1024xf32, #tpu.memory_space<vmem>>[vector<16xi32>, vector<16xi32>], vector<16xf32>,
    %mul3A_84 = arith.constant 16 : i32
    %mul3A_85 = vector.broadcast %mul3A_84 : i32 to vector<16xi32>
    %mul3A_86 = arith.muli %add3A_44, %mul3A_85 : vector<16xi32>
    %add3A_87 = arith.constant 5 : i32
    %add3A_88 = vector.broadcast %add3A_87 : i32 to vector<16xi32>
    %add3A_89 = arith.addi %mul3A_86, %add3A_88 : vector<16xi32>
    %gather3A_90 = tpu.vector_load_idx %arg11[%add3A_89] : memref<512xi32, #tpu.memory_space<vmem>>[vector<16xi32>], vector<16xi32>,
    %gather3A_91 = tpu.vector_load_idx %arg12[%add3A_89] : memref<512xf32, #tpu.memory_space<vmem>>[vector<16xi32>], vector<16xf32>,
    tpu.vector_store_idx %arg14[%add3A_44, %gather3A_90], %gather3A_91 {add = true} : memref<32x1024xf32, #tpu.memory_space<vmem>>[vector<16xi32>, vector<16xi32>], vector<16xf32>,
    %mul3A_92 = arith.constant 16 : i32
    %mul3A_93 = vector.broadcast %mul3A_92 : i32 to vector<16xi32>
    %mul3A_94 = arith.muli %add3A_44, %mul3A_93 : vector<16xi32>
    %add3A_95 = arith.constant 6 : i32
    %add3A_96 = vector.broadcast %add3A_95 : i32 to vector<16xi32>
    %add3A_97 = arith.addi %mul3A_94, %add3A_96 : vector<16xi32>
    %gather3A_98 = tpu.vector_load_idx %arg11[%add3A_97] : memref<512xi32, #tpu.memory_space<vmem>>[vector<16xi32>], vector<16xi32>,
    %gather3A_99 = tpu.vector_load_idx %arg12[%add3A_97] : memref<512xf32, #tpu.memory_space<vmem>>[vector<16xi32>], vector<16xf32>,
    tpu.vector_store_idx %arg14[%add3A_44, %gather3A_98], %gather3A_99 {add = true} : memref<32x1024xf32, #tpu.memory_space<vmem>>[vector<16xi32>, vector<16xi32>], vector<16xf32>,
    %mul3A_100 = arith.constant 16 : i32
    %mul3A_101 = vector.broadcast %mul3A_100 : i32 to vector<16xi32>
    %mul3A_102 = arith.muli %add3A_44, %mul3A_101 : vector<16xi32>
    %add3A_103 = arith.constant 7 : i32
    %add3A_104 = vector.broadcast %add3A_103 : i32 to vector<16xi32>
    %add3A_105 = arith.addi %mul3A_102, %add3A_104 : vector<16xi32>
    %gather3A_106 = tpu.vector_load_idx %arg11[%add3A_105] : memref<512xi32, #tpu.memory_space<vmem>>[vector<16xi32>], vector<16xi32>,
    %gather3A_107 = tpu.vector_load_idx %arg12[%add3A_105] : memref<512xf32, #tpu.memory_space<vmem>>[vector<16xi32>], vector<16xf32>,
    tpu.vector_store_idx %arg14[%add3A_44, %gather3A_106], %gather3A_107 {add = true} : memref<32x1024xf32, #tpu.memory_space<vmem>>[vector<16xi32>, vector<16xi32>], vector<16xf32>,
    %mul3A_108 = arith.constant 16 : i32
    %mul3A_109 = vector.broadcast %mul3A_108 : i32 to vector<16xi32>
    %mul3A_110 = arith.muli %add3A_44, %mul3A_109 : vector<16xi32>
    %add3A_111 = arith.constant 8 : i32
    %add3A_112 = vector.broadcast %add3A_111 : i32 to vector<16xi32>
    %add3A_113 = arith.addi %mul3A_110, %add3A_112 : vector<16xi32>
    %gather3A_114 = tpu.vector_load_idx %arg11[%add3A_113] : memref<512xi32, #tpu.memory_space<vmem>>[vector<16xi32>], vector<16xi32>,
    %gather3A_115 = tpu.vector_load_idx %arg12[%add3A_113] : memref<512xf32, #tpu.memory_space<vmem>>[vector<16xi32>], vector<16xf32>,
    tpu.vector_store_idx %arg14[%add3A_44, %gather3A_114], %gather3A_115 {add = true} : memref<32x1024xf32, #tpu.memory_space<vmem>>[vector<16xi32>, vector<16xi32>], vector<16xf32>,
    %mul3A_116 = arith.constant 16 : i32
    %mul3A_117 = vector.broadcast %mul3A_116 : i32 to vector<16xi32>
    %mul3A_118 = arith.muli %add3A_44, %mul3A_117 : vector<16xi32>
    %add3A_119 = arith.constant 9 : i32
    %add3A_120 = vector.broadcast %add3A_119 : i32 to vector<16xi32>
    %add3A_121 = arith.addi %mul3A_118, %add3A_120 : vector<16xi32>
    %gather3A_122 = tpu.vector_load_idx %arg11[%add3A_121] : memref<512xi32, #tpu.memory_space<vmem>>[vector<16xi32>], vector<16xi32>,
    %gather3A_123 = tpu.vector_load_idx %arg12[%add3A_121] : memref<512xf32, #tpu.memory_space<vmem>>[vector<16xi32>], vector<16xf32>,
    tpu.vector_store_idx %arg14[%add3A_44, %gather3A_122], %gather3A_123 {add = true} : memref<32x1024xf32, #tpu.memory_space<vmem>>[vector<16xi32>, vector<16xi32>], vector<16xf32>,
    %mul3A_124 = arith.constant 16 : i32
    %mul3A_125 = vector.broadcast %mul3A_124 : i32 to vector<16xi32>
    %mul3A_126 = arith.muli %add3A_44, %mul3A_125 : vector<16xi32>
    %add3A_127 = arith.constant 10 : i32
    %add3A_128 = vector.broadcast %add3A_127 : i32 to vector<16xi32>
    %add3A_129 = arith.addi %mul3A_126, %add3A_128 : vector<16xi32>
    %gather3A_130 = tpu.vector_load_idx %arg11[%add3A_129] : memref<512xi32, #tpu.memory_space<vmem>>[vector<16xi32>], vector<16xi32>,
    %gather3A_131 = tpu.vector_load_idx %arg12[%add3A_129] : memref<512xf32, #tpu.memory_space<vmem>>[vector<16xi32>], vector<16xf32>,
    tpu.vector_store_idx %arg14[%add3A_44, %gather3A_130], %gather3A_131 {add = true} : memref<32x1024xf32, #tpu.memory_space<vmem>>[vector<16xi32>, vector<16xi32>], vector<16xf32>,
    %mul3A_132 = arith.constant 16 : i32
    %mul3A_133 = vector.broadcast %mul3A_132 : i32 to vector<16xi32>
    %mul3A_134 = arith.muli %add3A_44, %mul3A_133 : vector<16xi32>
    %add3A_135 = arith.constant 11 : i32
    %add3A_136 = vector.broadcast %add3A_135 : i32 to vector<16xi32>
    %add3A_137 = arith.addi %mul3A_134, %add3A_136 : vector<16xi32>
    %gather3A_138 = tpu.vector_load_idx %arg11[%add3A_137] : memref<512xi32, #tpu.memory_space<vmem>>[vector<16xi32>], vector<16xi32>,
    %gather3A_139 = tpu.vector_load_idx %arg12[%add3A_137] : memref<512xf32, #tpu.memory_space<vmem>>[vector<16xi32>], vector<16xf32>,
    tpu.vector_store_idx %arg14[%add3A_44, %gather3A_138], %gather3A_139 {add = true} : memref<32x1024xf32, #tpu.memory_space<vmem>>[vector<16xi32>, vector<16xi32>], vector<16xf32>,
    %mul3A_140 = arith.constant 16 : i32
    %mul3A_141 = vector.broadcast %mul3A_140 : i32 to vector<16xi32>
    %mul3A_142 = arith.muli %add3A_44, %mul3A_141 : vector<16xi32>
    %add3A_143 = arith.constant 12 : i32
    %add3A_144 = vector.broadcast %add3A_143 : i32 to vector<16xi32>
    %add3A_145 = arith.addi %mul3A_142, %add3A_144 : vector<16xi32>
    %gather3A_146 = tpu.vector_load_idx %arg11[%add3A_145] : memref<512xi32, #tpu.memory_space<vmem>>[vector<16xi32>], vector<16xi32>,
    %gather3A_147 = tpu.vector_load_idx %arg12[%add3A_145] : memref<512xf32, #tpu.memory_space<vmem>>[vector<16xi32>], vector<16xf32>,
    tpu.vector_store_idx %arg14[%add3A_44, %gather3A_146], %gather3A_147 {add = true} : memref<32x1024xf32, #tpu.memory_space<vmem>>[vector<16xi32>, vector<16xi32>], vector<16xf32>,
    %mul3A_148 = arith.constant 16 : i32
    %mul3A_149 = vector.broadcast %mul3A_148 : i32 to vector<16xi32>
    %mul3A_150 = arith.muli %add3A_44, %mul3A_149 : vector<16xi32>
    %add3A_151 = arith.constant 13 : i32
    %add3A_152 = vector.broadcast %add3A_151 : i32 to vector<16xi32>
    %add3A_153 = arith.addi %mul3A_150, %add3A_152 : vector<16xi32>
    %gather3A_154 = tpu.vector_load_idx %arg11[%add3A_153] : memref<512xi32, #tpu.memory_space<vmem>>[vector<16xi32>], vector<16xi32>,
    %gather3A_155 = tpu.vector_load_idx %arg12[%add3A_153] : memref<512xf32, #tpu.memory_space<vmem>>[vector<16xi32>], vector<16xf32>,
    tpu.vector_store_idx %arg14[%add3A_44, %gather3A_154], %gather3A_155 {add = true} : memref<32x1024xf32, #tpu.memory_space<vmem>>[vector<16xi32>, vector<16xi32>], vector<16xf32>,
    %mul3A_156 = arith.constant 16 : i32
    %mul3A_157 = vector.broadcast %mul3A_156 : i32 to vector<16xi32>
    %mul3A_158 = arith.muli %add3A_44, %mul3A_157 : vector<16xi32>
    %add3A_159 = arith.constant 14 : i32
    %add3A_160 = vector.broadcast %add3A_159 : i32 to vector<16xi32>
    %add3A_161 = arith.addi %mul3A_158, %add3A_160 : vector<16xi32>
    %gather3A_162 = tpu.vector_load_idx %arg11[%add3A_161] : memref<512xi32, #tpu.memory_space<vmem>>[vector<16xi32>], vector<16xi32>,
    %gather3A_163 = tpu.vector_load_idx %arg12[%add3A_161] : memref<512xf32, #tpu.memory_space<vmem>>[vector<16xi32>], vector<16xf32>,
    tpu.vector_store_idx %arg14[%add3A_44, %gather3A_162], %gather3A_163 {add = true} : memref<32x1024xf32, #tpu.memory_space<vmem>>[vector<16xi32>, vector<16xi32>], vector<16xf32>,
    %mul3A_164 = arith.constant 16 : i32
    %mul3A_165 = vector.broadcast %mul3A_164 : i32 to vector<16xi32>
    %mul3A_166 = arith.muli %add3A_44, %mul3A_165 : vector<16xi32>
    %add3A_167 = arith.constant 15 : i32
    %add3A_168 = vector.broadcast %add3A_167 : i32 to vector<16xi32>
    %add3A_169 = arith.addi %mul3A_166, %add3A_168 : vector<16xi32>
    %gather3A_170 = tpu.vector_load_idx %arg11[%add3A_169] : memref<512xi32, #tpu.memory_space<vmem>>[vector<16xi32>], vector<16xi32>,
    %gather3A_171 = tpu.vector_load_idx %arg12[%add3A_169] : memref<512xf32, #tpu.memory_space<vmem>>[vector<16xi32>], vector<16xf32>,
    tpu.vector_store_idx %arg14[%add3A_44, %gather3A_170], %gather3A_171 {add = true} : memref<32x1024xf32, #tpu.memory_space<vmem>>[vector<16xi32>, vector<16xi32>], vector<16xf32>,
    %mul3A_172 = arith.constant 32 : i32
    %mul3A_173 = arith.muli %add3A, %mul3A_172 : i32
    %add3A_174 = arith.constant 0 : i32
    %add3A_175 = arith.addi %mul3A_173, %add3A_174 : i32
    %dma_start3A_176 = arith.constant 0 : i32
    %dma_start3A_177 = arith.constant 0 : i32
    %dma_start3A_178 = tpu.memref_slice %arg14[%dma_start3A_176, %dma_start3A_177] : memref<32x1024xf32, #tpu.memory_space<vmem>> -> memref<16x1024xf32, #tpu.memory_space<vmem>>
    %dma_start3A_179 = arith.constant 0 : i32
    %dma_start3A_180 = tpu.memref_slice %arg9[%add3A_175, %dma_start3A_179] : memref<1024x1024xf32, #tpu.memory_space<hbm>> -> memref<16x1024xf32, #tpu.memory_space<hbm>>
    %dma_start3A_181 = arith.constant 0 : i32
    %dma_start3A_182 = tpu.memref_slice %arg9[%add3A_175, %dma_start3A_181] : memref<1024x1024xf32, #tpu.memory_space<hbm>> -> memref<16x1024xf32, #tpu.memory_space<hbm>>
    %dma_start3A_183 = arith.constant 0 : i32
    %dma_start3A_184 = arith.constant 0 : i32
    %dma_start3A_185 = tpu.memref_slice %arg14[%dma_start3A_183, %dma_start3A_184] : memref<32x1024xf32, #tpu.memory_space<vmem>> -> memref<16x1024xf32, #tpu.memory_space<vmem>>
    tpu.enqueue_dma source(%dma_start3A_185 : memref<16x1024xf32, #tpu.memory_space<vmem>>) target(%dma_start3A_182 : memref<16x1024xf32, #tpu.memory_space<hbm>>) target_semaphore(%arg23 : memref<!tpu.dma_semaphore, #tpu.memory_space<semaphore_mem>>)
    %add3A_186 = arith.constant 16 : i32
    %add3A_187 = vector.broadcast %add3A_186 : i32 to vector<16xi32>
    %add3A_188 = arith.addi %iota3A, %add3A_187 : vector<16xi32>
    %mul3A_189 = arith.constant 16 : i32
    %mul3A_190 = vector.broadcast %mul3A_189 : i32 to vector<16xi32>
    %mul3A_191 = arith.muli %add3A_188, %mul3A_190 : vector<16xi32>
    %add3A_192 = arith.constant 0 : i32
    %add3A_193 = vector.broadcast %add3A_192 : i32 to vector<16xi32>
    %add3A_194 = arith.addi %mul3A_191, %add3A_193 : vector<16xi32>
    %gather3A_195 = tpu.vector_load_idx %arg11[%add3A_194] : memref<512xi32, #tpu.memory_space<vmem>>[vector<16xi32>], vector<16xi32>,
    %gather3A_196 = tpu.vector_load_idx %arg12[%add3A_194] : memref<512xf32, #tpu.memory_space<vmem>>[vector<16xi32>], vector<16xf32>,
    tpu.vector_store_idx %arg14[%add3A_188, %gather3A_195], %gather3A_196 {add = true} : memref<32x1024xf32, #tpu.memory_space<vmem>>[vector<16xi32>, vector<16xi32>], vector<16xf32>,
    %mul3A_197 = arith.constant 16 : i32
    %mul3A_198 = vector.broadcast %mul3A_197 : i32 to vector<16xi32>
    %mul3A_199 = arith.muli %add3A_188, %mul3A_198 : vector<16xi32>
    %add3A_200 = arith.constant 1 : i32
    %add3A_201 = vector.broadcast %add3A_200 : i32 to vector<16xi32>
    %add3A_202 = arith.addi %mul3A_199, %add3A_201 : vector<16xi32>
    %gather3A_203 = tpu.vector_load_idx %arg11[%add3A_202] : memref<512xi32, #tpu.memory_space<vmem>>[vector<16xi32>], vector<16xi32>,
    %gather3A_204 = tpu.vector_load_idx %arg12[%add3A_202] : memref<512xf32, #tpu.memory_space<vmem>>[vector<16xi32>], vector<16xf32>,
    tpu.vector_store_idx %arg14[%add3A_188, %gather3A_203], %gather3A_204 {add = true} : memref<32x1024xf32, #tpu.memory_space<vmem>>[vector<16xi32>, vector<16xi32>], vector<16xf32>,
    %mul3A_205 = arith.constant 16 : i32
    %mul3A_206 = vector.broadcast %mul3A_205 : i32 to vector<16xi32>
    %mul3A_207 = arith.muli %add3A_188, %mul3A_206 : vector<16xi32>
    %add3A_208 = arith.constant 2 : i32
    %add3A_209 = vector.broadcast %add3A_208 : i32 to vector<16xi32>
    %add3A_210 = arith.addi %mul3A_207, %add3A_209 : vector<16xi32>
    %gather3A_211 = tpu.vector_load_idx %arg11[%add3A_210] : memref<512xi32, #tpu.memory_space<vmem>>[vector<16xi32>], vector<16xi32>,
    %gather3A_212 = tpu.vector_load_idx %arg12[%add3A_210] : memref<512xf32, #tpu.memory_space<vmem>>[vector<16xi32>], vector<16xf32>,
    tpu.vector_store_idx %arg14[%add3A_188, %gather3A_211], %gather3A_212 {add = true} : memref<32x1024xf32, #tpu.memory_space<vmem>>[vector<16xi32>, vector<16xi32>], vector<16xf32>,
    %mul3A_213 = arith.constant 16 : i32
    %mul3A_214 = vector.broadcast %mul3A_213 : i32 to vector<16xi32>
    %mul3A_215 = arith.muli %add3A_188, %mul3A_214 : vector<16xi32>
    %add3A_216 = arith.constant 3 : i32
    %add3A_217 = vector.broadcast %add3A_216 : i32 to vector<16xi32>
    %add3A_218 = arith.addi %mul3A_215, %add3A_217 : vector<16xi32>
    %gather3A_219 = tpu.vector_load_idx %arg11[%add3A_218] : memref<512xi32, #tpu.memory_space<vmem>>[vector<16xi32>], vector<16xi32>,
    %gather3A_220 = tpu.vector_load_idx %arg12[%add3A_218] : memref<512xf32, #tpu.memory_space<vmem>>[vector<16xi32>], vector<16xf32>,
    tpu.vector_store_idx %arg14[%add3A_188, %gather3A_219], %gather3A_220 {add = true} : memref<32x1024xf32, #tpu.memory_space<vmem>>[vector<16xi32>, vector<16xi32>], vector<16xf32>,
    %mul3A_221 = arith.constant 16 : i32
    %mul3A_222 = vector.broadcast %mul3A_221 : i32 to vector<16xi32>
    %mul3A_223 = arith.muli %add3A_188, %mul3A_222 : vector<16xi32>
    %add3A_224 = arith.constant 4 : i32
    %add3A_225 = vector.broadcast %add3A_224 : i32 to vector<16xi32>
    %add3A_226 = arith.addi %mul3A_223, %add3A_225 : vector<16xi32>
    %gather3A_227 = tpu.vector_load_idx %arg11[%add3A_226] : memref<512xi32, #tpu.memory_space<vmem>>[vector<16xi32>], vector<16xi32>,
    %gather3A_228 = tpu.vector_load_idx %arg12[%add3A_226] : memref<512xf32, #tpu.memory_space<vmem>>[vector<16xi32>], vector<16xf32>,
    tpu.vector_store_idx %arg14[%add3A_188, %gather3A_227], %gather3A_228 {add = true} : memref<32x1024xf32, #tpu.memory_space<vmem>>[vector<16xi32>, vector<16xi32>], vector<16xf32>,
    %mul3A_229 = arith.constant 16 : i32
    %mul3A_230 = vector.broadcast %mul3A_229 : i32 to vector<16xi32>
    %mul3A_231 = arith.muli %add3A_188, %mul3A_230 : vector<16xi32>
    %add3A_232 = arith.constant 5 : i32
    %add3A_233 = vector.broadcast %add3A_232 : i32 to vector<16xi32>
    %add3A_234 = arith.addi %mul3A_231, %add3A_233 : vector<16xi32>
    %gather3A_235 = tpu.vector_load_idx %arg11[%add3A_234] : memref<512xi32, #tpu.memory_space<vmem>>[vector<16xi32>], vector<16xi32>,
    %gather3A_236 = tpu.vector_load_idx %arg12[%add3A_234] : memref<512xf32, #tpu.memory_space<vmem>>[vector<16xi32>], vector<16xf32>,
    tpu.vector_store_idx %arg14[%add3A_188, %gather3A_235], %gather3A_236 {add = true} : memref<32x1024xf32, #tpu.memory_space<vmem>>[vector<16xi32>, vector<16xi32>], vector<16xf32>,
    %mul3A_237 = arith.constant 16 : i32
    %mul3A_238 = vector.broadcast %mul3A_237 : i32 to vector<16xi32>
    %mul3A_239 = arith.muli %add3A_188, %mul3A_238 : vector<16xi32>
    %add3A_240 = arith.constant 6 : i32
    %add3A_241 = vector.broadcast %add3A_240 : i32 to vector<16xi32>
    %add3A_242 = arith.addi %mul3A_239, %add3A_241 : vector<16xi32>
    %gather3A_243 = tpu.vector_load_idx %arg11[%add3A_242] : memref<512xi32, #tpu.memory_space<vmem>>[vector<16xi32>], vector<16xi32>,
    %gather3A_244 = tpu.vector_load_idx %arg12[%add3A_242] : memref<512xf32, #tpu.memory_space<vmem>>[vector<16xi32>], vector<16xf32>,
    tpu.vector_store_idx %arg14[%add3A_188, %gather3A_243], %gather3A_244 {add = true} : memref<32x1024xf32, #tpu.memory_space<vmem>>[vector<16xi32>, vector<16xi32>], vector<16xf32>,
    %mul3A_245 = arith.constant 16 : i32
    %mul3A_246 = vector.broadcast %mul3A_245 : i32 to vector<16xi32>
    %mul3A_247 = arith.muli %add3A_188, %mul3A_246 : vector<16xi32>
    %add3A_248 = arith.constant 7 : i32
    %add3A_249 = vector.broadcast %add3A_248 : i32 to vector<16xi32>
    %add3A_250 = arith.addi %mul3A_247, %add3A_249 : vector<16xi32>
    %gather3A_251 = tpu.vector_load_idx %arg11[%add3A_250] : memref<512xi32, #tpu.memory_space<vmem>>[vector<16xi32>], vector<16xi32>,
    %gather3A_252 = tpu.vector_load_idx %arg12[%add3A_250] : memref<512xf32, #tpu.memory_space<vmem>>[vector<16xi32>], vector<16xf32>,
    tpu.vector_store_idx %arg14[%add3A_188, %gather3A_251], %gather3A_252 {add = true} : memref<32x1024xf32, #tpu.memory_space<vmem>>[vector<16xi32>, vector<16xi32>], vector<16xf32>,
    %mul3A_253 = arith.constant 16 : i32
    %mul3A_254 = vector.broadcast %mul3A_253 : i32 to vector<16xi32>
    %mul3A_255 = arith.muli %add3A_188, %mul3A_254 : vector<16xi32>
    %add3A_256 = arith.constant 8 : i32
    %add3A_257 = vector.broadcast %add3A_256 : i32 to vector<16xi32>
    %add3A_258 = arith.addi %mul3A_255, %add3A_257 : vector<16xi32>
    %gather3A_259 = tpu.vector_load_idx %arg11[%add3A_258] : memref<512xi32, #tpu.memory_space<vmem>>[vector<16xi32>], vector<16xi32>,
    %gather3A_260 = tpu.vector_load_idx %arg12[%add3A_258] : memref<512xf32, #tpu.memory_space<vmem>>[vector<16xi32>], vector<16xf32>,
    tpu.vector_store_idx %arg14[%add3A_188, %gather3A_259], %gather3A_260 {add = true} : memref<32x1024xf32, #tpu.memory_space<vmem>>[vector<16xi32>, vector<16xi32>], vector<16xf32>,
    %mul3A_261 = arith.constant 16 : i32
    %mul3A_262 = vector.broadcast %mul3A_261 : i32 to vector<16xi32>
    %mul3A_263 = arith.muli %add3A_188, %mul3A_262 : vector<16xi32>
    %add3A_264 = arith.constant 9 : i32
    %add3A_265 = vector.broadcast %add3A_264 : i32 to vector<16xi32>
    %add3A_266 = arith.addi %mul3A_263, %add3A_265 : vector<16xi32>
    %gather3A_267 = tpu.vector_load_idx %arg11[%add3A_266] : memref<512xi32, #tpu.memory_space<vmem>>[vector<16xi32>], vector<16xi32>,
    %gather3A_268 = tpu.vector_load_idx %arg12[%add3A_266] : memref<512xf32, #tpu.memory_space<vmem>>[vector<16xi32>], vector<16xf32>,
    tpu.vector_store_idx %arg14[%add3A_188, %gather3A_267], %gather3A_268 {add = true} : memref<32x1024xf32, #tpu.memory_space<vmem>>[vector<16xi32>, vector<16xi32>], vector<16xf32>,
    %mul3A_269 = arith.constant 16 : i32
    %mul3A_270 = vector.broadcast %mul3A_269 : i32 to vector<16xi32>
    %mul3A_271 = arith.muli %add3A_188, %mul3A_270 : vector<16xi32>
    %add3A_272 = arith.constant 10 : i32
    %add3A_273 = vector.broadcast %add3A_272 : i32 to vector<16xi32>
    %add3A_274 = arith.addi %mul3A_271, %add3A_273 : vector<16xi32>
    %gather3A_275 = tpu.vector_load_idx %arg11[%add3A_274] : memref<512xi32, #tpu.memory_space<vmem>>[vector<16xi32>], vector<16xi32>,
    %gather3A_276 = tpu.vector_load_idx %arg12[%add3A_274] : memref<512xf32, #tpu.memory_space<vmem>>[vector<16xi32>], vector<16xf32>,
    tpu.vector_store_idx %arg14[%add3A_188, %gather3A_275], %gather3A_276 {add = true} : memref<32x1024xf32, #tpu.memory_space<vmem>>[vector<16xi32>, vector<16xi32>], vector<16xf32>,
    %mul3A_277 = arith.constant 16 : i32
    %mul3A_278 = vector.broadcast %mul3A_277 : i32 to vector<16xi32>
    %mul3A_279 = arith.muli %add3A_188, %mul3A_278 : vector<16xi32>
    %add3A_280 = arith.constant 11 : i32
    %add3A_281 = vector.broadcast %add3A_280 : i32 to vector<16xi32>
    %add3A_282 = arith.addi %mul3A_279, %add3A_281 : vector<16xi32>
    %gather3A_283 = tpu.vector_load_idx %arg11[%add3A_282] : memref<512xi32, #tpu.memory_space<vmem>>[vector<16xi32>], vector<16xi32>,
    %gather3A_284 = tpu.vector_load_idx %arg12[%add3A_282] : memref<512xf32, #tpu.memory_space<vmem>>[vector<16xi32>], vector<16xf32>,
    tpu.vector_store_idx %arg14[%add3A_188, %gather3A_283], %gather3A_284 {add = true} : memref<32x1024xf32, #tpu.memory_space<vmem>>[vector<16xi32>, vector<16xi32>], vector<16xf32>,
    %mul3A_285 = arith.constant 16 : i32
    %mul3A_286 = vector.broadcast %mul3A_285 : i32 to vector<16xi32>
    %mul3A_287 = arith.muli %add3A_188, %mul3A_286 : vector<16xi32>
    %add3A_288 = arith.constant 12 : i32
    %add3A_289 = vector.broadcast %add3A_288 : i32 to vector<16xi32>
    %add3A_290 = arith.addi %mul3A_287, %add3A_289 : vector<16xi32>
    %gather3A_291 = tpu.vector_load_idx %arg11[%add3A_290] : memref<512xi32, #tpu.memory_space<vmem>>[vector<16xi32>], vector<16xi32>,
    %gather3A_292 = tpu.vector_load_idx %arg12[%add3A_290] : memref<512xf32, #tpu.memory_space<vmem>>[vector<16xi32>], vector<16xf32>,
    tpu.vector_store_idx %arg14[%add3A_188, %gather3A_291], %gather3A_292 {add = true} : memref<32x1024xf32, #tpu.memory_space<vmem>>[vector<16xi32>, vector<16xi32>], vector<16xf32>,
    %mul3A_293 = arith.constant 16 : i32
    %mul3A_294 = vector.broadcast %mul3A_293 : i32 to vector<16xi32>
    %mul3A_295 = arith.muli %add3A_188, %mul3A_294 : vector<16xi32>
    %add3A_296 = arith.constant 13 : i32
    %add3A_297 = vector.broadcast %add3A_296 : i32 to vector<16xi32>
    %add3A_298 = arith.addi %mul3A_295, %add3A_297 : vector<16xi32>
    %gather3A_299 = tpu.vector_load_idx %arg11[%add3A_298] : memref<512xi32, #tpu.memory_space<vmem>>[vector<16xi32>], vector<16xi32>,
    %gather3A_300 = tpu.vector_load_idx %arg12[%add3A_298] : memref<512xf32, #tpu.memory_space<vmem>>[vector<16xi32>], vector<16xf32>,
    tpu.vector_store_idx %arg14[%add3A_188, %gather3A_299], %gather3A_300 {add = true} : memref<32x1024xf32, #tpu.memory_space<vmem>>[vector<16xi32>, vector<16xi32>], vector<16xf32>,
    %mul3A_301 = arith.constant 16 : i32
    %mul3A_302 = vector.broadcast %mul3A_301 : i32 to vector<16xi32>
    %mul3A_303 = arith.muli %add3A_188, %mul3A_302 : vector<16xi32>
    %add3A_304 = arith.constant 14 : i32
    %add3A_305 = vector.broadcast %add3A_304 : i32 to vector<16xi32>
    %add3A_306 = arith.addi %mul3A_303, %add3A_305 : vector<16xi32>
    %gather3A_307 = tpu.vector_load_idx %arg11[%add3A_306] : memref<512xi32, #tpu.memory_space<vmem>>[vector<16xi32>], vector<16xi32>,
    %gather3A_308 = tpu.vector_load_idx %arg12[%add3A_306] : memref<512xf32, #tpu.memory_space<vmem>>[vector<16xi32>], vector<16xf32>,
    tpu.vector_store_idx %arg14[%add3A_188, %gather3A_307], %gather3A_308 {add = true} : memref<32x1024xf32, #tpu.memory_space<vmem>>[vector<16xi32>, vector<16xi32>], vector<16xf32>,
    %mul3A_309 = arith.constant 16 : i32
    %mul3A_310 = vector.broadcast %mul3A_309 : i32 to vector<16xi32>
    %mul3A_311 = arith.muli %add3A_188, %mul3A_310 : vector<16xi32>
    %add3A_312 = arith.constant 15 : i32
    %add3A_313 = vector.broadcast %add3A_312 : i32 to vector<16xi32>
    %add3A_314 = arith.addi %mul3A_311, %add3A_313 : vector<16xi32>
    %gather3A_315 = tpu.vector_load_idx %arg11[%add3A_314] : memref<512xi32, #tpu.memory_space<vmem>>[vector<16xi32>], vector<16xi32>,
    %gather3A_316 = tpu.vector_load_idx %arg12[%add3A_314] : memref<512xf32, #tpu.memory_space<vmem>>[vector<16xi32>], vector<16xf32>,
    tpu.vector_store_idx %arg14[%add3A_188, %gather3A_315], %gather3A_316 {add = true} : memref<32x1024xf32, #tpu.memory_space<vmem>>[vector<16xi32>, vector<16xi32>], vector<16xf32>,
    %mul3A_317 = arith.constant 32 : i32
    %mul3A_318 = arith.muli %add3A, %mul3A_317 : i32
    %add3A_319 = arith.constant 16 : i32
    %add3A_320 = arith.addi %mul3A_318, %add3A_319 : i32
    %dma_start3A_321 = arith.constant 16 : i32
    %dma_start3A_322 = arith.constant 0 : i32
    %dma_start3A_323 = tpu.memref_slice %arg14[%dma_start3A_321, %dma_start3A_322] : memref<32x1024xf32, #tpu.memory_space<vmem>> -> memref<16x1024xf32, #tpu.memory_space<vmem>>
    %dma_start3A_324 = arith.constant 0 : i32
    %dma_start3A_325 = tpu.memref_slice %arg9[%add3A_320, %dma_start3A_324] : memref<1024x1024xf32, #tpu.memory_space<hbm>> -> memref<16x1024xf32, #tpu.memory_space<hbm>>
    %dma_start3A_326 = arith.constant 0 : i32
    %dma_start3A_327 = tpu.memref_slice %arg9[%add3A_320, %dma_start3A_326] : memref<1024x1024xf32, #tpu.memory_space<hbm>> -> memref<16x1024xf32, #tpu.memory_space<hbm>>
    %dma_start3A_328 = arith.constant 16 : i32
    %dma_start3A_329 = arith.constant 0 : i32
    %dma_start3A_330 = tpu.memref_slice %arg14[%dma_start3A_328, %dma_start3A_329] : memref<32x1024xf32, #tpu.memory_space<vmem>> -> memref<16x1024xf32, #tpu.memory_space<vmem>>
    tpu.enqueue_dma source(%dma_start3A_330 : memref<16x1024xf32, #tpu.memory_space<vmem>>) target(%dma_start3A_327 : memref<16x1024xf32, #tpu.memory_space<hbm>>) target_semaphore(%arg23 : memref<!tpu.dma_semaphore, #tpu.memory_space<semaphore_mem>>)
    %dma_wait3A_331 = tpu.memref_slice %arg2[%mul3A_8] : memref<16384xi32, #tpu.memory_space<hbm>> -> memref<512xi32, #tpu.memory_space<hbm>>
    %dma_wait3A_332 = tpu.memref_slice %arg2[%mul3A_8] : memref<16384xi32, #tpu.memory_space<hbm>> -> memref<512xi32, #tpu.memory_space<hbm>>
    tpu.wait_dma2 semaphore(%arg20 : memref<!tpu.dma_semaphore, #tpu.memory_space<semaphore_mem>>) src(%dma_wait3A_332 : memref<512xi32, #tpu.memory_space<hbm>>) dst(%arg16 : memref<512xi32, #tpu.memory_space<vmem>>)
    %dma_wait3A_333 = tpu.memref_slice %arg3[%mul3A_8] : memref<16384xf32, #tpu.memory_space<hbm>> -> memref<512xf32, #tpu.memory_space<hbm>>
    %dma_wait3A_334 = tpu.memref_slice %arg3[%mul3A_8] : memref<16384xf32, #tpu.memory_space<hbm>> -> memref<512xf32, #tpu.memory_space<hbm>>
    tpu.wait_dma2 semaphore(%arg20 : memref<!tpu.dma_semaphore, #tpu.memory_space<semaphore_mem>>) src(%dma_wait3A_334 : memref<512xf32, #tpu.memory_space<hbm>>) dst(%arg17 : memref<512xf32, #tpu.memory_space<vmem>>)
    %add3A_335 = arith.constant 0 : i32
    %add3A_336 = vector.broadcast %add3A_335 : i32 to vector<16xi32>
    %add3A_337 = arith.addi %iota3A, %add3A_336 : vector<16xi32>
    %mul3A_338 = arith.constant 16 : i32
    %mul3A_339 = vector.broadcast %mul3A_338 : i32 to vector<16xi32>
    %mul3A_340 = arith.muli %add3A_337, %mul3A_339 : vector<16xi32>
    %add3A_341 = arith.constant 0 : i32
    %add3A_342 = vector.broadcast %add3A_341 : i32 to vector<16xi32>
    %add3A_343 = arith.addi %mul3A_340, %add3A_342 : vector<16xi32>
    %gather3A_344 = tpu.vector_load_idx %arg16[%add3A_343] : memref<512xi32, #tpu.memory_space<vmem>>[vector<16xi32>], vector<16xi32>,
    %gather3A_345 = tpu.vector_load_idx %arg17[%add3A_343] : memref<512xf32, #tpu.memory_space<vmem>>[vector<16xi32>], vector<16xf32>,
    tpu.vector_store_idx %arg13[%add3A_337, %gather3A_344], %gather3A_345 {add = true} : memref<32x256xf32, #tpu.memory_space<vmem>>[vector<16xi32>, vector<16xi32>], vector<16xf32>,
    %mul3A_346 = arith.constant 16 : i32
    %mul3A_347 = vector.broadcast %mul3A_346 : i32 to vector<16xi32>
    %mul3A_348 = arith.muli %add3A_337, %mul3A_347 : vector<16xi32>
    %add3A_349 = arith.constant 1 : i32
    %add3A_350 = vector.broadcast %add3A_349 : i32 to vector<16xi32>
    %add3A_351 = arith.addi %mul3A_348, %add3A_350 : vector<16xi32>
    %gather3A_352 = tpu.vector_load_idx %arg16[%add3A_351] : memref<512xi32, #tpu.memory_space<vmem>>[vector<16xi32>], vector<16xi32>,
    %gather3A_353 = tpu.vector_load_idx %arg17[%add3A_351] : memref<512xf32, #tpu.memory_space<vmem>>[vector<16xi32>], vector<16xf32>,
    tpu.vector_store_idx %arg13[%add3A_337, %gather3A_352], %gather3A_353 {add = true} : memref<32x256xf32, #tpu.memory_space<vmem>>[vector<16xi32>, vector<16xi32>], vector<16xf32>,
    %mul3A_354 = arith.constant 16 : i32
    %mul3A_355 = vector.broadcast %mul3A_354 : i32 to vector<16xi32>
    %mul3A_356 = arith.muli %add3A_337, %mul3A_355 : vector<16xi32>
    %add3A_357 = arith.constant 2 : i32
    %add3A_358 = vector.broadcast %add3A_357 : i32 to vector<16xi32>
    %add3A_359 = arith.addi %mul3A_356, %add3A_358 : vector<16xi32>
    %gather3A_360 = tpu.vector_load_idx %arg16[%add3A_359] : memref<512xi32, #tpu.memory_space<vmem>>[vector<16xi32>], vector<16xi32>,
    %gather3A_361 = tpu.vector_load_idx %arg17[%add3A_359] : memref<512xf32, #tpu.memory_space<vmem>>[vector<16xi32>], vector<16xf32>,
    tpu.vector_store_idx %arg13[%add3A_337, %gather3A_360], %gather3A_361 {add = true} : memref<32x256xf32, #tpu.memory_space<vmem>>[vector<16xi32>, vector<16xi32>], vector<16xf32>,
    %mul3A_362 = arith.constant 16 : i32
    %mul3A_363 = vector.broadcast %mul3A_362 : i32 to vector<16xi32>
    %mul3A_364 = arith.muli %add3A_337, %mul3A_363 : vector<16xi32>
    %add3A_365 = arith.constant 3 : i32
    %add3A_366 = vector.broadcast %add3A_365 : i32 to vector<16xi32>
    %add3A_367 = arith.addi %mul3A_364, %add3A_366 : vector<16xi32>
    %gather3A_368 = tpu.vector_load_idx %arg16[%add3A_367] : memref<512xi32, #tpu.memory_space<vmem>>[vector<16xi32>], vector<16xi32>,
    %gather3A_369 = tpu.vector_load_idx %arg17[%add3A_367] : memref<512xf32, #tpu.memory_space<vmem>>[vector<16xi32>], vector<16xf32>,
    tpu.vector_store_idx %arg13[%add3A_337, %gather3A_368], %gather3A_369 {add = true} : memref<32x256xf32, #tpu.memory_space<vmem>>[vector<16xi32>, vector<16xi32>], vector<16xf32>,
    %mul3A_370 = arith.constant 16 : i32
    %mul3A_371 = vector.broadcast %mul3A_370 : i32 to vector<16xi32>
    %mul3A_372 = arith.muli %add3A_337, %mul3A_371 : vector<16xi32>
    %add3A_373 = arith.constant 4 : i32
    %add3A_374 = vector.broadcast %add3A_373 : i32 to vector<16xi32>
    %add3A_375 = arith.addi %mul3A_372, %add3A_374 : vector<16xi32>
    %gather3A_376 = tpu.vector_load_idx %arg16[%add3A_375] : memref<512xi32, #tpu.memory_space<vmem>>[vector<16xi32>], vector<16xi32>,
    %gather3A_377 = tpu.vector_load_idx %arg17[%add3A_375] : memref<512xf32, #tpu.memory_space<vmem>>[vector<16xi32>], vector<16xf32>,
    tpu.vector_store_idx %arg13[%add3A_337, %gather3A_376], %gather3A_377 {add = true} : memref<32x256xf32, #tpu.memory_space<vmem>>[vector<16xi32>, vector<16xi32>], vector<16xf32>,
    %mul3A_378 = arith.constant 16 : i32
    %mul3A_379 = vector.broadcast %mul3A_378 : i32 to vector<16xi32>
    %mul3A_380 = arith.muli %add3A_337, %mul3A_379 : vector<16xi32>
    %add3A_381 = arith.constant 5 : i32
    %add3A_382 = vector.broadcast %add3A_381 : i32 to vector<16xi32>
    %add3A_383 = arith.addi %mul3A_380, %add3A_382 : vector<16xi32>
    %gather3A_384 = tpu.vector_load_idx %arg16[%add3A_383] : memref<512xi32, #tpu.memory_space<vmem>>[vector<16xi32>], vector<16xi32>,
    %gather3A_385 = tpu.vector_load_idx %arg17[%add3A_383] : memref<512xf32, #tpu.memory_space<vmem>>[vector<16xi32>], vector<16xf32>,
    tpu.vector_store_idx %arg13[%add3A_337, %gather3A_384], %gather3A_385 {add = true} : memref<32x256xf32, #tpu.memory_space<vmem>>[vector<16xi32>, vector<16xi32>], vector<16xf32>,
    %mul3A_386 = arith.constant 16 : i32
    %mul3A_387 = vector.broadcast %mul3A_386 : i32 to vector<16xi32>
    %mul3A_388 = arith.muli %add3A_337, %mul3A_387 : vector<16xi32>
    %add3A_389 = arith.constant 6 : i32
    %add3A_390 = vector.broadcast %add3A_389 : i32 to vector<16xi32>
    %add3A_391 = arith.addi %mul3A_388, %add3A_390 : vector<16xi32>
    %gather3A_392 = tpu.vector_load_idx %arg16[%add3A_391] : memref<512xi32, #tpu.memory_space<vmem>>[vector<16xi32>], vector<16xi32>,
    %gather3A_393 = tpu.vector_load_idx %arg17[%add3A_391] : memref<512xf32, #tpu.memory_space<vmem>>[vector<16xi32>], vector<16xf32>,
    tpu.vector_store_idx %arg13[%add3A_337, %gather3A_392], %gather3A_393 {add = true} : memref<32x256xf32, #tpu.memory_space<vmem>>[vector<16xi32>, vector<16xi32>], vector<16xf32>,
    %mul3A_394 = arith.constant 16 : i32
    %mul3A_395 = vector.broadcast %mul3A_394 : i32 to vector<16xi32>
    %mul3A_396 = arith.muli %add3A_337, %mul3A_395 : vector<16xi32>
    %add3A_397 = arith.constant 7 : i32
    %add3A_398 = vector.broadcast %add3A_397 : i32 to vector<16xi32>
    %add3A_399 = arith.addi %mul3A_396, %add3A_398 : vector<16xi32>
    %gather3A_400 = tpu.vector_load_idx %arg16[%add3A_399] : memref<512xi32, #tpu.memory_space<vmem>>[vector<16xi32>], vector<16xi32>,
    %gather3A_401 = tpu.vector_load_idx %arg17[%add3A_399] : memref<512xf32, #tpu.memory_space<vmem>>[vector<16xi32>], vector<16xf32>,
    tpu.vector_store_idx %arg13[%add3A_337, %gather3A_400], %gather3A_401 {add = true} : memref<32x256xf32, #tpu.memory_space<vmem>>[vector<16xi32>, vector<16xi32>], vector<16xf32>,
    %mul3A_402 = arith.constant 16 : i32
    %mul3A_403 = vector.broadcast %mul3A_402 : i32 to vector<16xi32>
    %mul3A_404 = arith.muli %add3A_337, %mul3A_403 : vector<16xi32>
    %add3A_405 = arith.constant 8 : i32
    %add3A_406 = vector.broadcast %add3A_405 : i32 to vector<16xi32>
    %add3A_407 = arith.addi %mul3A_404, %add3A_406 : vector<16xi32>
    %gather3A_408 = tpu.vector_load_idx %arg16[%add3A_407] : memref<512xi32, #tpu.memory_space<vmem>>[vector<16xi32>], vector<16xi32>,
    %gather3A_409 = tpu.vector_load_idx %arg17[%add3A_407] : memref<512xf32, #tpu.memory_space<vmem>>[vector<16xi32>], vector<16xf32>,
    tpu.vector_store_idx %arg13[%add3A_337, %gather3A_408], %gather3A_409 {add = true} : memref<32x256xf32, #tpu.memory_space<vmem>>[vector<16xi32>, vector<16xi32>], vector<16xf32>,
    %mul3A_410 = arith.constant 16 : i32
    %mul3A_411 = vector.broadcast %mul3A_410 : i32 to vector<16xi32>
    %mul3A_412 = arith.muli %add3A_337, %mul3A_411 : vector<16xi32>
    %add3A_413 = arith.constant 9 : i32
    %add3A_414 = vector.broadcast %add3A_413 : i32 to vector<16xi32>
    %add3A_415 = arith.addi %mul3A_412, %add3A_414 : vector<16xi32>
    %gather3A_416 = tpu.vector_load_idx %arg16[%add3A_415] : memref<512xi32, #tpu.memory_space<vmem>>[vector<16xi32>], vector<16xi32>,
    %gather3A_417 = tpu.vector_load_idx %arg17[%add3A_415] : memref<512xf32, #tpu.memory_space<vmem>>[vector<16xi32>], vector<16xf32>,
    tpu.vector_store_idx %arg13[%add3A_337, %gather3A_416], %gather3A_417 {add = true} : memref<32x256xf32, #tpu.memory_space<vmem>>[vector<16xi32>, vector<16xi32>], vector<16xf32>,
    %mul3A_418 = arith.constant 16 : i32
    %mul3A_419 = vector.broadcast %mul3A_418 : i32 to vector<16xi32>
    %mul3A_420 = arith.muli %add3A_337, %mul3A_419 : vector<16xi32>
    %add3A_421 = arith.constant 10 : i32
    %add3A_422 = vector.broadcast %add3A_421 : i32 to vector<16xi32>
    %add3A_423 = arith.addi %mul3A_420, %add3A_422 : vector<16xi32>
    %gather3A_424 = tpu.vector_load_idx %arg16[%add3A_423] : memref<512xi32, #tpu.memory_space<vmem>>[vector<16xi32>], vector<16xi32>,
    %gather3A_425 = tpu.vector_load_idx %arg17[%add3A_423] : memref<512xf32, #tpu.memory_space<vmem>>[vector<16xi32>], vector<16xf32>,
    tpu.vector_store_idx %arg13[%add3A_337, %gather3A_424], %gather3A_425 {add = true} : memref<32x256xf32, #tpu.memory_space<vmem>>[vector<16xi32>, vector<16xi32>], vector<16xf32>,
    %mul3A_426 = arith.constant 16 : i32
    %mul3A_427 = vector.broadcast %mul3A_426 : i32 to vector<16xi32>
    %mul3A_428 = arith.muli %add3A_337, %mul3A_427 : vector<16xi32>
    %add3A_429 = arith.constant 11 : i32
    %add3A_430 = vector.broadcast %add3A_429 : i32 to vector<16xi32>
    %add3A_431 = arith.addi %mul3A_428, %add3A_430 : vector<16xi32>
    %gather3A_432 = tpu.vector_load_idx %arg16[%add3A_431] : memref<512xi32, #tpu.memory_space<vmem>>[vector<16xi32>], vector<16xi32>,
    %gather3A_433 = tpu.vector_load_idx %arg17[%add3A_431] : memref<512xf32, #tpu.memory_space<vmem>>[vector<16xi32>], vector<16xf32>,
    tpu.vector_store_idx %arg13[%add3A_337, %gather3A_432], %gather3A_433 {add = true} : memref<32x256xf32, #tpu.memory_space<vmem>>[vector<16xi32>, vector<16xi32>], vector<16xf32>,
    %mul3A_434 = arith.constant 16 : i32
    %mul3A_435 = vector.broadcast %mul3A_434 : i32 to vector<16xi32>
    %mul3A_436 = arith.muli %add3A_337, %mul3A_435 : vector<16xi32>
    %add3A_437 = arith.constant 12 : i32
    %add3A_438 = vector.broadcast %add3A_437 : i32 to vector<16xi32>
    %add3A_439 = arith.addi %mul3A_436, %add3A_438 : vector<16xi32>
    %gather3A_440 = tpu.vector_load_idx %arg16[%add3A_439] : memref<512xi32, #tpu.memory_space<vmem>>[vector<16xi32>], vector<16xi32>,
    %gather3A_441 = tpu.vector_load_idx %arg17[%add3A_439] : memref<512xf32, #tpu.memory_space<vmem>>[vector<16xi32>], vector<16xf32>,
    tpu.vector_store_idx %arg13[%add3A_337, %gather3A_440], %gather3A_441 {add = true} : memref<32x256xf32, #tpu.memory_space<vmem>>[vector<16xi32>, vector<16xi32>], vector<16xf32>,
    %mul3A_442 = arith.constant 16 : i32
    %mul3A_443 = vector.broadcast %mul3A_442 : i32 to vector<16xi32>
    %mul3A_444 = arith.muli %add3A_337, %mul3A_443 : vector<16xi32>
    %add3A_445 = arith.constant 13 : i32
    %add3A_446 = vector.broadcast %add3A_445 : i32 to vector<16xi32>
    %add3A_447 = arith.addi %mul3A_444, %add3A_446 : vector<16xi32>
    %gather3A_448 = tpu.vector_load_idx %arg16[%add3A_447] : memref<512xi32, #tpu.memory_space<vmem>>[vector<16xi32>], vector<16xi32>,
    %gather3A_449 = tpu.vector_load_idx %arg17[%add3A_447] : memref<512xf32, #tpu.memory_space<vmem>>[vector<16xi32>], vector<16xf32>,
    tpu.vector_store_idx %arg13[%add3A_337, %gather3A_448], %gather3A_449 {add = true} : memref<32x256xf32, #tpu.memory_space<vmem>>[vector<16xi32>, vector<16xi32>], vector<16xf32>,
    %mul3A_450 = arith.constant 16 : i32
    %mul3A_451 = vector.broadcast %mul3A_450 : i32 to vector<16xi32>
    %mul3A_452 = arith.muli %add3A_337, %mul3A_451 : vector<16xi32>
    %add3A_453 = arith.constant 14 : i32
    %add3A_454 = vector.broadcast %add3A_453 : i32 to vector<16xi32>
    %add3A_455 = arith.addi %mul3A_452, %add3A_454 : vector<16xi32>
    %gather3A_456 = tpu.vector_load_idx %arg16[%add3A_455] : memref<512xi32, #tpu.memory_space<vmem>>[vector<16xi32>], vector<16xi32>,
    %gather3A_457 = tpu.vector_load_idx %arg17[%add3A_455] : memref<512xf32, #tpu.memory_space<vmem>>[vector<16xi32>], vector<16xf32>,
    tpu.vector_store_idx %arg13[%add3A_337, %gather3A_456], %gather3A_457 {add = true} : memref<32x256xf32, #tpu.memory_space<vmem>>[vector<16xi32>, vector<16xi32>], vector<16xf32>,
    %mul3A_458 = arith.constant 16 : i32
    %mul3A_459 = vector.broadcast %mul3A_458 : i32 to vector<16xi32>
    %mul3A_460 = arith.muli %add3A_337, %mul3A_459 : vector<16xi32>
    %add3A_461 = arith.constant 15 : i32
    %add3A_462 = vector.broadcast %add3A_461 : i32 to vector<16xi32>
    %add3A_463 = arith.addi %mul3A_460, %add3A_462 : vector<16xi32>
    %gather3A_464 = tpu.vector_load_idx %arg16[%add3A_463] : memref<512xi32, #tpu.memory_space<vmem>>[vector<16xi32>], vector<16xi32>,
    %gather3A_465 = tpu.vector_load_idx %arg17[%add3A_463] : memref<512xf32, #tpu.memory_space<vmem>>[vector<16xi32>], vector<16xf32>,
    tpu.vector_store_idx %arg13[%add3A_337, %gather3A_464], %gather3A_465 {add = true} : memref<32x256xf32, #tpu.memory_space<vmem>>[vector<16xi32>, vector<16xi32>], vector<16xf32>,
    %mul3A_466 = arith.constant 32 : i32
    %mul3A_467 = arith.muli %add3A, %mul3A_466 : i32
    %add3A_468 = arith.constant 0 : i32
    %add3A_469 = arith.addi %mul3A_467, %add3A_468 : i32
    %dma_start3A_470 = arith.constant 0 : i32
    %dma_start3A_471 = arith.constant 0 : i32
    %dma_start3A_472 = tpu.memref_slice %arg13[%dma_start3A_470, %dma_start3A_471] : memref<32x256xf32, #tpu.memory_space<vmem>> -> memref<16x256xf32, #tpu.memory_space<vmem>>
    %dma_start3A_473 = arith.constant 0 : i32
    %dma_start3A_474 = tpu.memref_slice %arg8[%add3A_469, %dma_start3A_473] : memref<1024x256xf32, #tpu.memory_space<hbm>> -> memref<16x256xf32, #tpu.memory_space<hbm>>
    %dma_start3A_475 = arith.constant 0 : i32
    %dma_start3A_476 = tpu.memref_slice %arg8[%add3A_469, %dma_start3A_475] : memref<1024x256xf32, #tpu.memory_space<hbm>> -> memref<16x256xf32, #tpu.memory_space<hbm>>
    %dma_start3A_477 = arith.constant 0 : i32
    %dma_start3A_478 = arith.constant 0 : i32
    %dma_start3A_479 = tpu.memref_slice %arg13[%dma_start3A_477, %dma_start3A_478] : memref<32x256xf32, #tpu.memory_space<vmem>> -> memref<16x256xf32, #tpu.memory_space<vmem>>
    tpu.enqueue_dma source(%dma_start3A_479 : memref<16x256xf32, #tpu.memory_space<vmem>>) target(%dma_start3A_476 : memref<16x256xf32, #tpu.memory_space<hbm>>) target_semaphore(%arg23 : memref<!tpu.dma_semaphore, #tpu.memory_space<semaphore_mem>>)
    %add3A_480 = arith.constant 16 : i32
    %add3A_481 = vector.broadcast %add3A_480 : i32 to vector<16xi32>
    %add3A_482 = arith.addi %iota3A, %add3A_481 : vector<16xi32>
    %mul3A_483 = arith.constant 16 : i32
    %mul3A_484 = vector.broadcast %mul3A_483 : i32 to vector<16xi32>
    %mul3A_485 = arith.muli %add3A_482, %mul3A_484 : vector<16xi32>
    %add3A_486 = arith.constant 0 : i32
    %add3A_487 = vector.broadcast %add3A_486 : i32 to vector<16xi32>
    %add3A_488 = arith.addi %mul3A_485, %add3A_487 : vector<16xi32>
    %gather3A_489 = tpu.vector_load_idx %arg16[%add3A_488] : memref<512xi32, #tpu.memory_space<vmem>>[vector<16xi32>], vector<16xi32>,
    %gather3A_490 = tpu.vector_load_idx %arg17[%add3A_488] : memref<512xf32, #tpu.memory_space<vmem>>[vector<16xi32>], vector<16xf32>,
    tpu.vector_store_idx %arg13[%add3A_482, %gather3A_489], %gather3A_490 {add = true} : memref<32x256xf32, #tpu.memory_space<vmem>>[vector<16xi32>, vector<16xi32>], vector<16xf32>,
    %mul3A_491 = arith.constant 16 : i32
    %mul3A_492 = vector.broadcast %mul3A_491 : i32 to vector<16xi32>
    %mul3A_493 = arith.muli %add3A_482, %mul3A_492 : vector<16xi32>
    %add3A_494 = arith.constant 1 : i32
    %add3A_495 = vector.broadcast %add3A_494 : i32 to vector<16xi32>
    %add3A_496 = arith.addi %mul3A_493, %add3A_495 : vector<16xi32>
    %gather3A_497 = tpu.vector_load_idx %arg16[%add3A_496] : memref<512xi32, #tpu.memory_space<vmem>>[vector<16xi32>], vector<16xi32>,
    %gather3A_498 = tpu.vector_load_idx %arg17[%add3A_496] : memref<512xf32, #tpu.memory_space<vmem>>[vector<16xi32>], vector<16xf32>,
    tpu.vector_store_idx %arg13[%add3A_482, %gather3A_497], %gather3A_498 {add = true} : memref<32x256xf32, #tpu.memory_space<vmem>>[vector<16xi32>, vector<16xi32>], vector<16xf32>,
    %mul3A_499 = arith.constant 16 : i32
    %mul3A_500 = vector.broadcast %mul3A_499 : i32 to vector<16xi32>
    %mul3A_501 = arith.muli %add3A_482, %mul3A_500 : vector<16xi32>
    %add3A_502 = arith.constant 2 : i32
    %add3A_503 = vector.broadcast %add3A_502 : i32 to vector<16xi32>
    %add3A_504 = arith.addi %mul3A_501, %add3A_503 : vector<16xi32>
    %gather3A_505 = tpu.vector_load_idx %arg16[%add3A_504] : memref<512xi32, #tpu.memory_space<vmem>>[vector<16xi32>], vector<16xi32>,
    %gather3A_506 = tpu.vector_load_idx %arg17[%add3A_504] : memref<512xf32, #tpu.memory_space<vmem>>[vector<16xi32>], vector<16xf32>,
    tpu.vector_store_idx %arg13[%add3A_482, %gather3A_505], %gather3A_506 {add = true} : memref<32x256xf32, #tpu.memory_space<vmem>>[vector<16xi32>, vector<16xi32>], vector<16xf32>,
    %mul3A_507 = arith.constant 16 : i32
    %mul3A_508 = vector.broadcast %mul3A_507 : i32 to vector<16xi32>
    %mul3A_509 = arith.muli %add3A_482, %mul3A_508 : vector<16xi32>
    %add3A_510 = arith.constant 3 : i32
    %add3A_511 = vector.broadcast %add3A_510 : i32 to vector<16xi32>
    %add3A_512 = arith.addi %mul3A_509, %add3A_511 : vector<16xi32>
    %gather3A_513 = tpu.vector_load_idx %arg16[%add3A_512] : memref<512xi32, #tpu.memory_space<vmem>>[vector<16xi32>], vector<16xi32>,
    %gather3A_514 = tpu.vector_load_idx %arg17[%add3A_512] : memref<512xf32, #tpu.memory_space<vmem>>[vector<16xi32>], vector<16xf32>,
    tpu.vector_store_idx %arg13[%add3A_482, %gather3A_513], %gather3A_514 {add = true} : memref<32x256xf32, #tpu.memory_space<vmem>>[vector<16xi32>, vector<16xi32>], vector<16xf32>,
    %mul3A_515 = arith.constant 16 : i32
    %mul3A_516 = vector.broadcast %mul3A_515 : i32 to vector<16xi32>
    %mul3A_517 = arith.muli %add3A_482, %mul3A_516 : vector<16xi32>
    %add3A_518 = arith.constant 4 : i32
    %add3A_519 = vector.broadcast %add3A_518 : i32 to vector<16xi32>
    %add3A_520 = arith.addi %mul3A_517, %add3A_519 : vector<16xi32>
    %gather3A_521 = tpu.vector_load_idx %arg16[%add3A_520] : memref<512xi32, #tpu.memory_space<vmem>>[vector<16xi32>], vector<16xi32>,
    %gather3A_522 = tpu.vector_load_idx %arg17[%add3A_520] : memref<512xf32, #tpu.memory_space<vmem>>[vector<16xi32>], vector<16xf32>,
    tpu.vector_store_idx %arg13[%add3A_482, %gather3A_521], %gather3A_522 {add = true} : memref<32x256xf32, #tpu.memory_space<vmem>>[vector<16xi32>, vector<16xi32>], vector<16xf32>,
    %mul3A_523 = arith.constant 16 : i32
    %mul3A_524 = vector.broadcast %mul3A_523 : i32 to vector<16xi32>
    %mul3A_525 = arith.muli %add3A_482, %mul3A_524 : vector<16xi32>
    %add3A_526 = arith.constant 5 : i32
    %add3A_527 = vector.broadcast %add3A_526 : i32 to vector<16xi32>
    %add3A_528 = arith.addi %mul3A_525, %add3A_527 : vector<16xi32>
    %gather3A_529 = tpu.vector_load_idx %arg16[%add3A_528] : memref<512xi32, #tpu.memory_space<vmem>>[vector<16xi32>], vector<16xi32>,
    %gather3A_530 = tpu.vector_load_idx %arg17[%add3A_528] : memref<512xf32, #tpu.memory_space<vmem>>[vector<16xi32>], vector<16xf32>,
    tpu.vector_store_idx %arg13[%add3A_482, %gather3A_529], %gather3A_530 {add = true} : memref<32x256xf32, #tpu.memory_space<vmem>>[vector<16xi32>, vector<16xi32>], vector<16xf32>,
    %mul3A_531 = arith.constant 16 : i32
    %mul3A_532 = vector.broadcast %mul3A_531 : i32 to vector<16xi32>
    %mul3A_533 = arith.muli %add3A_482, %mul3A_532 : vector<16xi32>
    %add3A_534 = arith.constant 6 : i32
    %add3A_535 = vector.broadcast %add3A_534 : i32 to vector<16xi32>
    %add3A_536 = arith.addi %mul3A_533, %add3A_535 : vector<16xi32>
    %gather3A_537 = tpu.vector_load_idx %arg16[%add3A_536] : memref<512xi32, #tpu.memory_space<vmem>>[vector<16xi32>], vector<16xi32>,
    %gather3A_538 = tpu.vector_load_idx %arg17[%add3A_536] : memref<512xf32, #tpu.memory_space<vmem>>[vector<16xi32>], vector<16xf32>,
    tpu.vector_store_idx %arg13[%add3A_482, %gather3A_537], %gather3A_538 {add = true} : memref<32x256xf32, #tpu.memory_space<vmem>>[vector<16xi32>, vector<16xi32>], vector<16xf32>,
    %mul3A_539 = arith.constant 16 : i32
    %mul3A_540 = vector.broadcast %mul3A_539 : i32 to vector<16xi32>
    %mul3A_541 = arith.muli %add3A_482, %mul3A_540 : vector<16xi32>
    %add3A_542 = arith.constant 7 : i32
    %add3A_543 = vector.broadcast %add3A_542 : i32 to vector<16xi32>
    %add3A_544 = arith.addi %mul3A_541, %add3A_543 : vector<16xi32>
    %gather3A_545 = tpu.vector_load_idx %arg16[%add3A_544] : memref<512xi32, #tpu.memory_space<vmem>>[vector<16xi32>], vector<16xi32>,
    %gather3A_546 = tpu.vector_load_idx %arg17[%add3A_544] : memref<512xf32, #tpu.memory_space<vmem>>[vector<16xi32>], vector<16xf32>,
    tpu.vector_store_idx %arg13[%add3A_482, %gather3A_545], %gather3A_546 {add = true} : memref<32x256xf32, #tpu.memory_space<vmem>>[vector<16xi32>, vector<16xi32>], vector<16xf32>,
    %mul3A_547 = arith.constant 16 : i32
    %mul3A_548 = vector.broadcast %mul3A_547 : i32 to vector<16xi32>
    %mul3A_549 = arith.muli %add3A_482, %mul3A_548 : vector<16xi32>
    %add3A_550 = arith.constant 8 : i32
    %add3A_551 = vector.broadcast %add3A_550 : i32 to vector<16xi32>
    %add3A_552 = arith.addi %mul3A_549, %add3A_551 : vector<16xi32>
    %gather3A_553 = tpu.vector_load_idx %arg16[%add3A_552] : memref<512xi32, #tpu.memory_space<vmem>>[vector<16xi32>], vector<16xi32>,
    %gather3A_554 = tpu.vector_load_idx %arg17[%add3A_552] : memref<512xf32, #tpu.memory_space<vmem>>[vector<16xi32>], vector<16xf32>,
    tpu.vector_store_idx %arg13[%add3A_482, %gather3A_553], %gather3A_554 {add = true} : memref<32x256xf32, #tpu.memory_space<vmem>>[vector<16xi32>, vector<16xi32>], vector<16xf32>,
    %mul3A_555 = arith.constant 16 : i32
    %mul3A_556 = vector.broadcast %mul3A_555 : i32 to vector<16xi32>
    %mul3A_557 = arith.muli %add3A_482, %mul3A_556 : vector<16xi32>
    %add3A_558 = arith.constant 9 : i32
    %add3A_559 = vector.broadcast %add3A_558 : i32 to vector<16xi32>
    %add3A_560 = arith.addi %mul3A_557, %add3A_559 : vector<16xi32>
    %gather3A_561 = tpu.vector_load_idx %arg16[%add3A_560] : memref<512xi32, #tpu.memory_space<vmem>>[vector<16xi32>], vector<16xi32>,
    %gather3A_562 = tpu.vector_load_idx %arg17[%add3A_560] : memref<512xf32, #tpu.memory_space<vmem>>[vector<16xi32>], vector<16xf32>,
    tpu.vector_store_idx %arg13[%add3A_482, %gather3A_561], %gather3A_562 {add = true} : memref<32x256xf32, #tpu.memory_space<vmem>>[vector<16xi32>, vector<16xi32>], vector<16xf32>,
    %mul3A_563 = arith.constant 16 : i32
    %mul3A_564 = vector.broadcast %mul3A_563 : i32 to vector<16xi32>
    %mul3A_565 = arith.muli %add3A_482, %mul3A_564 : vector<16xi32>
    %add3A_566 = arith.constant 10 : i32
    %add3A_567 = vector.broadcast %add3A_566 : i32 to vector<16xi32>
    %add3A_568 = arith.addi %mul3A_565, %add3A_567 : vector<16xi32>
    %gather3A_569 = tpu.vector_load_idx %arg16[%add3A_568] : memref<512xi32, #tpu.memory_space<vmem>>[vector<16xi32>], vector<16xi32>,
    %gather3A_570 = tpu.vector_load_idx %arg17[%add3A_568] : memref<512xf32, #tpu.memory_space<vmem>>[vector<16xi32>], vector<16xf32>,
    tpu.vector_store_idx %arg13[%add3A_482, %gather3A_569], %gather3A_570 {add = true} : memref<32x256xf32, #tpu.memory_space<vmem>>[vector<16xi32>, vector<16xi32>], vector<16xf32>,
    %mul3A_571 = arith.constant 16 : i32
    %mul3A_572 = vector.broadcast %mul3A_571 : i32 to vector<16xi32>
    %mul3A_573 = arith.muli %add3A_482, %mul3A_572 : vector<16xi32>
    %add3A_574 = arith.constant 11 : i32
    %add3A_575 = vector.broadcast %add3A_574 : i32 to vector<16xi32>
    %add3A_576 = arith.addi %mul3A_573, %add3A_575 : vector<16xi32>
    %gather3A_577 = tpu.vector_load_idx %arg16[%add3A_576] : memref<512xi32, #tpu.memory_space<vmem>>[vector<16xi32>], vector<16xi32>,
    %gather3A_578 = tpu.vector_load_idx %arg17[%add3A_576] : memref<512xf32, #tpu.memory_space<vmem>>[vector<16xi32>], vector<16xf32>,
    tpu.vector_store_idx %arg13[%add3A_482, %gather3A_577], %gather3A_578 {add = true} : memref<32x256xf32, #tpu.memory_space<vmem>>[vector<16xi32>, vector<16xi32>], vector<16xf32>,
    %mul3A_579 = arith.constant 16 : i32
    %mul3A_580 = vector.broadcast %mul3A_579 : i32 to vector<16xi32>
    %mul3A_581 = arith.muli %add3A_482, %mul3A_580 : vector<16xi32>
    %add3A_582 = arith.constant 12 : i32
    %add3A_583 = vector.broadcast %add3A_582 : i32 to vector<16xi32>
    %add3A_584 = arith.addi %mul3A_581, %add3A_583 : vector<16xi32>
    %gather3A_585 = tpu.vector_load_idx %arg16[%add3A_584] : memref<512xi32, #tpu.memory_space<vmem>>[vector<16xi32>], vector<16xi32>,
    %gather3A_586 = tpu.vector_load_idx %arg17[%add3A_584] : memref<512xf32, #tpu.memory_space<vmem>>[vector<16xi32>], vector<16xf32>,
    tpu.vector_store_idx %arg13[%add3A_482, %gather3A_585], %gather3A_586 {add = true} : memref<32x256xf32, #tpu.memory_space<vmem>>[vector<16xi32>, vector<16xi32>], vector<16xf32>,
    %mul3A_587 = arith.constant 16 : i32
    %mul3A_588 = vector.broadcast %mul3A_587 : i32 to vector<16xi32>
    %mul3A_589 = arith.muli %add3A_482, %mul3A_588 : vector<16xi32>
    %add3A_590 = arith.constant 13 : i32
    %add3A_591 = vector.broadcast %add3A_590 : i32 to vector<16xi32>
    %add3A_592 = arith.addi %mul3A_589, %add3A_591 : vector<16xi32>
    %gather3A_593 = tpu.vector_load_idx %arg16[%add3A_592] : memref<512xi32, #tpu.memory_space<vmem>>[vector<16xi32>], vector<16xi32>,
    %gather3A_594 = tpu.vector_load_idx %arg17[%add3A_592] : memref<512xf32, #tpu.memory_space<vmem>>[vector<16xi32>], vector<16xf32>,
    tpu.vector_store_idx %arg13[%add3A_482, %gather3A_593], %gather3A_594 {add = true} : memref<32x256xf32, #tpu.memory_space<vmem>>[vector<16xi32>, vector<16xi32>], vector<16xf32>,
    %mul3A_595 = arith.constant 16 : i32
    %mul3A_596 = vector.broadcast %mul3A_595 : i32 to vector<16xi32>
    %mul3A_597 = arith.muli %add3A_482, %mul3A_596 : vector<16xi32>
    %add3A_598 = arith.constant 14 : i32
    %add3A_599 = vector.broadcast %add3A_598 : i32 to vector<16xi32>
    %add3A_600 = arith.addi %mul3A_597, %add3A_599 : vector<16xi32>
    %gather3A_601 = tpu.vector_load_idx %arg16[%add3A_600] : memref<512xi32, #tpu.memory_space<vmem>>[vector<16xi32>], vector<16xi32>,
    %gather3A_602 = tpu.vector_load_idx %arg17[%add3A_600] : memref<512xf32, #tpu.memory_space<vmem>>[vector<16xi32>], vector<16xf32>,
    tpu.vector_store_idx %arg13[%add3A_482, %gather3A_601], %gather3A_602 {add = true} : memref<32x256xf32, #tpu.memory_space<vmem>>[vector<16xi32>, vector<16xi32>], vector<16xf32>,
    %mul3A_603 = arith.constant 16 : i32
    %mul3A_604 = vector.broadcast %mul3A_603 : i32 to vector<16xi32>
    %mul3A_605 = arith.muli %add3A_482, %mul3A_604 : vector<16xi32>
    %add3A_606 = arith.constant 15 : i32
    %add3A_607 = vector.broadcast %add3A_606 : i32 to vector<16xi32>
    %add3A_608 = arith.addi %mul3A_605, %add3A_607 : vector<16xi32>
    %gather3A_609 = tpu.vector_load_idx %arg16[%add3A_608] : memref<512xi32, #tpu.memory_space<vmem>>[vector<16xi32>], vector<16xi32>,
    %gather3A_610 = tpu.vector_load_idx %arg17[%add3A_608] : memref<512xf32, #tpu.memory_space<vmem>>[vector<16xi32>], vector<16xf32>,
    tpu.vector_store_idx %arg13[%add3A_482, %gather3A_609], %gather3A_610 {add = true} : memref<32x256xf32, #tpu.memory_space<vmem>>[vector<16xi32>, vector<16xi32>], vector<16xf32>,
    %mul3A_611 = arith.constant 32 : i32
    %mul3A_612 = arith.muli %add3A, %mul3A_611 : i32
    %add3A_613 = arith.constant 16 : i32
    %add3A_614 = arith.addi %mul3A_612, %add3A_613 : i32
    %dma_start3A_615 = arith.constant 16 : i32
    %dma_start3A_616 = arith.constant 0 : i32
    %dma_start3A_617 = tpu.memref_slice %arg13[%dma_start3A_615, %dma_start3A_616] : memref<32x256xf32, #tpu.memory_space<vmem>> -> memref<16x256xf32, #tpu.memory_space<vmem>>
    %dma_start3A_618 = arith.constant 0 : i32
    %dma_start3A_619 = tpu.memref_slice %arg8[%add3A_614, %dma_start3A_618] : memref<1024x256xf32, #tpu.memory_space<hbm>> -> memref<16x256xf32, #tpu.memory_space<hbm>>
    %dma_start3A_620 = arith.constant 0 : i32
    %dma_start3A_621 = tpu.memref_slice %arg8[%add3A_614, %dma_start3A_620] : memref<1024x256xf32, #tpu.memory_space<hbm>> -> memref<16x256xf32, #tpu.memory_space<hbm>>
    %dma_start3A_622 = arith.constant 16 : i32
    %dma_start3A_623 = arith.constant 0 : i32
    %dma_start3A_624 = tpu.memref_slice %arg13[%dma_start3A_622, %dma_start3A_623] : memref<32x256xf32, #tpu.memory_space<vmem>> -> memref<16x256xf32, #tpu.memory_space<vmem>>
    tpu.enqueue_dma source(%dma_start3A_624 : memref<16x256xf32, #tpu.memory_space<vmem>>) target(%dma_start3A_621 : memref<16x256xf32, #tpu.memory_space<hbm>>) target_semaphore(%arg23 : memref<!tpu.dma_semaphore, #tpu.memory_space<semaphore_mem>>)
    %dma_wait3A_625 = tpu.memref_slice %arg6[%mul3A_14] : memref<2048xi32, #tpu.memory_space<hbm>> -> memref<64xi32, #tpu.memory_space<hbm>>
    %dma_wait3A_626 = tpu.memref_slice %arg6[%mul3A_14] : memref<2048xi32, #tpu.memory_space<hbm>> -> memref<64xi32, #tpu.memory_space<hbm>>
    tpu.wait_dma2 semaphore(%arg22 : memref<!tpu.dma_semaphore, #tpu.memory_space<semaphore_mem>>) src(%dma_wait3A_626 : memref<64xi32, #tpu.memory_space<hbm>>) dst(%arg18 : memref<64xi32, #tpu.memory_space<vmem>>)
    %dma_wait3A_627 = tpu.memref_slice %arg7[%mul3A_14] : memref<2048xf32, #tpu.memory_space<hbm>> -> memref<64xf32, #tpu.memory_space<hbm>>
    %dma_wait3A_628 = tpu.memref_slice %arg7[%mul3A_14] : memref<2048xf32, #tpu.memory_space<hbm>> -> memref<64xf32, #tpu.memory_space<hbm>>
    tpu.wait_dma2 semaphore(%arg22 : memref<!tpu.dma_semaphore, #tpu.memory_space<semaphore_mem>>) src(%dma_wait3A_628 : memref<64xf32, #tpu.memory_space<hbm>>) dst(%arg19 : memref<64xf32, #tpu.memory_space<vmem>>)
    %add3A_629 = arith.constant 0 : i32
    %add3A_630 = vector.broadcast %add3A_629 : i32 to vector<16xi32>
    %add3A_631 = arith.addi %iota3A, %add3A_630 : vector<16xi32>
    %lt3A = arith.constant 4 : i32
    %lt3A_632 = vector.broadcast %lt3A : i32 to vector<16xi32>
    %lt3A_633 = arith.cmpi slt, %add3A_631, %lt3A_632 : vector<16xi32>
    %mul3A_634 = arith.constant 16 : i32
    %mul3A_635 = vector.broadcast %mul3A_634 : i32 to vector<16xi32>
    %mul3A_636 = arith.muli %add3A_631, %mul3A_635 : vector<16xi32>
    %add3A_637 = arith.constant 0 : i32
    %add3A_638 = vector.broadcast %add3A_637 : i32 to vector<16xi32>
    %add3A_639 = arith.addi %mul3A_636, %add3A_638 : vector<16xi32>
    %gather3A_640 = tpu.vector_load_idx %arg18[%add3A_639] : memref<64xi32, #tpu.memory_space<vmem>>[vector<16xi32>], vector<16xi32>,
    %gather3A_641 = tpu.vector_load_idx %arg19[%add3A_639] : memref<64xf32, #tpu.memory_space<vmem>>[vector<16xi32>], vector<16xf32>,
    tpu.vector_store_idx %arg15[%add3A_631, %gather3A_640], %gather3A_641 masked %lt3A_633 {add = true} : memref<4x1024xf32, #tpu.memory_space<vmem>>[vector<16xi32>, vector<16xi32>], vector<16xf32>, vector<16xi1>
    %mul3A_642 = arith.constant 16 : i32
    %mul3A_643 = vector.broadcast %mul3A_642 : i32 to vector<16xi32>
    %mul3A_644 = arith.muli %add3A_631, %mul3A_643 : vector<16xi32>
    %add3A_645 = arith.constant 1 : i32
    %add3A_646 = vector.broadcast %add3A_645 : i32 to vector<16xi32>
    %add3A_647 = arith.addi %mul3A_644, %add3A_646 : vector<16xi32>
    %gather3A_648 = tpu.vector_load_idx %arg18[%add3A_647] : memref<64xi32, #tpu.memory_space<vmem>>[vector<16xi32>], vector<16xi32>,
    %gather3A_649 = tpu.vector_load_idx %arg19[%add3A_647] : memref<64xf32, #tpu.memory_space<vmem>>[vector<16xi32>], vector<16xf32>,
    tpu.vector_store_idx %arg15[%add3A_631, %gather3A_648], %gather3A_649 masked %lt3A_633 {add = true} : memref<4x1024xf32, #tpu.memory_space<vmem>>[vector<16xi32>, vector<16xi32>], vector<16xf32>, vector<16xi1>
    %mul3A_650 = arith.constant 16 : i32
    %mul3A_651 = vector.broadcast %mul3A_650 : i32 to vector<16xi32>
    %mul3A_652 = arith.muli %add3A_631, %mul3A_651 : vector<16xi32>
    %add3A_653 = arith.constant 2 : i32
    %add3A_654 = vector.broadcast %add3A_653 : i32 to vector<16xi32>
    %add3A_655 = arith.addi %mul3A_652, %add3A_654 : vector<16xi32>
    %gather3A_656 = tpu.vector_load_idx %arg18[%add3A_655] : memref<64xi32, #tpu.memory_space<vmem>>[vector<16xi32>], vector<16xi32>,
    %gather3A_657 = tpu.vector_load_idx %arg19[%add3A_655] : memref<64xf32, #tpu.memory_space<vmem>>[vector<16xi32>], vector<16xf32>,
    tpu.vector_store_idx %arg15[%add3A_631, %gather3A_656], %gather3A_657 masked %lt3A_633 {add = true} : memref<4x1024xf32, #tpu.memory_space<vmem>>[vector<16xi32>, vector<16xi32>], vector<16xf32>, vector<16xi1>
    %mul3A_658 = arith.constant 16 : i32
    %mul3A_659 = vector.broadcast %mul3A_658 : i32 to vector<16xi32>
    %mul3A_660 = arith.muli %add3A_631, %mul3A_659 : vector<16xi32>
    %add3A_661 = arith.constant 3 : i32
    %add3A_662 = vector.broadcast %add3A_661 : i32 to vector<16xi32>
    %add3A_663 = arith.addi %mul3A_660, %add3A_662 : vector<16xi32>
    %gather3A_664 = tpu.vector_load_idx %arg18[%add3A_663] : memref<64xi32, #tpu.memory_space<vmem>>[vector<16xi32>], vector<16xi32>,
    %gather3A_665 = tpu.vector_load_idx %arg19[%add3A_663] : memref<64xf32, #tpu.memory_space<vmem>>[vector<16xi32>], vector<16xf32>,
    tpu.vector_store_idx %arg15[%add3A_631, %gather3A_664], %gather3A_665 masked %lt3A_633 {add = true} : memref<4x1024xf32, #tpu.memory_space<vmem>>[vector<16xi32>, vector<16xi32>], vector<16xf32>, vector<16xi1>
    %mul3A_666 = arith.constant 16 : i32
    %mul3A_667 = vector.broadcast %mul3A_666 : i32 to vector<16xi32>
    %mul3A_668 = arith.muli %add3A_631, %mul3A_667 : vector<16xi32>
    %add3A_669 = arith.constant 4 : i32
    %add3A_670 = vector.broadcast %add3A_669 : i32 to vector<16xi32>
    %add3A_671 = arith.addi %mul3A_668, %add3A_670 : vector<16xi32>
    %gather3A_672 = tpu.vector_load_idx %arg18[%add3A_671] : memref<64xi32, #tpu.memory_space<vmem>>[vector<16xi32>], vector<16xi32>,
    %gather3A_673 = tpu.vector_load_idx %arg19[%add3A_671] : memref<64xf32, #tpu.memory_space<vmem>>[vector<16xi32>], vector<16xf32>,
    tpu.vector_store_idx %arg15[%add3A_631, %gather3A_672], %gather3A_673 masked %lt3A_633 {add = true} : memref<4x1024xf32, #tpu.memory_space<vmem>>[vector<16xi32>, vector<16xi32>], vector<16xf32>, vector<16xi1>
    %mul3A_674 = arith.constant 16 : i32
    %mul3A_675 = vector.broadcast %mul3A_674 : i32 to vector<16xi32>
    %mul3A_676 = arith.muli %add3A_631, %mul3A_675 : vector<16xi32>
    %add3A_677 = arith.constant 5 : i32
    %add3A_678 = vector.broadcast %add3A_677 : i32 to vector<16xi32>
    %add3A_679 = arith.addi %mul3A_676, %add3A_678 : vector<16xi32>
    %gather3A_680 = tpu.vector_load_idx %arg18[%add3A_679] : memref<64xi32, #tpu.memory_space<vmem>>[vector<16xi32>], vector<16xi32>,
    %gather3A_681 = tpu.vector_load_idx %arg19[%add3A_679] : memref<64xf32, #tpu.memory_space<vmem>>[vector<16xi32>], vector<16xf32>,
    tpu.vector_store_idx %arg15[%add3A_631, %gather3A_680], %gather3A_681 masked %lt3A_633 {add = true} : memref<4x1024xf32, #tpu.memory_space<vmem>>[vector<16xi32>, vector<16xi32>], vector<16xf32>, vector<16xi1>
    %mul3A_682 = arith.constant 16 : i32
    %mul3A_683 = vector.broadcast %mul3A_682 : i32 to vector<16xi32>
    %mul3A_684 = arith.muli %add3A_631, %mul3A_683 : vector<16xi32>
    %add3A_685 = arith.constant 6 : i32
    %add3A_686 = vector.broadcast %add3A_685 : i32 to vector<16xi32>
    %add3A_687 = arith.addi %mul3A_684, %add3A_686 : vector<16xi32>
    %gather3A_688 = tpu.vector_load_idx %arg18[%add3A_687] : memref<64xi32, #tpu.memory_space<vmem>>[vector<16xi32>], vector<16xi32>,
    %gather3A_689 = tpu.vector_load_idx %arg19[%add3A_687] : memref<64xf32, #tpu.memory_space<vmem>>[vector<16xi32>], vector<16xf32>,
    tpu.vector_store_idx %arg15[%add3A_631, %gather3A_688], %gather3A_689 masked %lt3A_633 {add = true} : memref<4x1024xf32, #tpu.memory_space<vmem>>[vector<16xi32>, vector<16xi32>], vector<16xf32>, vector<16xi1>
    %mul3A_690 = arith.constant 16 : i32
    %mul3A_691 = vector.broadcast %mul3A_690 : i32 to vector<16xi32>
    %mul3A_692 = arith.muli %add3A_631, %mul3A_691 : vector<16xi32>
    %add3A_693 = arith.constant 7 : i32
    %add3A_694 = vector.broadcast %add3A_693 : i32 to vector<16xi32>
    %add3A_695 = arith.addi %mul3A_692, %add3A_694 : vector<16xi32>
    %gather3A_696 = tpu.vector_load_idx %arg18[%add3A_695] : memref<64xi32, #tpu.memory_space<vmem>>[vector<16xi32>], vector<16xi32>,
    %gather3A_697 = tpu.vector_load_idx %arg19[%add3A_695] : memref<64xf32, #tpu.memory_space<vmem>>[vector<16xi32>], vector<16xf32>,
    tpu.vector_store_idx %arg15[%add3A_631, %gather3A_696], %gather3A_697 masked %lt3A_633 {add = true} : memref<4x1024xf32, #tpu.memory_space<vmem>>[vector<16xi32>, vector<16xi32>], vector<16xf32>, vector<16xi1>
    %mul3A_698 = arith.constant 16 : i32
    %mul3A_699 = vector.broadcast %mul3A_698 : i32 to vector<16xi32>
    %mul3A_700 = arith.muli %add3A_631, %mul3A_699 : vector<16xi32>
    %add3A_701 = arith.constant 8 : i32
    %add3A_702 = vector.broadcast %add3A_701 : i32 to vector<16xi32>
    %add3A_703 = arith.addi %mul3A_700, %add3A_702 : vector<16xi32>
    %gather3A_704 = tpu.vector_load_idx %arg18[%add3A_703] : memref<64xi32, #tpu.memory_space<vmem>>[vector<16xi32>], vector<16xi32>,
    %gather3A_705 = tpu.vector_load_idx %arg19[%add3A_703] : memref<64xf32, #tpu.memory_space<vmem>>[vector<16xi32>], vector<16xf32>,
    tpu.vector_store_idx %arg15[%add3A_631, %gather3A_704], %gather3A_705 masked %lt3A_633 {add = true} : memref<4x1024xf32, #tpu.memory_space<vmem>>[vector<16xi32>, vector<16xi32>], vector<16xf32>, vector<16xi1>
    %mul3A_706 = arith.constant 16 : i32
    %mul3A_707 = vector.broadcast %mul3A_706 : i32 to vector<16xi32>
    %mul3A_708 = arith.muli %add3A_631, %mul3A_707 : vector<16xi32>
    %add3A_709 = arith.constant 9 : i32
    %add3A_710 = vector.broadcast %add3A_709 : i32 to vector<16xi32>
    %add3A_711 = arith.addi %mul3A_708, %add3A_710 : vector<16xi32>
    %gather3A_712 = tpu.vector_load_idx %arg18[%add3A_711] : memref<64xi32, #tpu.memory_space<vmem>>[vector<16xi32>], vector<16xi32>,
    %gather3A_713 = tpu.vector_load_idx %arg19[%add3A_711] : memref<64xf32, #tpu.memory_space<vmem>>[vector<16xi32>], vector<16xf32>,
    tpu.vector_store_idx %arg15[%add3A_631, %gather3A_712], %gather3A_713 masked %lt3A_633 {add = true} : memref<4x1024xf32, #tpu.memory_space<vmem>>[vector<16xi32>, vector<16xi32>], vector<16xf32>, vector<16xi1>
    %mul3A_714 = arith.constant 16 : i32
    %mul3A_715 = vector.broadcast %mul3A_714 : i32 to vector<16xi32>
    %mul3A_716 = arith.muli %add3A_631, %mul3A_715 : vector<16xi32>
    %add3A_717 = arith.constant 10 : i32
    %add3A_718 = vector.broadcast %add3A_717 : i32 to vector<16xi32>
    %add3A_719 = arith.addi %mul3A_716, %add3A_718 : vector<16xi32>
    %gather3A_720 = tpu.vector_load_idx %arg18[%add3A_719] : memref<64xi32, #tpu.memory_space<vmem>>[vector<16xi32>], vector<16xi32>,
    %gather3A_721 = tpu.vector_load_idx %arg19[%add3A_719] : memref<64xf32, #tpu.memory_space<vmem>>[vector<16xi32>], vector<16xf32>,
    tpu.vector_store_idx %arg15[%add3A_631, %gather3A_720], %gather3A_721 masked %lt3A_633 {add = true} : memref<4x1024xf32, #tpu.memory_space<vmem>>[vector<16xi32>, vector<16xi32>], vector<16xf32>, vector<16xi1>
    %mul3A_722 = arith.constant 16 : i32
    %mul3A_723 = vector.broadcast %mul3A_722 : i32 to vector<16xi32>
    %mul3A_724 = arith.muli %add3A_631, %mul3A_723 : vector<16xi32>
    %add3A_725 = arith.constant 11 : i32
    %add3A_726 = vector.broadcast %add3A_725 : i32 to vector<16xi32>
    %add3A_727 = arith.addi %mul3A_724, %add3A_726 : vector<16xi32>
    %gather3A_728 = tpu.vector_load_idx %arg18[%add3A_727] : memref<64xi32, #tpu.memory_space<vmem>>[vector<16xi32>], vector<16xi32>,
    %gather3A_729 = tpu.vector_load_idx %arg19[%add3A_727] : memref<64xf32, #tpu.memory_space<vmem>>[vector<16xi32>], vector<16xf32>,
    tpu.vector_store_idx %arg15[%add3A_631, %gather3A_728], %gather3A_729 masked %lt3A_633 {add = true} : memref<4x1024xf32, #tpu.memory_space<vmem>>[vector<16xi32>, vector<16xi32>], vector<16xf32>, vector<16xi1>
    %mul3A_730 = arith.constant 16 : i32
    %mul3A_731 = vector.broadcast %mul3A_730 : i32 to vector<16xi32>
    %mul3A_732 = arith.muli %add3A_631, %mul3A_731 : vector<16xi32>
    %add3A_733 = arith.constant 12 : i32
    %add3A_734 = vector.broadcast %add3A_733 : i32 to vector<16xi32>
    %add3A_735 = arith.addi %mul3A_732, %add3A_734 : vector<16xi32>
    %gather3A_736 = tpu.vector_load_idx %arg18[%add3A_735] : memref<64xi32, #tpu.memory_space<vmem>>[vector<16xi32>], vector<16xi32>,
    %gather3A_737 = tpu.vector_load_idx %arg19[%add3A_735] : memref<64xf32, #tpu.memory_space<vmem>>[vector<16xi32>], vector<16xf32>,
    tpu.vector_store_idx %arg15[%add3A_631, %gather3A_736], %gather3A_737 masked %lt3A_633 {add = true} : memref<4x1024xf32, #tpu.memory_space<vmem>>[vector<16xi32>, vector<16xi32>], vector<16xf32>, vector<16xi1>
    %mul3A_738 = arith.constant 16 : i32
    %mul3A_739 = vector.broadcast %mul3A_738 : i32 to vector<16xi32>
    %mul3A_740 = arith.muli %add3A_631, %mul3A_739 : vector<16xi32>
    %add3A_741 = arith.constant 13 : i32
    %add3A_742 = vector.broadcast %add3A_741 : i32 to vector<16xi32>
    %add3A_743 = arith.addi %mul3A_740, %add3A_742 : vector<16xi32>
    %gather3A_744 = tpu.vector_load_idx %arg18[%add3A_743] : memref<64xi32, #tpu.memory_space<vmem>>[vector<16xi32>], vector<16xi32>,
    %gather3A_745 = tpu.vector_load_idx %arg19[%add3A_743] : memref<64xf32, #tpu.memory_space<vmem>>[vector<16xi32>], vector<16xf32>,
    tpu.vector_store_idx %arg15[%add3A_631, %gather3A_744], %gather3A_745 masked %lt3A_633 {add = true} : memref<4x1024xf32, #tpu.memory_space<vmem>>[vector<16xi32>, vector<16xi32>], vector<16xf32>, vector<16xi1>
    %mul3A_746 = arith.constant 16 : i32
    %mul3A_747 = vector.broadcast %mul3A_746 : i32 to vector<16xi32>
    %mul3A_748 = arith.muli %add3A_631, %mul3A_747 : vector<16xi32>
    %add3A_749 = arith.constant 14 : i32
    %add3A_750 = vector.broadcast %add3A_749 : i32 to vector<16xi32>
    %add3A_751 = arith.addi %mul3A_748, %add3A_750 : vector<16xi32>
    %gather3A_752 = tpu.vector_load_idx %arg18[%add3A_751] : memref<64xi32, #tpu.memory_space<vmem>>[vector<16xi32>], vector<16xi32>,
    %gather3A_753 = tpu.vector_load_idx %arg19[%add3A_751] : memref<64xf32, #tpu.memory_space<vmem>>[vector<16xi32>], vector<16xf32>,
    tpu.vector_store_idx %arg15[%add3A_631, %gather3A_752], %gather3A_753 masked %lt3A_633 {add = true} : memref<4x1024xf32, #tpu.memory_space<vmem>>[vector<16xi32>, vector<16xi32>], vector<16xf32>, vector<16xi1>
    %mul3A_754 = arith.constant 16 : i32
    %mul3A_755 = vector.broadcast %mul3A_754 : i32 to vector<16xi32>
    %mul3A_756 = arith.muli %add3A_631, %mul3A_755 : vector<16xi32>
    %add3A_757 = arith.constant 15 : i32
    %add3A_758 = vector.broadcast %add3A_757 : i32 to vector<16xi32>
    %add3A_759 = arith.addi %mul3A_756, %add3A_758 : vector<16xi32>
    %gather3A_760 = tpu.vector_load_idx %arg18[%add3A_759] : memref<64xi32, #tpu.memory_space<vmem>>[vector<16xi32>], vector<16xi32>,
    %gather3A_761 = tpu.vector_load_idx %arg19[%add3A_759] : memref<64xf32, #tpu.memory_space<vmem>>[vector<16xi32>], vector<16xf32>,
    tpu.vector_store_idx %arg15[%add3A_631, %gather3A_760], %gather3A_761 masked %lt3A_633 {add = true} : memref<4x1024xf32, #tpu.memory_space<vmem>>[vector<16xi32>, vector<16xi32>], vector<16xf32>, vector<16xi1>
    %mul3A_762 = arith.constant 4 : i32
    %mul3A_763 = arith.muli %add3A, %mul3A_762 : i32
    %add3A_764 = arith.constant 0 : i32
    %add3A_765 = arith.addi %mul3A_763, %add3A_764 : i32
    %dma_start3A_766 = arith.constant 0 : i32
    %dma_start3A_767 = arith.constant 0 : i32
    %dma_start3A_768 = tpu.memref_slice %arg15[%dma_start3A_766, %dma_start3A_767] : memref<4x1024xf32, #tpu.memory_space<vmem>> -> memref<4x1024xf32, #tpu.memory_space<vmem>>
    %dma_start3A_769 = arith.constant 0 : i32
    %dma_start3A_770 = tpu.memref_slice %arg10[%add3A_765, %dma_start3A_769] : memref<128x1024xf32, #tpu.memory_space<hbm>> -> memref<4x1024xf32, #tpu.memory_space<hbm>>
    %dma_start3A_771 = arith.constant 0 : i32
    %dma_start3A_772 = tpu.memref_slice %arg10[%add3A_765, %dma_start3A_771] : memref<128x1024xf32, #tpu.memory_space<hbm>> -> memref<4x1024xf32, #tpu.memory_space<hbm>>
    %dma_start3A_773 = arith.constant 0 : i32
    %dma_start3A_774 = arith.constant 0 : i32
    %dma_start3A_775 = tpu.memref_slice %arg15[%dma_start3A_773, %dma_start3A_774] : memref<4x1024xf32, #tpu.memory_space<vmem>> -> memref<4x1024xf32, #tpu.memory_space<vmem>>
    tpu.enqueue_dma source(%dma_start3A_775 : memref<4x1024xf32, #tpu.memory_space<vmem>>) target(%dma_start3A_772 : memref<4x1024xf32, #tpu.memory_space<hbm>>) target_semaphore(%arg23 : memref<!tpu.dma_semaphore, #tpu.memory_space<semaphore_mem>>)
    %dma_wait3A_776 = arith.constant 0 : i32
    %dma_wait3A_777 = arith.constant 0 : i32
    %dma_wait3A_778 = tpu.memref_slice %arg14[%dma_wait3A_776, %dma_wait3A_777] : memref<32x1024xf32, #tpu.memory_space<vmem>> -> memref<16x1024xf32, #tpu.memory_space<vmem>>
    %dma_wait3A_779 = arith.constant 0 : i32
    %dma_wait3A_780 = tpu.memref_slice %arg9[%add3A_175, %dma_wait3A_779] : memref<1024x1024xf32, #tpu.memory_space<hbm>> -> memref<16x1024xf32, #tpu.memory_space<hbm>>
    %dma_wait3A_781 = arith.constant 0 : i32
    %dma_wait3A_782 = tpu.memref_slice %arg9[%add3A_175, %dma_wait3A_781] : memref<1024x1024xf32, #tpu.memory_space<hbm>> -> memref<16x1024xf32, #tpu.memory_space<hbm>>
    %dma_wait3A_783 = arith.constant 0 : i32
    %dma_wait3A_784 = arith.constant 0 : i32
    %dma_wait3A_785 = tpu.memref_slice %arg14[%dma_wait3A_783, %dma_wait3A_784] : memref<32x1024xf32, #tpu.memory_space<vmem>> -> memref<16x1024xf32, #tpu.memory_space<vmem>>
    tpu.wait_dma2 semaphore(%arg23 : memref<!tpu.dma_semaphore, #tpu.memory_space<semaphore_mem>>) src(%dma_wait3A_785 : memref<16x1024xf32, #tpu.memory_space<vmem>>) dst(%dma_wait3A_782 : memref<16x1024xf32, #tpu.memory_space<hbm>>)
    %dma_wait3A_786 = arith.constant 16 : i32
    %dma_wait3A_787 = arith.constant 0 : i32
    %dma_wait3A_788 = tpu.memref_slice %arg14[%dma_wait3A_786, %dma_wait3A_787] : memref<32x1024xf32, #tpu.memory_space<vmem>> -> memref<16x1024xf32, #tpu.memory_space<vmem>>
    %dma_wait3A_789 = arith.constant 0 : i32
    %dma_wait3A_790 = tpu.memref_slice %arg9[%add3A_320, %dma_wait3A_789] : memref<1024x1024xf32, #tpu.memory_space<hbm>> -> memref<16x1024xf32, #tpu.memory_space<hbm>>
    %dma_wait3A_791 = arith.constant 0 : i32
    %dma_wait3A_792 = tpu.memref_slice %arg9[%add3A_320, %dma_wait3A_791] : memref<1024x1024xf32, #tpu.memory_space<hbm>> -> memref<16x1024xf32, #tpu.memory_space<hbm>>
    %dma_wait3A_793 = arith.constant 16 : i32
    %dma_wait3A_794 = arith.constant 0 : i32
    %dma_wait3A_795 = tpu.memref_slice %arg14[%dma_wait3A_793, %dma_wait3A_794] : memref<32x1024xf32, #tpu.memory_space<vmem>> -> memref<16x1024xf32, #tpu.memory_space<vmem>>
    tpu.wait_dma2 semaphore(%arg23 : memref<!tpu.dma_semaphore, #tpu.memory_space<semaphore_mem>>) src(%dma_wait3A_795 : memref<16x1024xf32, #tpu.memory_space<vmem>>) dst(%dma_wait3A_792 : memref<16x1024xf32, #tpu.memory_space<hbm>>)
    %dma_wait3A_796 = arith.constant 0 : i32
    %dma_wait3A_797 = arith.constant 0 : i32
    %dma_wait3A_798 = tpu.memref_slice %arg13[%dma_wait3A_796, %dma_wait3A_797] : memref<32x256xf32, #tpu.memory_space<vmem>> -> memref<16x256xf32, #tpu.memory_space<vmem>>
    %dma_wait3A_799 = arith.constant 0 : i32
    %dma_wait3A_800 = tpu.memref_slice %arg8[%add3A_469, %dma_wait3A_799] : memref<1024x256xf32, #tpu.memory_space<hbm>> -> memref<16x256xf32, #tpu.memory_space<hbm>>
    %dma_wait3A_801 = arith.constant 0 : i32
    %dma_wait3A_802 = tpu.memref_slice %arg8[%add3A_469, %dma_wait3A_801] : memref<1024x256xf32, #tpu.memory_space<hbm>> -> memref<16x256xf32, #tpu.memory_space<hbm>>
    %dma_wait3A_803 = arith.constant 0 : i32
    %dma_wait3A_804 = arith.constant 0 : i32
    %dma_wait3A_805 = tpu.memref_slice %arg13[%dma_wait3A_803, %dma_wait3A_804] : memref<32x256xf32, #tpu.memory_space<vmem>> -> memref<16x256xf32, #tpu.memory_space<vmem>>
    tpu.wait_dma2 semaphore(%arg23 : memref<!tpu.dma_semaphore, #tpu.memory_space<semaphore_mem>>) src(%dma_wait3A_805 : memref<16x256xf32, #tpu.memory_space<vmem>>) dst(%dma_wait3A_802 : memref<16x256xf32, #tpu.memory_space<hbm>>)
    %dma_wait3A_806 = arith.constant 16 : i32
    %dma_wait3A_807 = arith.constant 0 : i32
    %dma_wait3A_808 = tpu.memref_slice %arg13[%dma_wait3A_806, %dma_wait3A_807] : memref<32x256xf32, #tpu.memory_space<vmem>> -> memref<16x256xf32, #tpu.memory_space<vmem>>
    %dma_wait3A_809 = arith.constant 0 : i32
    %dma_wait3A_810 = tpu.memref_slice %arg8[%add3A_614, %dma_wait3A_809] : memref<1024x256xf32, #tpu.memory_space<hbm>> -> memref<16x256xf32, #tpu.memory_space<hbm>>
    %dma_wait3A_811 = arith.constant 0 : i32
    %dma_wait3A_812 = tpu.memref_slice %arg8[%add3A_614, %dma_wait3A_811] : memref<1024x256xf32, #tpu.memory_space<hbm>> -> memref<16x256xf32, #tpu.memory_space<hbm>>
    %dma_wait3A_813 = arith.constant 16 : i32
    %dma_wait3A_814 = arith.constant 0 : i32
    %dma_wait3A_815 = tpu.memref_slice %arg13[%dma_wait3A_813, %dma_wait3A_814] : memref<32x256xf32, #tpu.memory_space<vmem>> -> memref<16x256xf32, #tpu.memory_space<vmem>>
    tpu.wait_dma2 semaphore(%arg23 : memref<!tpu.dma_semaphore, #tpu.memory_space<semaphore_mem>>) src(%dma_wait3A_815 : memref<16x256xf32, #tpu.memory_space<vmem>>) dst(%dma_wait3A_812 : memref<16x256xf32, #tpu.memory_space<hbm>>)
    %dma_wait3A_816 = arith.constant 0 : i32
    %dma_wait3A_817 = arith.constant 0 : i32
    %dma_wait3A_818 = tpu.memref_slice %arg15[%dma_wait3A_816, %dma_wait3A_817] : memref<4x1024xf32, #tpu.memory_space<vmem>> -> memref<4x1024xf32, #tpu.memory_space<vmem>>
    %dma_wait3A_819 = arith.constant 0 : i32
    %dma_wait3A_820 = tpu.memref_slice %arg10[%add3A_765, %dma_wait3A_819] : memref<128x1024xf32, #tpu.memory_space<hbm>> -> memref<4x1024xf32, #tpu.memory_space<hbm>>
    %dma_wait3A_821 = arith.constant 0 : i32
    %dma_wait3A_822 = tpu.memref_slice %arg10[%add3A_765, %dma_wait3A_821] : memref<128x1024xf32, #tpu.memory_space<hbm>> -> memref<4x1024xf32, #tpu.memory_space<hbm>>
    %dma_wait3A_823 = arith.constant 0 : i32
    %dma_wait3A_824 = arith.constant 0 : i32
    %dma_wait3A_825 = tpu.memref_slice %arg15[%dma_wait3A_823, %dma_wait3A_824] : memref<4x1024xf32, #tpu.memory_space<vmem>> -> memref<4x1024xf32, #tpu.memory_space<vmem>>
    tpu.wait_dma2 semaphore(%arg23 : memref<!tpu.dma_semaphore, #tpu.memory_space<semaphore_mem>>) src(%dma_wait3A_825 : memref<4x1024xf32, #tpu.memory_space<vmem>>) dst(%dma_wait3A_822 : memref<4x1024xf32, #tpu.memory_space<hbm>>)
    return
  }
}

module attributes {stable_mosaic.version = 14 : i64} {
  func.func @body(%arg0: i32, %arg1: memref<1024x256xf32, #tpu.memory_space<vmem>>, %arg2: memref<1024x256xf32, #tpu.memory_space<vmem>>, %arg3: memref<1024x1024xf32, #tpu.memory_space<vmem>>, %arg4: memref<128x1024xf32, #tpu.memory_space<vmem>>, %arg5: memref<1024x128xf32, #tpu.memory_space<vmem>>) attributes {dimension_semantics = [#tpu.dimension_semantics<arbitrary>], iteration_bounds = array<i64: 2>, scalar_prefetch = 0 : i64, scratch_operands = 0 : i64, tpu.core_type = #tpu.core_type<tc>, window_params = [{transform_indices = @transform_0, window_bounds = array<i64: 1024, 256>}, {pipeline_mode = #tpu.pipeline_mode<synchronous>, transform_indices = @transform_1, window_bounds = array<i64: 1024, 256>}, {pipeline_mode = #tpu.pipeline_mode<synchronous>, transform_indices = @transform_2, window_bounds = array<i64: 1024, 1024>}, {pipeline_mode = #tpu.pipeline_mode<synchronous>, transform_indices = @transform_3, window_bounds = array<i64: 128, 1024>}, {transform_indices = @transform_4, window_bounds = array<i64: 1024, 128>}]} {
    %get3A = arith.constant 0 : index
    %get3A_0 = arith.constant 0 : index
    %get3A_1 = vector.load %arg1[%get3A, %get3A_0] : memref<1024x256xf32, #tpu.memory_space<vmem>>, vector<1024x256xf32>
    %get3A_2 = arith.constant 0 : index
    %get3A_3 = arith.constant 0 : index
    %get3A_4 = vector.load %arg2[%get3A_2, %get3A_3] : memref<1024x256xf32, #tpu.memory_space<vmem>>, vector<1024x256xf32>
    %dot_general3A = arith.constant dense<0.000000e+00> : vector<1024x1024xf32>
    %dot_general3A_5 = tpu.matmul %get3A_1, %get3A_4, %dot_general3A {dimension_numbers = #tpu.dot_dimension_numbers<[1], [1], [0], [0], [0, 0, 1, 0], [], []>, transpose_lhs_hint = false} : vector<1024x256xf32>, vector<1024x256xf32>, vector<1024x1024xf32> -> vector<1024x1024xf32>
    %tanh3A = math.tanh %dot_general3A_5 : vector<1024x1024xf32>
    %get3A_6 = arith.constant 0 : index
    %get3A_7 = arith.constant 0 : index
    %get3A_8 = vector.load %arg3[%get3A_6, %get3A_7] : memref<1024x1024xf32, #tpu.memory_space<vmem>>, vector<1024x1024xf32>
    %dot_general3A_9 = arith.constant dense<0.000000e+00> : vector<1024x1024xf32>
    %dot_general3A_10 = tpu.matmul %tanh3A, %get3A_8, %dot_general3A_9 {dimension_numbers = #tpu.dot_dimension_numbers<[1], [1], [0], [0], [0, 0, 1, 0], [], []>, transpose_lhs_hint = false} : vector<1024x1024xf32>, vector<1024x1024xf32>, vector<1024x1024xf32> -> vector<1024x1024xf32>
    %tanh3A_11 = math.tanh %dot_general3A_10 : vector<1024x1024xf32>
    %get3A_12 = arith.constant 0 : index
    %get3A_13 = arith.constant 0 : index
    %get3A_14 = vector.load %arg4[%get3A_12, %get3A_13] : memref<128x1024xf32, #tpu.memory_space<vmem>>, vector<128x1024xf32>
    %dot_general3A_15 = arith.constant dense<0.000000e+00> : vector<1024x128xf32>
    %dot_general3A_16 = tpu.matmul %tanh3A_11, %get3A_14, %dot_general3A_15 {dimension_numbers = #tpu.dot_dimension_numbers<[1], [1], [0], [0], [0, 0, 1, 0], [], []>, transpose_lhs_hint = false} : vector<1024x1024xf32>, vector<128x1024xf32>, vector<1024x128xf32> -> vector<1024x128xf32>
    %tanh3A_17 = math.tanh %dot_general3A_16 : vector<1024x128xf32>
    %swap3A = arith.constant 0 : index
    %swap3A_18 = arith.constant 0 : index
    %swap3A_19 = vector.load %arg5[%swap3A, %swap3A_18] : memref<1024x128xf32, #tpu.memory_space<vmem>>, vector<1024x128xf32>
    tpu.vector_store %arg5[%swap3A, %swap3A_18], %tanh3A_17 {strides = array<i32>} : memref<1024x128xf32, #tpu.memory_space<vmem>>, vector<1024x128xf32>,
    return
  }
  func.func @transform_0(%arg0: i32) -> (i32, i32) {
    %c0_i32 = arith.constant 0 : i32
    %c0_i32_0 = arith.constant 0 : i32
    return %arg0, %c0_i32 : i32, i32
  }
  func.func @transform_1(%arg0: i32) -> (i32, i32) {
    %c0_i32 = arith.constant 0 : i32
    %c0_i32_0 = arith.constant 0 : i32
    %c0_i32_1 = arith.constant 0 : i32
    return %c0_i32, %c0_i32_0 : i32, i32
  }
  func.func @transform_2(%arg0: i32) -> (i32, i32) {
    %c0_i32 = arith.constant 0 : i32
    %c0_i32_0 = arith.constant 0 : i32
    %c0_i32_1 = arith.constant 0 : i32
    return %c0_i32, %c0_i32_0 : i32, i32
  }
  func.func @transform_3(%arg0: i32) -> (i32, i32) {
    %c0_i32 = arith.constant 0 : i32
    %c0_i32_0 = arith.constant 0 : i32
    %c0_i32_1 = arith.constant 0 : i32
    return %c0_i32, %c0_i32_0 : i32, i32
  }
  func.func @transform_4(%arg0: i32) -> (i32, i32) {
    %c0_i32 = arith.constant 0 : i32
    %c0_i32_0 = arith.constant 0 : i32
    return %arg0, %c0_i32 : i32, i32
  }
}

</mosaic_0001>

<sc_bundles>
// kernel: kernel.4.cloned.1.call-start
scs
__scs_entry_jumppad:
0x0: {  	(pc) =	sbr.rel $0x88, $3  }
0x1: {  	(tag) =	ssettag $0x0;
	lr =	simm.s32 $0x1  }
0x2: {  	[smem:$0x3F9A] =	sst lr;
	_ =	strace $0xD0000000  }
0x3: {  	_ = 	snop  }
0x4: {  	_ = 	snop  }
0x5: {  	_ = 	snop  }
0x6: {  	_ = 	snop  }
0x7: {  	_ = 	snop  }
__scs_overlays_trampoline_lowered:
0x8: {  	[smem:$0x3FA9] =	sst s0  }
0x9: {  	[smem:$0x3FAA] =	sst s1  }
0xa: {  	[smem:$0x3FAB] =	sst s2  }
0xb: {  	[smem:$0x3FAC] =	sst s3  }
0xc: {  	[smem:$0x3FAD] =	sst s4  }
0xd: {  	[smem:$0x3FAE] =	sst s5  }
0xe: {  	[smem:$0x3FAF] =	sst s6  }
0xf: {  	[smem:$0x3FB0] =	sst s7  }
0x10: {  	[smem:$0x3FB1] =	sst s8  }
0x11: {  	[smem:$0x3FB2] =	sst s9;
	s0 =	simm.s32 @!p0 $0x0  }
0x12: {  	s1 =	sld [smem:$0x3F98];
	s0 =	simm.s32 @p0 $0x1  }
0x13: {  	[smem:$0x3FB3] =	sst s0;
	s0 =	simm.s32 @!p1 $0x0  }
0x14: {  	s2 =	sld [smem:$0x3F97];
	s0 =	simm.s32 @p1 $0x1  }
0x15: {  	[smem:$0x3FB4] =	sst s0;
	s0 =	simm.s32 @!p2 $0x0  }
0x16: {  	s3 =	sld [smem:$0x3FDB];
	s0 =	simm.s32 @p2 $0x1  }
0x17: {  	s4 =	simm.s32 $0x1BF5;
	[smem:$0x3FB6] =	sst s0  }
0x18: {  	s0 =	sld [smem:$0x3F99];
	_ =	swait.ge [sflag:s4], $0x0  }
0x19: {  	s7 =	sld [smem:$0x3F9A]  }
0x1a: {  	s8 =	sadd.s32 $0xFFFFE003, lr  }
0x1b: {  	s9 =	sadd.s32 $0xFFFFFEF7, lr;
	s5 =	simm.s32 $0xFFFFFFFF;
	p2 =	slt.u32 s8, $0xFFFFF086  }
0x1c: {  	p1 =	slt.u32 s9, $0xF7A;
	s5 =	simm.s32 @!p2 $0x0  }
0x1d: {  	s5 =	simm.s32 @p1 $0x1;
	p0 =	seq.s32 s7, s2  }
0x1e: {  	s7 =	smul.u32 @!p0 $0xF7A, s2;
	p2 =	seq.s32 @!p0 s5, $0x0  }
0x1f: {  	s9 =	smul.u32 $0xF7A, s1;
	s8 =	simm.s32 @!p0 $0x1BF5;
	p2 =	por !p2, p0  }
0x20: {  	[sflag:s8] =	ssyncset.s32 @!p0 $0xFFFFF086;
	s6 =	sadd.s32 @!p0 s3, s7;
	s7 =	simm.s32 @!p0 $0x108  }
0x21: {  	s3 =	sadd.s32 s3, s9;
	s6 =	sadd.s32 @!p0 $0x88, s6;
	s7 =	simm.s32 @p2 $0x1082  }
0x22: {  	[simem:s7], [sflag:s8] =	dma.local @!p0 [hbm:s6], $0xF7A  }
0x23: {  	s9 =	sor.u32 $0xD0000000, s2;
	s6 =	simm.s32 $0x108;
	_ =	swait.ge @!p0 [sflag:s8], $0x0  }
0x24: {  	s3 =	sadd.s32 $0x88, s3;
	s6 =	simm.s32 @!p1 $0x1082;
	[sflag:s4] =	ssyncset.s32 $0xFFFFF086  }
0x25: {  	[simem:s6], [sflag:s4] =	dma.local [hbm:s3], $0xF7A  }
0x26: {  	[smem:$0x3F9A] =	sst s1;
	(tag) =	ssettag s2;
	_ =	strace s9  }
0x27: {  	s1 =	sld [smem:$0x3FAA]  }
0x28: {  	s2 =	sld [smem:$0x3FAB]  }
0x29: {  	s4 =	sld [smem:$0x3FAD]  }
0x2a: {  	p0 =	seq.s32 s5, $0x0;
	s5 =	sld [smem:$0x3FAE]  }
0x2b: {  	s6 =	sld [smem:$0x3FAF]  }
0x2c: {  	s7 =	sld [smem:$0x3FB0]  }
0x2d: {  	s3 =	simm.s32 $0x108;
	s8 =	sld [smem:$0x3FB1]  }
0x2e: {  	s3 =	simm.s32 @!p0 $0x1082;
	s9 =	sld [smem:$0x3FB2]  }
0x2f: {  	lr =	sadd.s32 s0, s3;
	s0 =	sld [smem:$0x3FA9]  }
0x30: {  	s3 =	sld [smem:$0x3FAC]  }
0x31: {  	[smem:$0x3FB5] =	sst s10  }
0x32: {  	s10 =	sld [smem:$0x3FB3];
	_ =	sdelay $0x3  }
0x33: {  	p0 =	seq.s32 s10, $0x1;
	s10 =	sld [smem:$0x3FB5];
	_ =	sdelay $0x3  }
0x34: {  	[smem:$0x3FB5] =	sst s10  }
0x35: {  	s10 =	sld [smem:$0x3FB4];
	_ =	sdelay $0x3  }
0x36: {  	p1 =	seq.s32 s10, $0x1;
	s10 =	sld [smem:$0x3FB5];
	_ =	sdelay $0x3  }
0x37: {  	[smem:$0x3FB5] =	sst s10  }
0x38: {  	s10 =	sld [smem:$0x3FB6]  }
0x39: {  	_ = 	snop;
	(pc) =	sbr.ind lr, $3  }
0x3a: {  	_ = 	snop  }
0x3b: {  	_ = 	snop  }
0x3c: {  	p2 =	seq.s32 s10, $0x1;
	s10 =	sld [smem:$0x3FB5]  }
0x3d: {  	_ =	shalt  }
0x3e: {  	_ =	shalt  }
0x3f: {  	_ =	shalt  }
0x40: {  	_ =	shalt  }
0x41: {  	_ =	shalt  }
0x42: {  	_ =	shalt  }
0x43: {  	_ =	shalt  }
0x44: {  	_ =	shalt  }
0x45: {  	_ =	shalt  }
0x46: {  	_ =	shalt  }
0x47: {  	_ =	shalt  }
0x48: {  	_ =	shalt  }
0x49: {  	_ =	shalt  }
0x4a: {  	_ =	shalt  }
0x4b: {  	_ =	shalt  }
0x4c: {  	_ =	shalt  }
0x4d: {  	_ =	shalt  }
0x4e: {  	_ =	shalt  }
0x4f: {  	_ =	shalt  }
0x50: {  	_ =	shalt  }
0x51: {  	_ =	shalt  }
0x52: {  	_ =	shalt  }
0x53: {  	_ =	shalt  }
0x54: {  	_ =	shalt  }
0x55: {  	_ =	shalt  }
0x56: {  	_ =	shalt  }
0x57: {  	_ =	shalt  }
0x58: {  	_ =	shalt  }
0x59: {  	_ =	shalt  }
0x5a: {  	_ =	shalt  }
0x5b: {  	_ =	shalt  }
0x5c: {  	_ =	shalt  }
0x5d: {  	_ =	shalt  }
0x5e: {  	_ =	shalt  }
0x5f: {  	_ =	shalt  }
0x60: {  	_ =	shalt  }
0x61: {  	_ =	shalt  }
0x62: {  	_ =	shalt  }
0x63: {  	_ =	shalt  }
0x64: {  	_ =	shalt  }
0x65: {  	_ =	shalt  }
0x66: {  	_ =	shalt  }
0x67: {  	_ =	shalt  }
0x68: {  	_ =	shalt  }
0x69: {  	_ =	shalt  }
0x6a: {  	_ =	shalt  }
0x6b: {  	_ =	shalt  }
0x6c: {  	_ =	shalt  }
0x6d: {  	_ =	shalt  }
0x6e: {  	_ =	shalt  }
0x6f: {  	_ =	shalt  }
0x70: {  	_ =	shalt  }
0x71: {  	_ =	shalt  }
0x72: {  	_ =	shalt  }
0x73: {  	_ =	shalt  }
0x74: {  	_ =	shalt  }
0x75: {  	_ =	shalt  }
0x76: {  	_ =	shalt  }
0x77: {  	_ =	shalt  }
0x78: {  	_ =	shalt  }
0x79: {  	_ =	shalt  }
0x7a: {  	_ =	shalt  }
0x7b: {  	_ =	shalt  }
0x7c: {  	_ =	shalt  }
0x7d: {  	_ =	shalt  }
0x7e: {  	_ =	shalt  }
0x7f: {  	_ =	shalt  }
0x80: {  	_ =	shalt  }
0x81: {  	_ =	shalt  }
0x82: {  	_ =	shalt  }
0x83: {  	_ =	shalt  }
0x84: {  	_ =	shalt  }
0x85: {  	_ =	shalt  }
0x86: {  	_ =	shalt  }
0x87: {  	_ =	shalt  }
.Lfunc_end0:
.L_simem_size_0:
called_computation_lowered:
.L_overlay_start_0:
0x88: {  	s2 =	sld [smem:$0x3FD9]  }
0x89: {  	s3 =	sld [smem:$0x3FFE];
	_ =	sdelay $0x1  }
0x8a: {  	s1 =	srdreg.scid  }
0x8b: {  	s0 =	sand.u32 $0x1, s1  }
0x8c: {  	s17 =	sshll.u32 s0, $0xA;
	s2 =	sadd.s32 s3, s2  }
0x8d: {  	s2 =	sadd.s32 s2, s17  }
0x8e: {  	[smem:$0x3FC1] =	sst s2  }
0x8f: {  	_ = 	snop  }
0x90: {  	s2 =	sld [smem:$0x3FC8]  }
0x91: {  	s18 =	sld [smem:$0x3FC7]  }
0x92: {  	s4 =	sld [smem:$0x3FC6]  }
0x93: {  	s5 =	sld [smem:$0x3FC5]  }
0x94: {  	s6 =	sld [smem:$0x3FC4]  }
0x95: {  	s7 =	sld [smem:$0x3FC3]  }
0x96: {  	s8 =	sld [smem:$0x3FD0];
	(tm) =	ssettm $0x1  }
0x97: {  	s9 =	sld [smem:$0x3FFB];
	_ =	sdelay $0x3  }
0x98: {  	_ =	strace s9  }
0x99: {  	s9 =	sld [smem:$0x3FFC];
	_ =	sdelay $0x3  }
0x9a: {  	_ =	strace s9  }
0x9b: {  	s9 =	sld [smem:$0x3FFD];
	_ =	sdelay $0x3  }
0x9c: {  	_ =	strace s9  }
0x9d: {  	_ =	strace $0x8FFFFFFF  }
0x9e: {  	s19 =	sld [smem:$0x3FDB];
	_ =	sdelay $0x1  }
0x9f: {  	s10 =	simm.s32 $_scs_section_size  }
0xa0: {  	s11 =	simm.s32 $_size__tile_overlayer_lowered;
	s12 =	simm.s32 $_tile_overlayer_lowered  }
0xa1: {  	s22 =	simm.s32 $0x1BFF;
	s21 =	sshll.u32 s12, $0x1;
	s9 =	sadd.s32 s10, s19  }
0xa2: {  	s13 =	simm.s32 $0x0;
	s20 =	sshll.u32 s11, $0x1;
	s11 =	sadd.s32 s21, s9  }
0xa3: {  	[timem:s13], [sflag:s22] =	dma.local [hbm:s11], s20  }
0xa4: {  	_ =	swait.ge [sflag:s22], s20  }
0xa5: {  	s10 =	ssub.s32 $0x0, s20;
	[sflag:s22] =	ssyncset.done $0x0  }
0xa6: {  	[sflag:s22] =	ssyncadd.s32 s10;
	_ =	sdelay $0x1  }
0xa7: {  	s23 =	simm.s32 $0x1B8B  }
0xa8: {  	_ =	swait.ge [sflag:s23], $0x1  }
0xa9: {  	[sflag:s23] =	ssyncset.done $0x0  }
0xaa: {  	s25 =	simm.s32 $0x1B8E;
	s24 =	sld [smem:$0x3FFE];
	[sflag:s23] =	ssyncadd.s32 $0xFFFFFFFF  }
0xab: {  	s26 =	simm.s32 $execute0_lowered;
	[smem:$0x3FD2] =	sst s25  }
0xac: {  	s11 =	sshll.u32 s26, $0x1;
	_ =	strace $0x80000046;
	[dreg:$0x1] =	wrdreg $0xFFFFFFFF  }
0xad: {  	s28 =	simm.s32 $_size_execute0_lowered;
	s9 =	sadd.s32 s9, s11;
	[dreg:$0x0] =	wrdreg $0x0  }
0xae: {  	s11 =	sshll.u32 s28, $0x1;
	[dreg:$0x2] =	wrdreg s9  }
0xaf: {  	[dreg:$0x3] =	wrdreg s11  }
0xb0: {  	[dreg:$0x4] =	wrdreg $0xC0  }
0xb1: {  	_ =	task [dreg:s13], $0x5FFFF  }
0xb2: {  	[dreg:$0x1] =	wrdreg $0xFFFFFFFF  }
0xb3: {  	[dreg:$0x0] =	wrdreg $0x60  }
0xb4: {  	[dreg:$0x2] =	wrdreg s5  }
0xb5: {  	[dreg:$0x3] =	wrdreg s2  }
0xb6: {  	[dreg:$0x4] =	wrdreg s6  }
0xb7: {  	[dreg:$0x5] =	wrdreg s18  }
0xb8: {  	[dreg:$0x6] =	wrdreg s7  }
0xb9: {  	[dreg:$0x7] =	wrdreg s4  }
0xba: {  	[dreg:$0x8] =	wrdreg s8  }
0xbb: {  	[dreg:$0x9] =	wrdreg s24  }
0xbc: {  	[dreg:$0xa] =	wrdreg $0x9  }
0xbd: {  	_ =	task.clear_ibuf [dreg:s13], $0xBFFFF;
	_ =	strace $0x90000046  }
0xbe: {  	s29 =	simm.s32 $0x9;
	_ =	strace $0x80000048  }
0xbf: {  	_ =	swait.ge [sflag:s29], $0x1  }
0xc0: {  	[sflag:s29] =	ssyncadd.s32 $0xFFFFFFFF  }
0xc1: {  	_ =	strace $0x90000048  }
0xc2: {  	_ =	sfence  }
0xc3: {  	s30 =	sld [smem:$0x0];
	_ =	sdelay $0x2  }
0xc4: {  	s31 =	sshll.u32 s1, $0xD;
	s1 =	sshrl.u32 s1, $0x2  }
0xc5: {  	s3 =	sand.u32 $0x4000, s31;
	s1 =	sadd.s32 s1, s30  }
0xc6: {  	s0 =	sor.u32 s3, s0;
	s1 =	sshll.u32 s1, $0x11  }
0xc7: {  	s0 =	sor.u32 s1, s0  }
0xc8: {  	s0 =	sadd.s32 $0x8F2B, s0  }
0xc9: {  	[sflag:s0] =	ssyncadd.remote.s32 $0x1  }
0xca: {  	_ =	sfence.sel $0xFFFF  }
0xcb: {  	[dreg:$0x0] =	wrdreg $0xFFFFFFFF;
	(pc) =	sbr.abs _section_cstart, $3  }
0xcc: {  	[dreg:$0x1] =	wrdreg $0xFFFFFFFF  }
0xcd: {  	_ =	task.clear_ibuf [dreg:s13], $0x2FFFF;
	_ =	strace $0x9FFFFFFF  }
0xce: {  	(tm) =	ssettm $0x7FFFFFFF  }
0xcf: {  	_ =	shalt  }
tec
execute0_lowered:
.L_overlay_start_1:
0x0: {  	(tag) =	ssettag $0x1  }
0x1: {  	v0 =	vimm.s32 $0x2380;
	vm14 =	vcmask $0x300;
	vm13 =	vcmask $0x704  }
0x2: {  	vm12 =	vcmask $0xB08;
	vm11 =	vcmask $0xF0C;
	vm10 =	vcmask $0x1310  }
0x3: {  	vm9 =	vcmask $0x1714;
	v1 =	vlaneseq.u32;
	vm8 =	vcmask $0x1B18  }
0x4: {  	vm7 =	vcmask $0x1F1C;
	vm6 =	vcmask $0x2320;
	vm5 =	vcmask $0x2724  }
0x5: {  	vm4 =	vcmask $0x2B28;
	vm3 =	vcmask $0x2F2C;
	vm2 =	vcmask $0x3330  }
0x6: {  	vm1 =	vcmask $0x3734;
	vm0 =	vcmask $0x3B38;
	v35 =	vimm.s32 $0xB80  }
0x7: {  	v36 =	vimm.s32 $0x1B80;
	v37 =	vimm.s32 $0x3180;
	v0 =	vsel vm14, $0x0, v0  }
0x8: {  	v35 =	vsel vm14, $0x0, v35;
	v36 =	vsel vm14, $0x1000, v36;
	v37 =	vsel vm14, $0x0, v37  }
0x9: {  	v0 =	vsel vm13, $0x80, v0;
	v35 =	vsel vm13, $0x80, v35;
	v36 =	vsel vm13, $0x1080, v36  }
0xa: {  	v37 =	vsel vm13, $0x80, v37;
	v0 =	vsel vm12, $0x100, v0;
	v35 =	vsel vm12, $0x100, v35  }
0xb: {  	v36 =	vsel vm12, $0x1100, v36;
	v37 =	vsel vm12, $0x100, v37;
	v0 =	vsel vm11, $0x180, v0  }
0xc: {  	v35 =	vsel vm11, $0x180, v35;
	v36 =	vsel vm11, $0x1180, v36;
	v37 =	vsel vm11, $0x180, v37  }
0xd: {  	v0 =	vsel vm10, $0x200, v0;
	v35 =	vsel vm10, $0x200, v35;
	v36 =	vsel vm10, $0x1200, v36  }
0xe: {  	v37 =	vsel vm10, $0x1000, v37;
	v2 =	vsel vm9, $0x280, v0;
	v0 =	vmul.u32 $0x10, v1  }
0xf: {  	v35 =	vsel vm9, $0x280, v35;
	v36 =	vsel vm9, $0x1280, v36;
	v37 =	vsel vm9, $0x1080, v37  }
0x10: {  	v1 =	vsel vm8, $0x300, v2;
	v2 =	vimm.s32 $0x6380;
	v35 =	vsel vm8, $0x300, v35  }
0x11: {  	v36 =	vsel vm8, $0x1300, v36;
	v37 =	vsel vm8, $0x1100, v37;
	v1 =	vsel vm7, $0x380, v1  }
0x12: {  	v2 =	vsel vm14, $0x4000, v2;
	v6 =	vor.u32 $0x4, v0;
	v8 =	vor.u32 $0x6, v0  }
0x13: {  	v10 =	vor.u32 $0x8, v0;
	v12 =	vor.u32 $0xA, v0;
	v14 =	vor.u32 $0xC, v0  }
0x14: {  	s0 =	rddreg [dreg:$0x0];
	v16 =	vor.u32 $0xE, v0;
	v18 =	vor.u32 $0x100, v0;
	v20 =	vor.u32 $0x101, v0  }
0x15: {  	s1 =	rddreg [dreg:$0x1];
	v21 =	vor.u32 $0x102, v0;
	v22 =	vor.u32 $0x103, v0;
	v23 =	vor.u32 $0x104, v0  }
0x16: {  	s3 =	rddreg [dreg:$0x2];
	v24 =	vor.u32 $0x105, v0;
	v25 =	vor.u32 $0x106, v0;
	v26 =	vor.u32 $0x107, v0  }
0x17: {  	s4 =	rddreg [dreg:$0x3];
	v27 =	vor.u32 $0x108, v0;
	v28 =	vor.u32 $0x109, v0;
	v29 =	vor.u32 $0x10A, v0  }
0x18: {  	s7 =	rddreg [dreg:$0x4];
	v30 =	vor.u32 $0x10B, v0;
	v31 =	vor.u32 $0x10C, v0;
	v32 =	vor.u32 $0x10D, v0  }
0x19: {  	s8 =	rddreg [dreg:$0x5];
	v33 =	vor.u32 $0x10E, v0;
	v34 =	vor.u32 $0x10F, v0;
	v35 =	vsel vm7, $0x380, v35  }
0x1a: {  	s2 =	srdreg.scid;
	s12 =	rddreg [dreg:$0x6];
	v36 =	vsel vm7, $0x1380, v36;
	v37 =	vsel vm7, $0x1180, v37;
	v1 =	vsel vm6, $0x2000, v1  }
0x1b: {  	s6 =	stileid.u32;
	s21 =	rddreg [dreg:$0x7];
	s16 =	simm.s32 $0xB400;
	v2 =	vsel vm13, $0x4080, v2;
	v35 =	vsel vm6, $0x800, v35;
	v36 =	vsel vm6, $0x1800, v36  }
0x1c: {  	s17 =	simm.s32 $0xB600;
	s18 =	simm.s32 $0xB800;
	s19 =	simm.s32 $0xB880;
	v37 =	vsel vm6, $0x2000, v37;
	v1 =	vsel vm5, $0x2080, v1;
	v2 =	vsel vm12, $0x4100, v2  }
0x1d: {  	s28 =	simm.s32 $0xA400;
	s29 =	simm.s32 $0x4;
	s30 =	simm.s32 $0x0;
	v35 =	vsel vm5, $0x880, v35;
	v36 =	vsel vm5, $0x1880, v36;
	v37 =	vsel vm5, $0x2080, v37  }
0x1e: {  	s5 =	sand.u32 $0x1, s2;
	s20 =	sshll.u32 s6, $0x1;
	s2 =	simm.s32 $0x0;
	v1 =	vsel vm4, $0x2100, v1;
	v2 =	vsel vm11, $0x4180, v2;
	v35 =	vsel vm4, $0x900, v35  }
0x1f: {  	s22 =	sadd.s32 $0x1000, s21;
	s10 =	sor.u32 s5, s20;
	[smem:$0x7FF] =	sst s2;
	v36 =	vsel vm4, $0x1900, v36;
	v37 =	vsel vm4, $0x2100, v37;
	v1 =	vsel vm3, $0x2180, v1  }
0x20: {  	s13 =	sshll.u32 s5, $0x9;
	s5 =	ssub.s32 $0x2, s5;
	s20 =	simm.s32 $0x2;
	v2 =	vsel vm10, $0x4200, v2;
	v35 =	vsel vm3, $0x980, v35;
	v36 =	vsel vm3, $0x1980, v36  }
0x21: {  	s9 =	sshll.u32 s10, $0xC;
	_ =	strace $0x80000047;
	s14 =	sshrl.u32 s5, $0x1;
	v37 =	vsel vm3, $0x2180, v37;
	v1 =	vsel vm2, $0x2200, v1;
	v4 =	vsel vm9, $0x4280, v2  }
0x22: {  	s23 =	sshll.u32 s10, $0x6;
	s24 =	sshll.u32 s10, $0x3;
	s25 =	sshll.u32 s10, $0x2;
	v35 =	vsel vm2, $0xA00, v35;
	v36 =	vsel vm2, $0x1A00, v36;
	v37 =	vsel vm2, $0x3000, v37  }
0x23: {  	s31 =	sshll.u32 s10, $0xA;
	s11 =	sand.u32 $0x1E000, s9;
	s14 =	ssub.s32 s5, s14;
	v3 =	vsel vm1, $0x2280, v1;
	v1 =	vimm.f32 $0.0e+00;
	v5 =	vsel vm8, $0x4300, v4  }
0x24: {  	s3 =	sadd.s32 s3, s23;
	s4 =	sadd.s32 s4, s23;
	s5 =	sadd.s32 s0, s23;
	v4 =	vor.u32 $0x2, v0;
	v35 =	vsel vm1, $0xA80, v35;
	v7 =	vsel vm7, $0x4380, v5  }
0x25: {  	s6 =	sadd.s32 s1, s23;
	s7 =	sadd.s32 s7, s24;
	s8 =	sadd.s32 s8, s24;
	v36 =	vsel vm1, $0x1A80, v36;
	v37 =	vsel vm1, $0x3080, v37;
	v9 =	vsel vm6, $0x6000, v7  }
0x26: {  	s26 =	sor.u32 $0x2, s25;
	s9 =	sadd.s32 s22, s9;
	s23 =	simm.s32 $0x1;
	v2 =	vsel vm0, $0x2300, v3;
	v3 =	vor.u32 $0x1, v0;
	v11 =	vsel vm5, $0x6080, v9  }
0x27: {  	s24 =	simm.s32 $0x400;
	s11 =	sor.u32 s13, s11;
	[dreg:$0x9] =	wrdreg s3;
	v5 =	vor.u32 $0x3, v0;
	v35 =	vsel vm0, $0xB00, v35;
	v13 =	vsel vm4, $0x6100, v11  }
0x28: {  	s1 =	sshll.u32 s26, $0xA;
	s0 =	sshll.u32 s26, $0x8;
	s14 =	smax.u32 s14, $0x1;
	v36 =	vsel vm0, $0x1B00, v36;
	v37 =	vsel vm0, $0x3100, v37;
	v15 =	vsel vm3, $0x6180, v13  }
0x29: {  	s26 =	simm.s32 $0x3;
	s11 =	sshrl.u32 s11, $0x3;
	s10 =	sadd.s32 s22, s1;
	v7 =	vor.u32 $0x5, v0;
	v9 =	vor.u32 $0x7, v0;
	v17 =	vsel vm2, $0x6200, v15  }
0x2a: {  	s15 =	sadd.s32 s11, s21;
	s11 =	sadd.s32 s12, s31;
	s12 =	sadd.s32 s12, s0;
	v11 =	vor.u32 $0x9, v0;
	v13 =	vor.u32 $0xB, v0;
	v19 =	vsel vm1, $0x6280, v17  }
0x2b: {  	s21 =	simm.s32 $0x2400;
	s13 =	sadd.s32 $0x21000, s15;
	s15 =	simm.s32 $0x200;
	v15 =	vor.u32 $0xD, v0;
	v17 =	vor.u32 $0xF, v0;
	v19 =	vsel vm0, $0x6300, v19  }
.LBB2_1:
0x2c: {  	s0 =	rddreg [dreg:$0x9]  }
0x2d: {  	[tilespmem:s2], [sflag:$0x2] =	stream.linear.gather [hbm4b:s0+s2], $0x200, $0x38;
	[tilespmem:$0xB900] =	vst v63  }
0x2e: {  	_ = 	snop  }
0x2f: {  	[tilespmem:s15], [sflag:$0x2] =	stream.linear.gather [hbm4b:s4+s2], $0x200, $0x38;
	[tilespmem:$0xB900] =	vst v63  }
0x30: {  	_ = 	snop  }
0x31: {  	[tilespmem:s16], [sflag:$0x1] =	stream.linear.gather [hbm4b:s5+s2], $0x200, $0x38;
	[tilespmem:$0xB900] =	vst v63  }
0x32: {  	_ = 	snop  }
0x33: {  	[tilespmem:s17], [sflag:$0x1] =	stream.linear.gather [hbm4b:s6+s2], $0x200, $0x38;
	[tilespmem:$0xB900] =	vst v63  }
0x34: {  	s1 =	simm.s32 $0xFFFF8000  }
0x35: {  	[tilespmem:s18], [sflag:$0x3] =	stream.linear.gather [hbm4b:s7+s2], $0x40, $0x38;
	[tilespmem:$0xB900] =	vst v63  }
0x36: {  	s31 =	simm.s32 $0x0;
	s22 =	simm.s32 $0x0;
	s0 =	simm.s32 $0x0  }
0x37: {  	[tilespmem:s19], [sflag:$0x3] =	stream.linear.gather [hbm4b:s8+s2], $0x40, $0x38;
	[tilespmem:$0xB900] =	vst v63  }
.LBB2_2:
0x38: {  	s25 =	sadd.s32 $0x8000, s1  }
0x39: {  	s3 =	sand.u32 $0x380, s22;
	s25 =	sand.u32 $0x6000, s25  }
0x3a: {  	s3 =	sor.u32 s3, s25  }
0x3b: {  	[tilespmem:s3+$0x2400] =	vst v1  }
0x3c: {  	[tilespmem:s3+$0x2410] =	vst v1  }
0x3d: {  	[tilespmem:s3+$0x2420] =	vst v1  }
0x3e: {  	[tilespmem:s3+$0x2430] =	vst v1  }
0x3f: {  	[tilespmem:s3+$0x2440] =	vst v1  }
0x40: {  	[tilespmem:s3+$0x2450] =	vst v1  }
0x41: {  	[tilespmem:s3+$0x2460] =	vst v1  }
0x42: {  	[tilespmem:s3+$0x2470] =	vst v1  }
0x43: {  	[tilespmem:s3+$0x2800] =	vst v1  }
0x44: {  	[tilespmem:s3+$0x2810] =	vst v1  }
0x45: {  	[tilespmem:s3+$0x2820] =	vst v1  }
0x46: {  	[tilespmem:s3+$0x2830] =	vst v1  }
0x47: {  	[tilespmem:s3+$0x2840] =	vst v1  }
0x48: {  	[tilespmem:s3+$0x2850] =	vst v1  }
0x49: {  	[tilespmem:s3+$0x2860] =	vst v1  }
0x4a: {  	[tilespmem:s3+$0x2870] =	vst v1  }
0x4b: {  	[tilespmem:s3+$0x2C00] =	vst v1  }
0x4c: {  	[tilespmem:s3+$0x2C10] =	vst v1  }
0x4d: {  	[tilespmem:s3+$0x2C20] =	vst v1  }
0x4e: {  	[tilespmem:s3+$0x2C30] =	vst v1  }
0x4f: {  	[tilespmem:s3+$0x2C40] =	vst v1  }
0x50: {  	[tilespmem:s3+$0x2C50] =	vst v1  }
0x51: {  	[tilespmem:s3+$0x2C60] =	vst v1  }
0x52: {  	[tilespmem:s3+$0x2C70] =	vst v1  }
0x53: {  	[tilespmem:s3+$0x3000] =	vst v1  }
0x54: {  	[tilespmem:s3+$0x3010] =	vst v1  }
0x55: {  	[tilespmem:s3+$0x3020] =	vst v1  }
0x56: {  	[tilespmem:s3+$0x3030] =	vst v1  }
0x57: {  	[tilespmem:s3+$0x3040] =	vst v1  }
0x58: {  	[tilespmem:s3+$0x3050] =	vst v1  }
0x59: {  	[tilespmem:s3+$0x3060] =	vst v1  }
0x5a: {  	[tilespmem:s3+$0x3070] =	vst v1  }
0x5b: {  	[tilespmem:s3+$0x3400] =	vst v1  }
0x5c: {  	[tilespmem:s3+$0x3410] =	vst v1  }
0x5d: {  	[tilespmem:s3+$0x3420] =	vst v1  }
0x5e: {  	[tilespmem:s3+$0x3430] =	vst v1  }
0x5f: {  	[tilespmem:s3+$0x3440] =	vst v1  }
0x60: {  	[tilespmem:s3+$0x3450] =	vst v1  }
0x61: {  	[tilespmem:s3+$0x3460] =	vst v1  }
0x62: {  	[tilespmem:s3+$0x3470] =	vst v1  }
0x63: {  	[tilespmem:s3+$0x3800] =	vst v1  }
0x64: {  	[tilespmem:s3+$0x3810] =	vst v1  }
0x65: {  	[tilespmem:s3+$0x3820] =	vst v1  }
0x66: {  	[tilespmem:s3+$0x3830] =	vst v1  }
0x67: {  	[tilespmem:s3+$0x3840] =	vst v1  }
0x68: {  	[tilespmem:s3+$0x3850] =	vst v1  }
0x69: {  	[tilespmem:s3+$0x3860] =	vst v1  }
0x6a: {  	[tilespmem:s3+$0x3870] =	vst v1  }
0x6b: {  	[tilespmem:s3+$0x3C00] =	vst v1  }
0x6c: {  	[tilespmem:s3+$0x3C10] =	vst v1  }
0x6d: {  	[tilespmem:s3+$0x3C20] =	vst v1  }
0x6e: {  	[tilespmem:s3+$0x3C30] =	vst v1  }
0x6f: {  	s25 =	sand.u32 $0x7, s31;
	[tilespmem:s3+$0x3C40] =	vst v1  }
0x70: {  	s25 =	sshll.u32 s25, $0x7;
	[tilespmem:s3+$0x3C50] =	vst v1  }
0x71: {  	[tilespmem:s3+$0x3C60] =	vst v1;
	s25 =	sadd.s32 s25, s0  }
0x72: {  	[tilespmem:s3+$0x3C70] =	vst v1;
	s3 =	sor.u32 $0x1C00, s25  }
0x73: {  	[tilespmem:s3+$0x2400] =	vst v1;
	s3 =	sor.u32 $0x1C10, s25  }
0x74: {  	[tilespmem:s3+$0x2400] =	vst v1;
	s3 =	sor.u32 $0x1C20, s25  }
0x75: {  	p0 =	sne.s32 s22, $0xF80;
	[tilespmem:s3+$0x2400] =	vst v1;
	s3 =	sor.u32 $0x1C30, s25  }
.Ltmp0:
0x76: {  	[tilespmem:s3+$0x2400] =	vst v1;
	s3 =	sor.u32 $0x1C40, s25;
	(pc) =	sbr.rel @p0 .LBB2_2-.Ltmp0, $4  }
0x77: {  	[tilespmem:s3+$0x2400] =	vst v1;
	s3 =	sor.u32 $0x1C50, s25  }
0x78: {  	[tilespmem:s3+$0x2400] =	vst v1;
	s3 =	sor.u32 $0x1C60, s25  }
0x79: {  	s1 =	sadd.s32 $0x400, s1;
	s25 =	sor.u32 $0x1C70, s25;
	[tilespmem:s3+$0x2400] =	vst v1  }
0x7a: {  	s22 =	sadd.s32 $0x80, s22;
	s31 =	sadd.s32 $0x1, s31;
	s0 =	sadd.s32 $0x400, s0;
	[tilespmem:s25+$0x2400] =	vst v1  }
0x7b: {  	s0 =	simm.s32 $0x0  }
0x7c: {  	s1 =	sand.u32 $0x1800, s0;
	s0 =	sand.u32 $0x380, s0  }
0x7d: {  	s0 =	sor.u32 s0, s1  }
0x7e: {  	[tilespmem:s0+$0x870] =	vst v1  }
0x7f: {  	[tilespmem:s0+$0x400] =	vst v1  }
0x80: {  	[tilespmem:s0+$0x410] =	vst v1  }
0x81: {  	[tilespmem:s0+$0x420] =	vst v1  }
0x82: {  	[tilespmem:s0+$0x430] =	vst v1  }
0x83: {  	[tilespmem:s0+$0x440] =	vst v1  }
0x84: {  	[tilespmem:s0+$0x450] =	vst v1  }
0x85: {  	[tilespmem:s0+$0x460] =	vst v1  }
0x86: {  	[tilespmem:s0+$0x470] =	vst v1  }
0x87: {  	[tilespmem:s0+$0x800] =	vst v1  }
0x88: {  	[tilespmem:s0+$0x810] =	vst v1  }
0x89: {  	[tilespmem:s0+$0x820] =	vst v1  }
0x8a: {  	[tilespmem:s0+$0x830] =	vst v1  }
0x8b: {  	s3 =	simm.s32 $0x100;
	s1 =	simm.s32 $0x80;
	[tilespmem:s0+$0x840] =	vst v1  }
0x8c: {  	s22 =	simm.s32 $0x200;
	s31 =	sand.u32 $0x1800, s3;
	s25 =	sand.u32 $0x380, s1;
	[tilespmem:s0+$0x850] =	vst v1  }
.LBB2_4:
0x8d: {  	p0 =	sne.s32 s22, $0x1F00;
	[tilespmem:s0+$0x860] =	vst v1;
	s0 =	sor.u32 s25, s31  }
0x8e: {  	[tilespmem:s0+$0x870] =	vst v1  }
0x8f: {  	[tilespmem:s0+$0x400] =	vst v1  }
0x90: {  	[tilespmem:s0+$0x410] =	vst v1  }
0x91: {  	[tilespmem:s0+$0x420] =	vst v1  }
0x92: {  	[tilespmem:s0+$0x430] =	vst v1  }
0x93: {  	[tilespmem:s0+$0x440] =	vst v1  }
0x94: {  	[tilespmem:s0+$0x450] =	vst v1  }
0x95: {  	[tilespmem:s0+$0x460] =	vst v1  }
0x96: {  	[tilespmem:s0+$0x470] =	vst v1  }
0x97: {  	[tilespmem:s0+$0x800] =	vst v1  }
.Ltmp1:
0x98: {  	[tilespmem:s0+$0x810] =	vst v1;
	(pc) =	sbr.rel @p0 .LBB2_4-.Ltmp1, $4  }
0x99: {  	[tilespmem:s0+$0x820] =	vst v1  }
0x9a: {  	[tilespmem:s0+$0x830] =	vst v1  }
0x9b: {  	s1 =	sadd.s32 $0x80, s1;
	[tilespmem:s0+$0x840] =	vst v1  }
0x9c: {  	s31 =	sand.u32 $0x1800, s22;
	s22 =	sadd.s32 $0x100, s22;
	s25 =	sand.u32 $0x380, s1;
	[tilespmem:s0+$0x850] =	vst v1  }
0x9d: {  	s1 =	sor.u32 s25, s31;
	[tilespmem:s0+$0x860] =	vst v1  }
0x9e: {  	[tilespmem:s1+$0x870] =	vst v1  }
0x9f: {  	[tilespmem:s1+$0x400] =	vst v1  }
0xa0: {  	[tilespmem:s1+$0x410] =	vst v1  }
0xa1: {  	[tilespmem:s1+$0x420] =	vst v1  }
0xa2: {  	[tilespmem:s1+$0x430] =	vst v1  }
0xa3: {  	[tilespmem:s1+$0x440] =	vst v1  }
0xa4: {  	[tilespmem:s1+$0x450] =	vst v1  }
0xa5: {  	[tilespmem:s1+$0x460] =	vst v1  }
0xa6: {  	[tilespmem:s1+$0x470] =	vst v1  }
0xa7: {  	[tilespmem:s1+$0x800] =	vst v1  }
0xa8: {  	[tilespmem:s1+$0x810] =	vst v1  }
0xa9: {  	[tilespmem:s1+$0x820] =	vst v1  }
0xaa: {  	[tilespmem:s1+$0x830] =	vst v1  }
0xab: {  	[tilespmem:s1+$0x840] =	vst v1  }
0xac: {  	[tilespmem:s1+$0x850] =	vst v1  }
0xad: {  	s31 =	simm.s32 $0xFFFFFE00;
	[tilespmem:s1+$0x860] =	vst v1;
	s1 =	simm.s32 $0xFFFFFA00  }
.LBB2_6:
0xae: {  	p0 =	sne.s32 s1, $0xFFFFFE00;
	[tilespmem:s31+$0xB470] =	vst v1  }
0xaf: {  	[tilespmem:s31+$0xA600] =	vst v1  }
0xb0: {  	[tilespmem:s31+$0xA610] =	vst v1  }
0xb1: {  	[tilespmem:s31+$0xA620] =	vst v1  }
0xb2: {  	[tilespmem:s31+$0xA630] =	vst v1  }
0xb3: {  	[tilespmem:s31+$0xA640] =	vst v1  }
0xb4: {  	[tilespmem:s31+$0xA650] =	vst v1  }
0xb5: {  	[tilespmem:s31+$0xA660] =	vst v1  }
0xb6: {  	[tilespmem:s31+$0xA670] =	vst v1  }
0xb7: {  	[tilespmem:s31+$0xA800] =	vst v1  }
0xb8: {  	[tilespmem:s31+$0xA810] =	vst v1  }
0xb9: {  	[tilespmem:s31+$0xA820] =	vst v1  }
0xba: {  	[tilespmem:s31+$0xA830] =	vst v1  }
0xbb: {  	[tilespmem:s31+$0xA840] =	vst v1  }
0xbc: {  	[tilespmem:s31+$0xA850] =	vst v1  }
0xbd: {  	[tilespmem:s31+$0xA860] =	vst v1  }
0xbe: {  	[tilespmem:s31+$0xA870] =	vst v1  }
0xbf: {  	[tilespmem:s31+$0xAA00] =	vst v1  }
0xc0: {  	[tilespmem:s31+$0xAA10] =	vst v1  }
0xc1: {  	[tilespmem:s31+$0xAA20] =	vst v1  }
0xc2: {  	[tilespmem:s31+$0xAA30] =	vst v1  }
0xc3: {  	[tilespmem:s31+$0xAA40] =	vst v1  }
0xc4: {  	[tilespmem:s31+$0xAA50] =	vst v1  }
0xc5: {  	[tilespmem:s31+$0xAA60] =	vst v1  }
0xc6: {  	[tilespmem:s31+$0xAA70] =	vst v1  }
0xc7: {  	[tilespmem:s31+$0xAC00] =	vst v1  }
0xc8: {  	[tilespmem:s31+$0xAC10] =	vst v1  }
0xc9: {  	[tilespmem:s31+$0xAC20] =	vst v1  }
0xca: {  	[tilespmem:s31+$0xAC30] =	vst v1  }
0xcb: {  	[tilespmem:s31+$0xAC40] =	vst v1  }
0xcc: {  	[tilespmem:s31+$0xAC50] =	vst v1  }
0xcd: {  	[tilespmem:s31+$0xAC60] =	vst v1  }
0xce: {  	[tilespmem:s31+$0xAC70] =	vst v1  }
0xcf: {  	[tilespmem:s31+$0xAE00] =	vst v1  }
0xd0: {  	[tilespmem:s31+$0xAE10] =	vst v1  }
0xd1: {  	[tilespmem:s31+$0xAE20] =	vst v1  }
0xd2: {  	[tilespmem:s31+$0xAE30] =	vst v1  }
0xd3: {  	[tilespmem:s31+$0xAE40] =	vst v1  }
0xd4: {  	[tilespmem:s31+$0xAE50] =	vst v1  }
0xd5: {  	[tilespmem:s31+$0xAE60] =	vst v1  }
0xd6: {  	[tilespmem:s31+$0xAE70] =	vst v1  }
0xd7: {  	[tilespmem:s31+$0xB000] =	vst v1  }
0xd8: {  	[tilespmem:s31+$0xB010] =	vst v1  }
0xd9: {  	[tilespmem:s31+$0xB020] =	vst v1  }
0xda: {  	[tilespmem:s31+$0xB030] =	vst v1  }
0xdb: {  	[tilespmem:s31+$0xB040] =	vst v1  }
0xdc: {  	[tilespmem:s31+$0xB050] =	vst v1  }
0xdd: {  	[tilespmem:s31+$0xB060] =	vst v1  }
0xde: {  	[tilespmem:s31+$0xB070] =	vst v1  }
0xdf: {  	[tilespmem:s31+$0xB200] =	vst v1  }
0xe0: {  	[tilespmem:s31+$0xB210] =	vst v1  }
0xe1: {  	[tilespmem:s31+$0xB220] =	vst v1  }
0xe2: {  	[tilespmem:s31+$0xB230] =	vst v1  }
0xe3: {  	[tilespmem:s31+$0xB240] =	vst v1  }
0xe4: {  	[tilespmem:s31+$0xB250] =	vst v1  }
0xe5: {  	[tilespmem:s31+$0xB260] =	vst v1  }
0xe6: {  	[tilespmem:s31+$0xB270] =	vst v1  }
0xe7: {  	[tilespmem:s31+$0xB400] =	vst v1  }
0xe8: {  	[tilespmem:s31+$0xB410] =	vst v1  }
.Ltmp2:
0xe9: {  	[tilespmem:s31+$0xB420] =	vst v1;
	(pc) =	sbr.rel @p0 .LBB2_6-.Ltmp2, $4  }
0xea: {  	[tilespmem:s31+$0xB430] =	vst v1  }
0xeb: {  	[tilespmem:s31+$0xB440] =	vst v1  }
0xec: {  	[tilespmem:s31+$0xB450] =	vst v1  }
0xed: {  	[tilespmem:s31+$0xB460] =	vst v1;
	s31 =	sshra.s32 s1, $0x2;
	s1 =	sadd.s32 $0x200, s1  }
0xee: {  	[tilespmem:s31+$0xB470] =	vst v1  }
0xef: {  	[tilespmem:s31+$0xA600] =	vst v1  }
0xf0: {  	[tilespmem:s31+$0xA610] =	vst v1  }
0xf1: {  	[tilespmem:s31+$0xA620] =	vst v1  }
0xf2: {  	[tilespmem:s31+$0xA630] =	vst v1  }
0xf3: {  	[tilespmem:s31+$0xA640] =	vst v1  }
0xf4: {  	[tilespmem:s31+$0xA650] =	vst v1  }
0xf5: {  	[tilespmem:s31+$0xA660] =	vst v1  }
0xf6: {  	[tilespmem:s31+$0xA670] =	vst v1  }
0xf7: {  	[tilespmem:s31+$0xA800] =	vst v1  }
0xf8: {  	[tilespmem:s31+$0xA810] =	vst v1  }
0xf9: {  	[tilespmem:s31+$0xA820] =	vst v1  }
0xfa: {  	[tilespmem:s31+$0xA830] =	vst v1  }
0xfb: {  	[tilespmem:s31+$0xA840] =	vst v1  }
0xfc: {  	[tilespmem:s31+$0xA850] =	vst v1  }
0xfd: {  	[tilespmem:s31+$0xA860] =	vst v1  }
0xfe: {  	[tilespmem:s31+$0xA870] =	vst v1  }
0xff: {  	[tilespmem:s31+$0xAA00] =	vst v1  }
0x100: {  	[tilespmem:s31+$0xAA10] =	vst v1  }
0x101: {  	[tilespmem:s31+$0xAA20] =	vst v1  }
0x102: {  	[tilespmem:s31+$0xAA30] =	vst v1  }
0x103: {  	[tilespmem:s31+$0xAA40] =	vst v1  }
0x104: {  	[tilespmem:s31+$0xAA50] =	vst v1  }
0x105: {  	[tilespmem:s31+$0xAA60] =	vst v1  }
0x106: {  	[tilespmem:s31+$0xAA70] =	vst v1  }
0x107: {  	[tilespmem:s31+$0xAC00] =	vst v1  }
0x108: {  	[tilespmem:s31+$0xAC10] =	vst v1  }
0x109: {  	[tilespmem:s31+$0xAC20] =	vst v1  }
0x10a: {  	[tilespmem:s31+$0xAC30] =	vst v1  }
0x10b: {  	[tilespmem:s31+$0xAC40] =	vst v1  }
0x10c: {  	[tilespmem:s31+$0xAC50] =	vst v1  }
0x10d: {  	[tilespmem:s31+$0xAC60] =	vst v1  }
0x10e: {  	[tilespmem:s31+$0xAC70] =	vst v1  }
0x10f: {  	[tilespmem:s31+$0xAE00] =	vst v1  }
0x110: {  	[tilespmem:s31+$0xAE10] =	vst v1  }
0x111: {  	[tilespmem:s31+$0xAE20] =	vst v1  }
0x112: {  	[tilespmem:s31+$0xAE30] =	vst v1  }
0x113: {  	[tilespmem:s31+$0xAE40] =	vst v1  }
0x114: {  	[tilespmem:s31+$0xAE50] =	vst v1  }
0x115: {  	[tilespmem:s31+$0xAE60] =	vst v1  }
0x116: {  	[tilespmem:s31+$0xAE70] =	vst v1  }
0x117: {  	[tilespmem:s31+$0xB000] =	vst v1  }
0x118: {  	[tilespmem:s31+$0xB010] =	vst v1  }
0x119: {  	[tilespmem:s31+$0xB020] =	vst v1  }
0x11a: {  	[tilespmem:s31+$0xB030] =	vst v1  }
0x11b: {  	[tilespmem:s31+$0xB040] =	vst v1  }
0x11c: {  	[tilespmem:s31+$0xB050] =	vst v1  }
0x11d: {  	[tilespmem:s31+$0xB060] =	vst v1  }
0x11e: {  	[tilespmem:s31+$0xB070] =	vst v1  }
0x11f: {  	[tilespmem:s31+$0xB200] =	vst v1  }
0x120: {  	[tilespmem:s31+$0xB210] =	vst v1  }
0x121: {  	[tilespmem:s31+$0xB220] =	vst v1  }
0x122: {  	[tilespmem:s31+$0xB230] =	vst v1  }
0x123: {  	[tilespmem:s31+$0xB240] =	vst v1  }
0x124: {  	[tilespmem:s31+$0xB250] =	vst v1  }
0x125: {  	[tilespmem:s31+$0xB260] =	vst v1  }
0x126: {  	[tilespmem:s31+$0xB270] =	vst v1  }
0x127: {  	[tilespmem:s31+$0xB400] =	vst v1  }
0x128: {  	[tilespmem:s31+$0xB410] =	vst v1  }
0x129: {  	[tilespmem:s31+$0xB420] =	vst v1  }
0x12a: {  	[tilespmem:s31+$0xB430] =	vst v1  }
0x12b: {  	[tilespmem:s31+$0xB440] =	vst v1  }
0x12c: {  	[tilespmem:s31+$0xB450] =	vst v1  }
0x12d: {  	[tilespmem:s31+$0xB460] =	vst v1  }
0x12e: {  	_ =	swait.ge [sflag:s20], $0x200  }
0x12f: {  	[sflag:s20] =	ssyncset.done $0x0  }
0x130: {  	[sflag:s20] =	ssyncadd.s32 $0xFFFFFE00  }
0x131: {  	_ =	swait.ge [sflag:s20], $0x200  }
0x132: {  	[sflag:s20] =	ssyncset.done $0x0  }
0x133: {  	[sflag:s20] =	ssyncadd.s32 $0xFFFFFE00  }
0x134: {  	v38 =	vld.idx.msk [tilespmem:v0+s2+$0x0], $0xffff;
	_ =	sdelay $0x4  }
0x135: {  	v39 =	vshll.u32 v38, $0x3  }
0x136: {  	v38 =	vand.u32 $0x7F, v38;
	v39 =	vand.u32 $0xFFFFFC00, v39  }
0x137: {  	v38 =	vor.u32 v38, v39  }
0x138: {  	v57 =	vld.idx.msk [tilespmem:v0+s15+$0x0], $0xffff;
	v38 =	vadd.s32 v2, v38;
	_ =	sdelay $0x4  }
0x139: {  	[tilespmem:v38+s21+$0x0] =	vst.idx.add.f32.msk $0xffff, v57  }
0x13a: {  	v38 =	vld.idx.msk [tilespmem:v3+s2+$0x0], $0xffff;
	_ =	sdelay $0x4  }
0x13b: {  	v58 =	vshll.u32 v38, $0x3  }
0x13c: {  	v38 =	vand.u32 $0x7F, v38;
	v39 =	vand.u32 $0xFFFFFC00, v58  }
0x13d: {  	v38 =	vor.u32 v38, v39  }
0x13e: {  	v59 =	vld.idx.msk [tilespmem:v3+s15+$0x0], $0xffff;
	v38 =	vadd.s32 v2, v38;
	_ =	sdelay $0x4  }
0x13f: {  	[tilespmem:v38+s21+$0x0] =	vst.idx.add.f32.msk $0xffff, v59  }
0x140: {  	v38 =	vld.idx.msk [tilespmem:v4+s2+$0x0], $0xffff;
	_ =	sdelay $0x4  }
0x141: {  	v60 =	vshll.u32 v38, $0x3  }
0x142: {  	v38 =	vand.u32 $0x7F, v38;
	v39 =	vand.u32 $0xFFFFFC00, v60  }
0x143: {  	v38 =	vor.u32 v38, v39  }
0x144: {  	v61 =	vld.idx.msk [tilespmem:v4+s15+$0x0], $0xffff;
	v38 =	vadd.s32 v2, v38;
	_ =	sdelay $0x4  }
0x145: {  	[tilespmem:v38+s21+$0x0] =	vst.idx.add.f32.msk $0xffff, v61  }
0x146: {  	v38 =	vld.idx.msk [tilespmem:v5+s2+$0x0], $0xffff;
	_ =	sdelay $0x4  }
0x147: {  	v62 =	vshll.u32 v38, $0x3  }
0x148: {  	v38 =	vand.u32 $0x7F, v38;
	v39 =	vand.u32 $0xFFFFFC00, v62  }
0x149: {  	v38 =	vor.u32 v38, v39  }
0x14a: {  	v63 =	vld.idx.msk [tilespmem:v5+s15+$0x0], $0xffff;
	v38 =	vadd.s32 v2, v38;
	_ =	sdelay $0x4  }
0x14b: {  	[tilespmem:v38+s21+$0x0] =	vst.idx.add.f32.msk $0xffff, v63  }
0x14c: {  	v38 =	vld.idx.msk [tilespmem:v6+s2+$0x0], $0xffff;
	_ =	sdelay $0x4  }
0x14d: {  	v42 =	vshll.u32 v38, $0x3  }
0x14e: {  	v38 =	vand.u32 $0x7F, v38;
	v39 =	vand.u32 $0xFFFFFC00, v42  }
0x14f: {  	v38 =	vor.u32 v38, v39  }
0x150: {  	v43 =	vld.idx.msk [tilespmem:v6+s15+$0x0], $0xffff;
	v38 =	vadd.s32 v2, v38;
	_ =	sdelay $0x4  }
0x151: {  	[tilespmem:v38+s21+$0x0] =	vst.idx.add.f32.msk $0xffff, v43  }
0x152: {  	v38 =	vld.idx.msk [tilespmem:v7+s2+$0x0], $0xffff;
	_ =	sdelay $0x4  }
0x153: {  	v44 =	vshll.u32 v38, $0x3  }
0x154: {  	v38 =	vand.u32 $0x7F, v38;
	v39 =	vand.u32 $0xFFFFFC00, v44  }
0x155: {  	v38 =	vor.u32 v38, v39  }
0x156: {  	v45 =	vld.idx.msk [tilespmem:v7+s15+$0x0], $0xffff;
	v38 =	vadd.s32 v2, v38;
	_ =	sdelay $0x4  }
0x157: {  	[tilespmem:v38+s21+$0x0] =	vst.idx.add.f32.msk $0xffff, v45  }
0x158: {  	v38 =	vld.idx.msk [tilespmem:v8+s2+$0x0], $0xffff;
	_ =	sdelay $0x4  }
0x159: {  	v46 =	vshll.u32 v38, $0x3  }
0x15a: {  	v38 =	vand.u32 $0x7F, v38;
	v39 =	vand.u32 $0xFFFFFC00, v46  }
0x15b: {  	v38 =	vor.u32 v38, v39  }
0x15c: {  	v47 =	vld.idx.msk [tilespmem:v8+s15+$0x0], $0xffff;
	v38 =	vadd.s32 v2, v38;
	_ =	sdelay $0x4  }
0x15d: {  	[tilespmem:v38+s21+$0x0] =	vst.idx.add.f32.msk $0xffff, v47  }
0x15e: {  	v38 =	vld.idx.msk [tilespmem:v9+s2+$0x0], $0xffff;
	_ =	sdelay $0x4  }
0x15f: {  	v48 =	vshll.u32 v38, $0x3  }
0x160: {  	v38 =	vand.u32 $0x7F, v38;
	v39 =	vand.u32 $0xFFFFFC00, v48  }
0x161: {  	v38 =	vor.u32 v38, v39  }
0x162: {  	v49 =	vld.idx.msk [tilespmem:v9+s15+$0x0], $0xffff;
	v38 =	vadd.s32 v2, v38;
	_ =	sdelay $0x4  }
0x163: {  	[tilespmem:v38+s21+$0x0] =	vst.idx.add.f32.msk $0xffff, v49  }
0x164: {  	v38 =	vld.idx.msk [tilespmem:v10+s2+$0x0], $0xffff;
	_ =	sdelay $0x4  }
0x165: {  	v50 =	vshll.u32 v38, $0x3  }
0x166: {  	v38 =	vand.u32 $0x7F, v38;
	v39 =	vand.u32 $0xFFFFFC00, v50  }
0x167: {  	v38 =	vor.u32 v38, v39  }
0x168: {  	v51 =	vld.idx.msk [tilespmem:v10+s15+$0x0], $0xffff;
	v38 =	vadd.s32 v2, v38;
	_ =	sdelay $0x4  }
0x169: {  	[tilespmem:v38+s21+$0x0] =	vst.idx.add.f32.msk $0xffff, v51  }
0x16a: {  	v38 =	vld.idx.msk [tilespmem:v11+s2+$0x0], $0xffff;
	_ =	sdelay $0x4  }
0x16b: {  	v52 =	vshll.u32 v38, $0x3  }
0x16c: {  	v38 =	vand.u32 $0x7F, v38;
	v39 =	vand.u32 $0xFFFFFC00, v52  }
0x16d: {  	v38 =	vor.u32 v38, v39  }
0x16e: {  	v53 =	vld.idx.msk [tilespmem:v11+s15+$0x0], $0xffff;
	v38 =	vadd.s32 v2, v38;
	_ =	sdelay $0x4  }
0x16f: {  	[tilespmem:v38+s21+$0x0] =	vst.idx.add.f32.msk $0xffff, v53  }
0x170: {  	v38 =	vld.idx.msk [tilespmem:v12+s2+$0x0], $0xffff;
	_ =	sdelay $0x4  }
0x171: {  	v54 =	vshll.u32 v38, $0x3  }
0x172: {  	v38 =	vand.u32 $0x7F, v38;
	v39 =	vand.u32 $0xFFFFFC00, v54  }
0x173: {  	v38 =	vor.u32 v38, v39  }
0x174: {  	v55 =	vld.idx.msk [tilespmem:v12+s15+$0x0], $0xffff;
	v38 =	vadd.s32 v2, v38;
	_ =	sdelay $0x4  }
0x175: {  	[tilespmem:v38+s21+$0x0] =	vst.idx.add.f32.msk $0xffff, v55  }
0x176: {  	v38 =	vld.idx.msk [tilespmem:v13+s2+$0x0], $0xffff;
	_ =	sdelay $0x4  }
0x177: {  	v56 =	vshll.u32 v38, $0x3  }
0x178: {  	v38 =	vand.u32 $0x7F, v38;
	v39 =	vand.u32 $0xFFFFFC00, v56  }
0x179: {  	v38 =	vor.u32 v38, v39  }
0x17a: {  	v57 =	vld.idx.msk [tilespmem:v13+s15+$0x0], $0xffff;
	v38 =	vadd.s32 v2, v38;
	_ =	sdelay $0x4  }
0x17b: {  	[tilespmem:v38+s21+$0x0] =	vst.idx.add.f32.msk $0xffff, v57  }
0x17c: {  	v38 =	vld.idx.msk [tilespmem:v14+s2+$0x0], $0xffff;
	_ =	sdelay $0x4  }
0x17d: {  	v58 =	vshll.u32 v38, $0x3  }
0x17e: {  	v38 =	vand.u32 $0x7F, v38;
	v39 =	vand.u32 $0xFFFFFC00, v58  }
0x17f: {  	v38 =	vor.u32 v38, v39  }
0x180: {  	v59 =	vld.idx.msk [tilespmem:v14+s15+$0x0], $0xffff;
	v38 =	vadd.s32 v2, v38;
	_ =	sdelay $0x4  }
0x181: {  	[tilespmem:v38+s21+$0x0] =	vst.idx.add.f32.msk $0xffff, v59  }
0x182: {  	v38 =	vld.idx.msk [tilespmem:v15+s2+$0x0], $0xffff;
	_ =	sdelay $0x4  }
0x183: {  	v60 =	vshll.u32 v38, $0x3  }
0x184: {  	v38 =	vand.u32 $0x7F, v38;
	v39 =	vand.u32 $0xFFFFFC00, v60  }
0x185: {  	v38 =	vor.u32 v38, v39  }
0x186: {  	v61 =	vld.idx.msk [tilespmem:v15+s15+$0x0], $0xffff;
	v38 =	vadd.s32 v2, v38;
	_ =	sdelay $0x4  }
0x187: {  	[tilespmem:v38+s21+$0x0] =	vst.idx.add.f32.msk $0xffff, v61  }
0x188: {  	v38 =	vld.idx.msk [tilespmem:v16+s2+$0x0], $0xffff;
	_ =	sdelay $0x4  }
0x189: {  	v62 =	vshll.u32 v38, $0x3  }
0x18a: {  	v38 =	vand.u32 $0x7F, v38;
	v39 =	vand.u32 $0xFFFFFC00, v62  }
0x18b: {  	v38 =	vor.u32 v38, v39  }
0x18c: {  	v63 =	vld.idx.msk [tilespmem:v16+s15+$0x0], $0xffff;
	v38 =	vadd.s32 v2, v38;
	_ =	sdelay $0x4  }
0x18d: {  	[tilespmem:v38+s21+$0x0] =	vst.idx.add.f32.msk $0xffff, v63  }
0x18e: {  	v38 =	vld.idx.msk [tilespmem:v17+s2+$0x0], $0xffff;
	_ =	sdelay $0x4  }
0x18f: {  	v42 =	vshll.u32 v38, $0x3  }
0x190: {  	v38 =	vand.u32 $0x7F, v38;
	v39 =	vand.u32 $0xFFFFFC00, v42  }
0x191: {  	v38 =	vor.u32 v38, v39  }
0x192: {  	v43 =	vld.idx.msk [tilespmem:v17+s15+$0x0], $0xffff;
	v38 =	vadd.s32 v2, v38;
	_ =	sdelay $0x4  }
0x193: {  	[tilespmem:v38+s21+$0x0] =	vst.idx.add.f32.msk $0xffff, v43  }
0x194: {  	[hbm4b:s9+s2] =	stream.linear.scatter [tilespmem:s21], [sflag:$0x4], $0x4000, $0x38;
	[tilespmem:$0xB900] =	vst v63  }
0x195: {  	v38 =	vld.idx.msk [tilespmem:v18+s2+$0x0], $0xffff;
	_ =	sdelay $0x4  }
0x196: {  	v44 =	vshll.u32 v38, $0x3  }
0x197: {  	v38 =	vand.u32 $0x7F, v38;
	v39 =	vand.u32 $0xFFFFFC00, v44  }
0x198: {  	v38 =	vor.u32 v38, v39  }
0x199: {  	v45 =	vld.idx.msk [tilespmem:v18+s15+$0x0], $0xffff;
	v38 =	vadd.s32 v19, v38;
	_ =	sdelay $0x4  }
0x19a: {  	[tilespmem:v38+s21+$0x0] =	vst.idx.add.f32.msk $0xffff, v45  }
0x19b: {  	v38 =	vld.idx.msk [tilespmem:v20+s2+$0x0], $0xffff;
	_ =	sdelay $0x4  }
0x19c: {  	v46 =	vshll.u32 v38, $0x3  }
0x19d: {  	v38 =	vand.u32 $0x7F, v38;
	v39 =	vand.u32 $0xFFFFFC00, v46  }
0x19e: {  	v38 =	vor.u32 v38, v39  }
0x19f: {  	v47 =	vld.idx.msk [tilespmem:v20+s15+$0x0], $0xffff;
	v38 =	vadd.s32 v19, v38;
	_ =	sdelay $0x4  }
0x1a0: {  	[tilespmem:v38+s21+$0x0] =	vst.idx.add.f32.msk $0xffff, v47  }
0x1a1: {  	v38 =	vld.idx.msk [tilespmem:v21+s2+$0x0], $0xffff;
	_ =	sdelay $0x4  }
0x1a2: {  	v48 =	vshll.u32 v38, $0x3  }
0x1a3: {  	v38 =	vand.u32 $0x7F, v38;
	v39 =	vand.u32 $0xFFFFFC00, v48  }
0x1a4: {  	v38 =	vor.u32 v38, v39  }
0x1a5: {  	v49 =	vld.idx.msk [tilespmem:v21+s15+$0x0], $0xffff;
	v38 =	vadd.s32 v19, v38;
	_ =	sdelay $0x4  }
0x1a6: {  	[tilespmem:v38+s21+$0x0] =	vst.idx.add.f32.msk $0xffff, v49  }
0x1a7: {  	v38 =	vld.idx.msk [tilespmem:v22+s2+$0x0], $0xffff;
	_ =	sdelay $0x4  }
0x1a8: {  	v50 =	vshll.u32 v38, $0x3  }
0x1a9: {  	v38 =	vand.u32 $0x7F, v38;
	v39 =	vand.u32 $0xFFFFFC00, v50  }
0x1aa: {  	v38 =	vor.u32 v38, v39  }
0x1ab: {  	v51 =	vld.idx.msk [tilespmem:v22+s15+$0x0], $0xffff;
	v38 =	vadd.s32 v19, v38;
	_ =	sdelay $0x4  }
0x1ac: {  	[tilespmem:v38+s21+$0x0] =	vst.idx.add.f32.msk $0xffff, v51  }
0x1ad: {  	v38 =	vld.idx.msk [tilespmem:v23+s2+$0x0], $0xffff;
	_ =	sdelay $0x4  }
0x1ae: {  	v52 =	vshll.u32 v38, $0x3  }
0x1af: {  	v38 =	vand.u32 $0x7F, v38;
	v39 =	vand.u32 $0xFFFFFC00, v52  }
0x1b0: {  	v38 =	vor.u32 v38, v39  }
0x1b1: {  	v53 =	vld.idx.msk [tilespmem:v23+s15+$0x0], $0xffff;
	v38 =	vadd.s32 v19, v38;
	_ =	sdelay $0x4  }
0x1b2: {  	[tilespmem:v38+s21+$0x0] =	vst.idx.add.f32.msk $0xffff, v53  }
0x1b3: {  	v38 =	vld.idx.msk [tilespmem:v24+s2+$0x0], $0xffff;
	_ =	sdelay $0x4  }
0x1b4: {  	v54 =	vshll.u32 v38, $0x3  }
0x1b5: {  	v38 =	vand.u32 $0x7F, v38;
	v39 =	vand.u32 $0xFFFFFC00, v54  }
0x1b6: {  	v38 =	vor.u32 v38, v39  }
0x1b7: {  	v55 =	vld.idx.msk [tilespmem:v24+s15+$0x0], $0xffff;
	v38 =	vadd.s32 v19, v38;
	_ =	sdelay $0x4  }
0x1b8: {  	[tilespmem:v38+s21+$0x0] =	vst.idx.add.f32.msk $0xffff, v55  }
0x1b9: {  	v38 =	vld.idx.msk [tilespmem:v25+s2+$0x0], $0xffff;
	_ =	sdelay $0x4  }
0x1ba: {  	v56 =	vshll.u32 v38, $0x3  }
0x1bb: {  	v38 =	vand.u32 $0x7F, v38;
	v39 =	vand.u32 $0xFFFFFC00, v56  }
0x1bc: {  	v38 =	vor.u32 v38, v39  }
0x1bd: {  	v57 =	vld.idx.msk [tilespmem:v25+s15+$0x0], $0xffff;
	v38 =	vadd.s32 v19, v38;
	_ =	sdelay $0x4  }
0x1be: {  	[tilespmem:v38+s21+$0x0] =	vst.idx.add.f32.msk $0xffff, v57  }
0x1bf: {  	v38 =	vld.idx.msk [tilespmem:v26+s2+$0x0], $0xffff;
	_ =	sdelay $0x4  }
0x1c0: {  	v58 =	vshll.u32 v38, $0x3  }
0x1c1: {  	v38 =	vand.u32 $0x7F, v38;
	v39 =	vand.u32 $0xFFFFFC00, v58  }
0x1c2: {  	v38 =	vor.u32 v38, v39  }
0x1c3: {  	v59 =	vld.idx.msk [tilespmem:v26+s15+$0x0], $0xffff;
	v38 =	vadd.s32 v19, v38;
	_ =	sdelay $0x4  }
0x1c4: {  	[tilespmem:v38+s21+$0x0] =	vst.idx.add.f32.msk $0xffff, v59  }
0x1c5: {  	v38 =	vld.idx.msk [tilespmem:v27+s2+$0x0], $0xffff;
	_ =	sdelay $0x4  }
0x1c6: {  	v60 =	vshll.u32 v38, $0x3  }
0x1c7: {  	v38 =	vand.u32 $0x7F, v38;
	v39 =	vand.u32 $0xFFFFFC00, v60  }
0x1c8: {  	v38 =	vor.u32 v38, v39  }
0x1c9: {  	v61 =	vld.idx.msk [tilespmem:v27+s15+$0x0], $0xffff;
	v38 =	vadd.s32 v19, v38;
	_ =	sdelay $0x4  }
0x1ca: {  	[tilespmem:v38+s21+$0x0] =	vst.idx.add.f32.msk $0xffff, v61  }
0x1cb: {  	v38 =	vld.idx.msk [tilespmem:v28+s2+$0x0], $0xffff;
	_ =	sdelay $0x4  }
0x1cc: {  	v62 =	vshll.u32 v38, $0x3  }
0x1cd: {  	v38 =	vand.u32 $0x7F, v38;
	v39 =	vand.u32 $0xFFFFFC00, v62  }
0x1ce: {  	v38 =	vor.u32 v38, v39  }
0x1cf: {  	v63 =	vld.idx.msk [tilespmem:v28+s15+$0x0], $0xffff;
	v38 =	vadd.s32 v19, v38;
	_ =	sdelay $0x4  }
0x1d0: {  	[tilespmem:v38+s21+$0x0] =	vst.idx.add.f32.msk $0xffff, v63  }
0x1d1: {  	v38 =	vld.idx.msk [tilespmem:v29+s2+$0x0], $0xffff;
	_ =	sdelay $0x4  }
0x1d2: {  	v42 =	vshll.u32 v38, $0x3  }
0x1d3: {  	v38 =	vand.u32 $0x7F, v38;
	v39 =	vand.u32 $0xFFFFFC00, v42  }
0x1d4: {  	v38 =	vor.u32 v38, v39  }
0x1d5: {  	v43 =	vld.idx.msk [tilespmem:v29+s15+$0x0], $0xffff;
	v38 =	vadd.s32 v19, v38;
	_ =	sdelay $0x4  }
0x1d6: {  	[tilespmem:v38+s21+$0x0] =	vst.idx.add.f32.msk $0xffff, v43  }
0x1d7: {  	v38 =	vld.idx.msk [tilespmem:v30+s2+$0x0], $0xffff;
	_ =	sdelay $0x4  }
0x1d8: {  	v44 =	vshll.u32 v38, $0x3  }
0x1d9: {  	v38 =	vand.u32 $0x7F, v38;
	v39 =	vand.u32 $0xFFFFFC00, v44  }
0x1da: {  	v38 =	vor.u32 v38, v39  }
0x1db: {  	v45 =	vld.idx.msk [tilespmem:v30+s15+$0x0], $0xffff;
	v38 =	vadd.s32 v19, v38;
	_ =	sdelay $0x4  }
0x1dc: {  	[tilespmem:v38+s21+$0x0] =	vst.idx.add.f32.msk $0xffff, v45  }
0x1dd: {  	v38 =	vld.idx.msk [tilespmem:v31+s2+$0x0], $0xffff;
	_ =	sdelay $0x4  }
0x1de: {  	v46 =	vshll.u32 v38, $0x3  }
0x1df: {  	v38 =	vand.u32 $0x7F, v38;
	v39 =	vand.u32 $0xFFFFFC00, v46  }
0x1e0: {  	v38 =	vor.u32 v38, v39  }
0x1e1: {  	v47 =	vld.idx.msk [tilespmem:v31+s15+$0x0], $0xffff;
	v38 =	vadd.s32 v19, v38;
	_ =	sdelay $0x4  }
0x1e2: {  	[tilespmem:v38+s21+$0x0] =	vst.idx.add.f32.msk $0xffff, v47  }
0x1e3: {  	v38 =	vld.idx.msk [tilespmem:v32+s2+$0x0], $0xffff;
	_ =	sdelay $0x4  }
0x1e4: {  	v48 =	vshll.u32 v38, $0x3  }
0x1e5: {  	v38 =	vand.u32 $0x7F, v38;
	v39 =	vand.u32 $0xFFFFFC00, v48  }
0x1e6: {  	v38 =	vor.u32 v38, v39  }
0x1e7: {  	v49 =	vld.idx.msk [tilespmem:v32+s15+$0x0], $0xffff;
	v38 =	vadd.s32 v19, v38;
	_ =	sdelay $0x4  }
0x1e8: {  	[tilespmem:v38+s21+$0x0] =	vst.idx.add.f32.msk $0xffff, v49  }
0x1e9: {  	v38 =	vld.idx.msk [tilespmem:v33+s2+$0x0], $0xffff;
	_ =	sdelay $0x4  }
0x1ea: {  	v50 =	vshll.u32 v38, $0x3  }
0x1eb: {  	v38 =	vand.u32 $0x7F, v38;
	v39 =	vand.u32 $0xFFFFFC00, v50  }
0x1ec: {  	v38 =	vor.u32 v38, v39  }
0x1ed: {  	v51 =	vld.idx.msk [tilespmem:v33+s15+$0x0], $0xffff;
	v38 =	vadd.s32 v19, v38;
	_ =	sdelay $0x4  }
0x1ee: {  	[tilespmem:v38+s21+$0x0] =	vst.idx.add.f32.msk $0xffff, v51  }
0x1ef: {  	v38 =	vld.idx.msk [tilespmem:v34+s2+$0x0], $0xffff;
	_ =	sdelay $0x4  }
0x1f0: {  	v52 =	vshll.u32 v38, $0x3  }
0x1f1: {  	v38 =	vand.u32 $0x7F, v38;
	v39 =	vand.u32 $0xFFFFFC00, v52  }
0x1f2: {  	v38 =	vor.u32 v38, v39  }
0x1f3: {  	v53 =	vld.idx.msk [tilespmem:v34+s15+$0x0], $0xffff;
	v38 =	vadd.s32 v19, v38;
	_ =	sdelay $0x4  }
0x1f4: {  	s0 =	simm.s32 $0x6400;
	[tilespmem:v38+s21+$0x0] =	vst.idx.add.f32.msk $0xffff, v53  }
0x1f5: {  	[hbm4b:s10+s2] =	stream.linear.scatter [tilespmem:s0], [sflag:$0x4], $0x4000, $0x38;
	[tilespmem:$0xB900] =	vst v63  }
0x1f6: {  	_ =	swait.ge [sflag:s23], $0x200  }
0x1f7: {  	[sflag:s23] =	ssyncset.done $0x0  }
0x1f8: {  	[sflag:s23] =	ssyncadd.s32 $0xFFFFFE00  }
0x1f9: {  	_ =	swait.ge [sflag:s23], $0x200  }
0x1fa: {  	[sflag:s23] =	ssyncset.done $0x0  }
0x1fb: {  	[sflag:s23] =	ssyncadd.s32 $0xFFFFFE00  }
0x1fc: {  	v54 =	vld.idx.msk [tilespmem:v0+s16+$0x0], $0xffff;
	_ =	sdelay $0x4  }
0x1fd: {  	v55 =	vshll.u32 v54, $0x3  }
0x1fe: {  	v38 =	vand.u32 $0x7F, v54;
	v39 =	vand.u32 $0xFFFFFC00, v55  }
0x1ff: {  	v38 =	vor.u32 v38, v39  }
0x200: {  	v56 =	vld.idx.msk [tilespmem:v0+s17+$0x0], $0xffff;
	v38 =	vadd.s32 v35, v38;
	_ =	sdelay $0x4  }
0x201: {  	[tilespmem:v38+s24+$0x0] =	vst.idx.add.f32.msk $0xffff, v56  }
0x202: {  	v38 =	vld.idx.msk [tilespmem:v3+s16+$0x0], $0xffff;
	_ =	sdelay $0x4  }
0x203: {  	v57 =	vshll.u32 v38, $0x3  }
0x204: {  	v38 =	vand.u32 $0x7F, v38;
	v39 =	vand.u32 $0xFFFFFC00, v57  }
0x205: {  	v38 =	vor.u32 v38, v39  }
0x206: {  	v58 =	vld.idx.msk [tilespmem:v3+s17+$0x0], $0xffff;
	v38 =	vadd.s32 v35, v38;
	_ =	sdelay $0x4  }
0x207: {  	[tilespmem:v38+s24+$0x0] =	vst.idx.add.f32.msk $0xffff, v58  }
0x208: {  	v38 =	vld.idx.msk [tilespmem:v4+s16+$0x0], $0xffff;
	_ =	sdelay $0x4  }
0x209: {  	v59 =	vshll.u32 v38, $0x3  }
0x20a: {  	v38 =	vand.u32 $0x7F, v38;
	v39 =	vand.u32 $0xFFFFFC00, v59  }
0x20b: {  	v38 =	vor.u32 v38, v39  }
0x20c: {  	v60 =	vld.idx.msk [tilespmem:v4+s17+$0x0], $0xffff;
	v38 =	vadd.s32 v35, v38;
	_ =	sdelay $0x4  }
0x20d: {  	[tilespmem:v38+s24+$0x0] =	vst.idx.add.f32.msk $0xffff, v60  }
0x20e: {  	v38 =	vld.idx.msk [tilespmem:v5+s16+$0x0], $0xffff;
	_ =	sdelay $0x4  }
0x20f: {  	v61 =	vshll.u32 v38, $0x3  }
0x210: {  	v38 =	vand.u32 $0x7F, v38;
	v39 =	vand.u32 $0xFFFFFC00, v61  }
0x211: {  	v38 =	vor.u32 v38, v39  }
0x212: {  	v62 =	vld.idx.msk [tilespmem:v5+s17+$0x0], $0xffff;
	v38 =	vadd.s32 v35, v38;
	_ =	sdelay $0x4  }
0x213: {  	[tilespmem:v38+s24+$0x0] =	vst.idx.add.f32.msk $0xffff, v62  }
0x214: {  	v38 =	vld.idx.msk [tilespmem:v6+s16+$0x0], $0xffff;
	_ =	sdelay $0x4  }
0x215: {  	v63 =	vshll.u32 v38, $0x3  }
0x216: {  	v38 =	vand.u32 $0x7F, v38;
	v39 =	vand.u32 $0xFFFFFC00, v63  }
0x217: {  	v38 =	vor.u32 v38, v39  }
0x218: {  	v42 =	vld.idx.msk [tilespmem:v6+s17+$0x0], $0xffff;
	v38 =	vadd.s32 v35, v38;
	_ =	sdelay $0x4  }
0x219: {  	[tilespmem:v38+s24+$0x0] =	vst.idx.add.f32.msk $0xffff, v42  }
0x21a: {  	v38 =	vld.idx.msk [tilespmem:v7+s16+$0x0], $0xffff;
	_ =	sdelay $0x4  }
0x21b: {  	v43 =	vshll.u32 v38, $0x3  }
0x21c: {  	v38 =	vand.u32 $0x7F, v38;
	v39 =	vand.u32 $0xFFFFFC00, v43  }
0x21d: {  	v38 =	vor.u32 v38, v39  }
0x21e: {  	v44 =	vld.idx.msk [tilespmem:v7+s17+$0x0], $0xffff;
	v38 =	vadd.s32 v35, v38;
	_ =	sdelay $0x4  }
0x21f: {  	[tilespmem:v38+s24+$0x0] =	vst.idx.add.f32.msk $0xffff, v44  }
0x220: {  	v38 =	vld.idx.msk [tilespmem:v8+s16+$0x0], $0xffff;
	_ =	sdelay $0x4  }
0x221: {  	v45 =	vshll.u32 v38, $0x3  }
0x222: {  	v38 =	vand.u32 $0x7F, v38;
	v39 =	vand.u32 $0xFFFFFC00, v45  }
0x223: {  	v38 =	vor.u32 v38, v39  }
0x224: {  	v46 =	vld.idx.msk [tilespmem:v8+s17+$0x0], $0xffff;
	v38 =	vadd.s32 v35, v38;
	_ =	sdelay $0x4  }
0x225: {  	[tilespmem:v38+s24+$0x0] =	vst.idx.add.f32.msk $0xffff, v46  }
0x226: {  	v38 =	vld.idx.msk [tilespmem:v9+s16+$0x0], $0xffff;
	_ =	sdelay $0x4  }
0x227: {  	v47 =	vshll.u32 v38, $0x3  }
0x228: {  	v38 =	vand.u32 $0x7F, v38;
	v39 =	vand.u32 $0xFFFFFC00, v47  }
0x229: {  	v38 =	vor.u32 v38, v39  }
0x22a: {  	v48 =	vld.idx.msk [tilespmem:v9+s17+$0x0], $0xffff;
	v38 =	vadd.s32 v35, v38;
	_ =	sdelay $0x4  }
0x22b: {  	[tilespmem:v38+s24+$0x0] =	vst.idx.add.f32.msk $0xffff, v48  }
0x22c: {  	v38 =	vld.idx.msk [tilespmem:v10+s16+$0x0], $0xffff;
	_ =	sdelay $0x4  }
0x22d: {  	v49 =	vshll.u32 v38, $0x3  }
0x22e: {  	v38 =	vand.u32 $0x7F, v38;
	v39 =	vand.u32 $0xFFFFFC00, v49  }
0x22f: {  	v38 =	vor.u32 v38, v39  }
0x230: {  	v50 =	vld.idx.msk [tilespmem:v10+s17+$0x0], $0xffff;
	v38 =	vadd.s32 v35, v38;
	_ =	sdelay $0x4  }
0x231: {  	[tilespmem:v38+s24+$0x0] =	vst.idx.add.f32.msk $0xffff, v50  }
0x232: {  	v38 =	vld.idx.msk [tilespmem:v11+s16+$0x0], $0xffff;
	_ =	sdelay $0x4  }
0x233: {  	v51 =	vshll.u32 v38, $0x3  }
0x234: {  	v38 =	vand.u32 $0x7F, v38;
	v39 =	vand.u32 $0xFFFFFC00, v51  }
0x235: {  	v38 =	vor.u32 v38, v39  }
0x236: {  	v52 =	vld.idx.msk [tilespmem:v11+s17+$0x0], $0xffff;
	v38 =	vadd.s32 v35, v38;
	_ =	sdelay $0x4  }
0x237: {  	[tilespmem:v38+s24+$0x0] =	vst.idx.add.f32.msk $0xffff, v52  }
0x238: {  	v38 =	vld.idx.msk [tilespmem:v12+s16+$0x0], $0xffff;
	_ =	sdelay $0x4  }
0x239: {  	v53 =	vshll.u32 v38, $0x3  }
0x23a: {  	v38 =	vand.u32 $0x7F, v38;
	v39 =	vand.u32 $0xFFFFFC00, v53  }
0x23b: {  	v38 =	vor.u32 v38, v39  }
0x23c: {  	v54 =	vld.idx.msk [tilespmem:v12+s17+$0x0], $0xffff;
	v38 =	vadd.s32 v35, v38;
	_ =	sdelay $0x4  }
0x23d: {  	[tilespmem:v38+s24+$0x0] =	vst.idx.add.f32.msk $0xffff, v54  }
0x23e: {  	v38 =	vld.idx.msk [tilespmem:v13+s16+$0x0], $0xffff;
	_ =	sdelay $0x4  }
0x23f: {  	v55 =	vshll.u32 v38, $0x3  }
0x240: {  	v38 =	vand.u32 $0x7F, v38;
	v39 =	vand.u32 $0xFFFFFC00, v55  }
0x241: {  	v38 =	vor.u32 v38, v39  }
0x242: {  	v56 =	vld.idx.msk [tilespmem:v13+s17+$0x0], $0xffff;
	v38 =	vadd.s32 v35, v38;
	_ =	sdelay $0x4  }
0x243: {  	[tilespmem:v38+s24+$0x0] =	vst.idx.add.f32.msk $0xffff, v56  }
0x244: {  	v38 =	vld.idx.msk [tilespmem:v14+s16+$0x0], $0xffff;
	_ =	sdelay $0x4  }
0x245: {  	v57 =	vshll.u32 v38, $0x3  }
0x246: {  	v38 =	vand.u32 $0x7F, v38;
	v39 =	vand.u32 $0xFFFFFC00, v57  }
0x247: {  	v38 =	vor.u32 v38, v39  }
0x248: {  	v58 =	vld.idx.msk [tilespmem:v14+s17+$0x0], $0xffff;
	v38 =	vadd.s32 v35, v38;
	_ =	sdelay $0x4  }
0x249: {  	[tilespmem:v38+s24+$0x0] =	vst.idx.add.f32.msk $0xffff, v58  }
0x24a: {  	v38 =	vld.idx.msk [tilespmem:v15+s16+$0x0], $0xffff;
	_ =	sdelay $0x4  }
0x24b: {  	v59 =	vshll.u32 v38, $0x3  }
0x24c: {  	v38 =	vand.u32 $0x7F, v38;
	v39 =	vand.u32 $0xFFFFFC00, v59  }
0x24d: {  	v38 =	vor.u32 v38, v39  }
0x24e: {  	v60 =	vld.idx.msk [tilespmem:v15+s17+$0x0], $0xffff;
	v38 =	vadd.s32 v35, v38;
	_ =	sdelay $0x4  }
0x24f: {  	[tilespmem:v38+s24+$0x0] =	vst.idx.add.f32.msk $0xffff, v60  }
0x250: {  	v38 =	vld.idx.msk [tilespmem:v16+s16+$0x0], $0xffff;
	_ =	sdelay $0x4  }
0x251: {  	v61 =	vshll.u32 v38, $0x3  }
0x252: {  	v38 =	vand.u32 $0x7F, v38;
	v39 =	vand.u32 $0xFFFFFC00, v61  }
0x253: {  	v38 =	vor.u32 v38, v39  }
0x254: {  	v62 =	vld.idx.msk [tilespmem:v16+s17+$0x0], $0xffff;
	v38 =	vadd.s32 v35, v38;
	_ =	sdelay $0x4  }
0x255: {  	[tilespmem:v38+s24+$0x0] =	vst.idx.add.f32.msk $0xffff, v62  }
0x256: {  	v38 =	vld.idx.msk [tilespmem:v17+s16+$0x0], $0xffff;
	_ =	sdelay $0x4  }
0x257: {  	v63 =	vshll.u32 v38, $0x3  }
0x258: {  	v38 =	vand.u32 $0x7F, v38;
	v39 =	vand.u32 $0xFFFFFC00, v63  }
0x259: {  	v38 =	vor.u32 v38, v39  }
0x25a: {  	v42 =	vld.idx.msk [tilespmem:v17+s17+$0x0], $0xffff;
	v38 =	vadd.s32 v35, v38;
	_ =	sdelay $0x4  }
0x25b: {  	[tilespmem:v38+s24+$0x0] =	vst.idx.add.f32.msk $0xffff, v42  }
0x25c: {  	[hbm4b:s11+s2] =	stream.linear.scatter [tilespmem:s24], [sflag:$0x4], $0x1000, $0x38;
	[tilespmem:$0xB900] =	vst v63  }
0x25d: {  	v38 =	vld.idx.msk [tilespmem:v18+s16+$0x0], $0xffff;
	_ =	sdelay $0x4  }
0x25e: {  	v43 =	vshll.u32 v38, $0x3  }
0x25f: {  	v38 =	vand.u32 $0x7F, v38;
	v39 =	vand.u32 $0xFFFFFC00, v43  }
0x260: {  	v38 =	vor.u32 v38, v39  }
0x261: {  	v44 =	vld.idx.msk [tilespmem:v18+s17+$0x0], $0xffff;
	v38 =	vadd.s32 v36, v38;
	_ =	sdelay $0x4  }
0x262: {  	[tilespmem:v38+s24+$0x0] =	vst.idx.add.f32.msk $0xffff, v44  }
0x263: {  	v38 =	vld.idx.msk [tilespmem:v20+s16+$0x0], $0xffff;
	_ =	sdelay $0x4  }
0x264: {  	v45 =	vshll.u32 v38, $0x3  }
0x265: {  	v38 =	vand.u32 $0x7F, v38;
	v39 =	vand.u32 $0xFFFFFC00, v45  }
0x266: {  	v38 =	vor.u32 v38, v39  }
0x267: {  	v46 =	vld.idx.msk [tilespmem:v20+s17+$0x0], $0xffff;
	v38 =	vadd.s32 v36, v38;
	_ =	sdelay $0x4  }
0x268: {  	[tilespmem:v38+s24+$0x0] =	vst.idx.add.f32.msk $0xffff, v46  }
0x269: {  	v38 =	vld.idx.msk [tilespmem:v21+s16+$0x0], $0xffff;
	_ =	sdelay $0x4  }
0x26a: {  	v47 =	vshll.u32 v38, $0x3  }
0x26b: {  	v38 =	vand.u32 $0x7F, v38;
	v39 =	vand.u32 $0xFFFFFC00, v47  }
0x26c: {  	v38 =	vor.u32 v38, v39  }
0x26d: {  	v48 =	vld.idx.msk [tilespmem:v21+s17+$0x0], $0xffff;
	v38 =	vadd.s32 v36, v38;
	_ =	sdelay $0x4  }
0x26e: {  	[tilespmem:v38+s24+$0x0] =	vst.idx.add.f32.msk $0xffff, v48  }
0x26f: {  	v38 =	vld.idx.msk [tilespmem:v22+s16+$0x0], $0xffff;
	_ =	sdelay $0x4  }
0x270: {  	v49 =	vshll.u32 v38, $0x3  }
0x271: {  	v38 =	vand.u32 $0x7F, v38;
	v39 =	vand.u32 $0xFFFFFC00, v49  }
0x272: {  	v38 =	vor.u32 v38, v39  }
0x273: {  	v50 =	vld.idx.msk [tilespmem:v22+s17+$0x0], $0xffff;
	v38 =	vadd.s32 v36, v38;
	_ =	sdelay $0x4  }
0x274: {  	[tilespmem:v38+s24+$0x0] =	vst.idx.add.f32.msk $0xffff, v50  }
0x275: {  	v38 =	vld.idx.msk [tilespmem:v23+s16+$0x0], $0xffff;
	_ =	sdelay $0x4  }
0x276: {  	v51 =	vshll.u32 v38, $0x3  }
0x277: {  	v38 =	vand.u32 $0x7F, v38;
	v39 =	vand.u32 $0xFFFFFC00, v51  }
0x278: {  	v38 =	vor.u32 v38, v39  }
0x279: {  	v52 =	vld.idx.msk [tilespmem:v23+s17+$0x0], $0xffff;
	v38 =	vadd.s32 v36, v38;
	_ =	sdelay $0x4  }
0x27a: {  	[tilespmem:v38+s24+$0x0] =	vst.idx.add.f32.msk $0xffff, v52  }
0x27b: {  	v38 =	vld.idx.msk [tilespmem:v24+s16+$0x0], $0xffff;
	_ =	sdelay $0x4  }
0x27c: {  	v53 =	vshll.u32 v38, $0x3  }
0x27d: {  	v38 =	vand.u32 $0x7F, v38;
	v39 =	vand.u32 $0xFFFFFC00, v53  }
0x27e: {  	v38 =	vor.u32 v38, v39  }
0x27f: {  	v54 =	vld.idx.msk [tilespmem:v24+s17+$0x0], $0xffff;
	v38 =	vadd.s32 v36, v38;
	_ =	sdelay $0x4  }
0x280: {  	[tilespmem:v38+s24+$0x0] =	vst.idx.add.f32.msk $0xffff, v54  }
0x281: {  	v38 =	vld.idx.msk [tilespmem:v25+s16+$0x0], $0xffff;
	_ =	sdelay $0x4  }
0x282: {  	v55 =	vshll.u32 v38, $0x3  }
0x283: {  	v38 =	vand.u32 $0x7F, v38;
	v39 =	vand.u32 $0xFFFFFC00, v55  }
0x284: {  	v38 =	vor.u32 v38, v39  }
0x285: {  	v56 =	vld.idx.msk [tilespmem:v25+s17+$0x0], $0xffff;
	v38 =	vadd.s32 v36, v38;
	_ =	sdelay $0x4  }
0x286: {  	[tilespmem:v38+s24+$0x0] =	vst.idx.add.f32.msk $0xffff, v56  }
0x287: {  	v38 =	vld.idx.msk [tilespmem:v26+s16+$0x0], $0xffff;
	_ =	sdelay $0x4  }
0x288: {  	v57 =	vshll.u32 v38, $0x3  }
0x289: {  	v38 =	vand.u32 $0x7F, v38;
	v39 =	vand.u32 $0xFFFFFC00, v57  }
0x28a: {  	v38 =	vor.u32 v38, v39  }
0x28b: {  	v58 =	vld.idx.msk [tilespmem:v26+s17+$0x0], $0xffff;
	v38 =	vadd.s32 v36, v38;
	_ =	sdelay $0x4  }
0x28c: {  	[tilespmem:v38+s24+$0x0] =	vst.idx.add.f32.msk $0xffff, v58  }
0x28d: {  	v38 =	vld.idx.msk [tilespmem:v27+s16+$0x0], $0xffff;
	_ =	sdelay $0x4  }
0x28e: {  	v59 =	vshll.u32 v38, $0x3  }
0x28f: {  	v38 =	vand.u32 $0x7F, v38;
	v39 =	vand.u32 $0xFFFFFC00, v59  }
0x290: {  	v38 =	vor.u32 v38, v39  }
0x291: {  	v60 =	vld.idx.msk [tilespmem:v27+s17+$0x0], $0xffff;
	v38 =	vadd.s32 v36, v38;
	_ =	sdelay $0x4  }
0x292: {  	[tilespmem:v38+s24+$0x0] =	vst.idx.add.f32.msk $0xffff, v60  }
0x293: {  	v38 =	vld.idx.msk [tilespmem:v28+s16+$0x0], $0xffff;
	_ =	sdelay $0x4  }
0x294: {  	v61 =	vshll.u32 v38, $0x3  }
0x295: {  	v38 =	vand.u32 $0x7F, v38;
	v39 =	vand.u32 $0xFFFFFC00, v61  }
0x296: {  	v38 =	vor.u32 v38, v39  }
0x297: {  	v62 =	vld.idx.msk [tilespmem:v28+s17+$0x0], $0xffff;
	v38 =	vadd.s32 v36, v38;
	_ =	sdelay $0x4  }
0x298: {  	[tilespmem:v38+s24+$0x0] =	vst.idx.add.f32.msk $0xffff, v62  }
0x299: {  	v38 =	vld.idx.msk [tilespmem:v29+s16+$0x0], $0xffff;
	_ =	sdelay $0x4  }
0x29a: {  	v63 =	vshll.u32 v38, $0x3  }
0x29b: {  	v38 =	vand.u32 $0x7F, v38;
	v39 =	vand.u32 $0xFFFFFC00, v63  }
0x29c: {  	v38 =	vor.u32 v38, v39  }
0x29d: {  	v42 =	vld.idx.msk [tilespmem:v29+s17+$0x0], $0xffff;
	v38 =	vadd.s32 v36, v38;
	_ =	sdelay $0x4  }
0x29e: {  	[tilespmem:v38+s24+$0x0] =	vst.idx.add.f32.msk $0xffff, v42  }
0x29f: {  	v38 =	vld.idx.msk [tilespmem:v30+s16+$0x0], $0xffff;
	_ =	sdelay $0x4  }
0x2a0: {  	v43 =	vshll.u32 v38, $0x3  }
0x2a1: {  	v38 =	vand.u32 $0x7F, v38;
	v39 =	vand.u32 $0xFFFFFC00, v43  }
0x2a2: {  	v38 =	vor.u32 v38, v39  }
0x2a3: {  	v44 =	vld.idx.msk [tilespmem:v30+s17+$0x0], $0xffff;
	v38 =	vadd.s32 v36, v38;
	_ =	sdelay $0x4  }
0x2a4: {  	[tilespmem:v38+s24+$0x0] =	vst.idx.add.f32.msk $0xffff, v44  }
0x2a5: {  	v38 =	vld.idx.msk [tilespmem:v31+s16+$0x0], $0xffff;
	_ =	sdelay $0x4  }
0x2a6: {  	v45 =	vshll.u32 v38, $0x3  }
0x2a7: {  	v38 =	vand.u32 $0x7F, v38;
	v39 =	vand.u32 $0xFFFFFC00, v45  }
0x2a8: {  	v38 =	vor.u32 v38, v39  }
0x2a9: {  	v46 =	vld.idx.msk [tilespmem:v31+s17+$0x0], $0xffff;
	v38 =	vadd.s32 v36, v38;
	_ =	sdelay $0x4  }
0x2aa: {  	[tilespmem:v38+s24+$0x0] =	vst.idx.add.f32.msk $0xffff, v46  }
0x2ab: {  	v38 =	vld.idx.msk [tilespmem:v32+s16+$0x0], $0xffff;
	_ =	sdelay $0x4  }
0x2ac: {  	v47 =	vshll.u32 v38, $0x3  }
0x2ad: {  	v38 =	vand.u32 $0x7F, v38;
	v39 =	vand.u32 $0xFFFFFC00, v47  }
0x2ae: {  	v38 =	vor.u32 v38, v39  }
0x2af: {  	v48 =	vld.idx.msk [tilespmem:v32+s17+$0x0], $0xffff;
	v38 =	vadd.s32 v36, v38;
	_ =	sdelay $0x4  }
0x2b0: {  	[tilespmem:v38+s24+$0x0] =	vst.idx.add.f32.msk $0xffff, v48  }
0x2b1: {  	v38 =	vld.idx.msk [tilespmem:v33+s16+$0x0], $0xffff;
	_ =	sdelay $0x4  }
0x2b2: {  	v49 =	vshll.u32 v38, $0x3  }
0x2b3: {  	v38 =	vand.u32 $0x7F, v38;
	v39 =	vand.u32 $0xFFFFFC00, v49  }
0x2b4: {  	v38 =	vor.u32 v38, v39  }
0x2b5: {  	v50 =	vld.idx.msk [tilespmem:v33+s17+$0x0], $0xffff;
	v38 =	vadd.s32 v36, v38;
	_ =	sdelay $0x4  }
0x2b6: {  	[tilespmem:v38+s24+$0x0] =	vst.idx.add.f32.msk $0xffff, v50  }
0x2b7: {  	v38 =	vld.idx.msk [tilespmem:v34+s16+$0x0], $0xffff;
	_ =	sdelay $0x4  }
0x2b8: {  	v51 =	vshll.u32 v38, $0x3  }
0x2b9: {  	v38 =	vand.u32 $0x7F, v38;
	v39 =	vand.u32 $0xFFFFFC00, v51  }
0x2ba: {  	v38 =	vor.u32 v38, v39  }
0x2bb: {  	v52 =	vld.idx.msk [tilespmem:v34+s17+$0x0], $0xffff;
	v38 =	vadd.s32 v36, v38;
	_ =	sdelay $0x4  }
0x2bc: {  	s31 =	simm.s32 $0x1400;
	[tilespmem:v38+s24+$0x0] =	vst.idx.add.f32.msk $0xffff, v52  }
0x2bd: {  	[hbm4b:s12+s2] =	stream.linear.scatter [tilespmem:s31], [sflag:$0x4], $0x1000, $0x38;
	[tilespmem:$0xB900] =	vst v63  }
0x2be: {  	_ =	swait.ge [sflag:s26], $0x40  }
0x2bf: {  	[sflag:s26] =	ssyncset.done $0x0  }
0x2c0: {  	[sflag:s26] =	ssyncadd.s32 $0xFFFFFFC0  }
0x2c1: {  	_ =	swait.ge [sflag:s26], $0x40  }
0x2c2: {  	[sflag:s26] =	ssyncset.done $0x0  }
0x2c3: {  	[sflag:s26] =	ssyncadd.s32 $0xFFFFFFC0  }
0x2c4: {  	v53 =	vld.idx.msk [tilespmem:v0+s18+$0x0], $0xffff;
	_ =	sdelay $0x4  }
0x2c5: {  	v54 =	vshll.u32 v53, $0x2  }
0x2c6: {  	v38 =	vand.u32 $0x7F, v53;
	v39 =	vand.u32 $0xFFFFFE00, v54  }
0x2c7: {  	v38 =	vor.u32 v38, v39  }
0x2c8: {  	v55 =	vld.idx.msk [tilespmem:v0+s19+$0x0], $0xffff;
	v38 =	vadd.s32 v37, v38;
	_ =	sdelay $0x4  }
0x2c9: {  	[tilespmem:v38+s28+$0x0] =	vst.idx.add.f32.msk $0xf, v55  }
0x2ca: {  	v38 =	vld.idx.msk [tilespmem:v3+s18+$0x0], $0xffff;
	_ =	sdelay $0x4  }
0x2cb: {  	v56 =	vshll.u32 v38, $0x2  }
0x2cc: {  	v38 =	vand.u32 $0x7F, v38;
	v39 =	vand.u32 $0xFFFFFE00, v56  }
0x2cd: {  	v38 =	vor.u32 v38, v39  }
0x2ce: {  	v57 =	vld.idx.msk [tilespmem:v3+s19+$0x0], $0xffff;
	v38 =	vadd.s32 v37, v38;
	_ =	sdelay $0x4  }
0x2cf: {  	[tilespmem:v38+s28+$0x0] =	vst.idx.add.f32.msk $0xf, v57  }
0x2d0: {  	v38 =	vld.idx.msk [tilespmem:v4+s18+$0x0], $0xffff;
	_ =	sdelay $0x4  }
0x2d1: {  	v58 =	vshll.u32 v38, $0x2  }
0x2d2: {  	v38 =	vand.u32 $0x7F, v38;
	v39 =	vand.u32 $0xFFFFFE00, v58  }
0x2d3: {  	v38 =	vor.u32 v38, v39  }
0x2d4: {  	v59 =	vld.idx.msk [tilespmem:v4+s19+$0x0], $0xffff;
	v38 =	vadd.s32 v37, v38;
	_ =	sdelay $0x4  }
0x2d5: {  	[tilespmem:v38+s28+$0x0] =	vst.idx.add.f32.msk $0xf, v59  }
0x2d6: {  	v38 =	vld.idx.msk [tilespmem:v5+s18+$0x0], $0xffff;
	_ =	sdelay $0x4  }
0x2d7: {  	v60 =	vshll.u32 v38, $0x2  }
0x2d8: {  	v38 =	vand.u32 $0x7F, v38;
	v39 =	vand.u32 $0xFFFFFE00, v60  }
0x2d9: {  	v38 =	vor.u32 v38, v39  }
0x2da: {  	v61 =	vld.idx.msk [tilespmem:v5+s19+$0x0], $0xffff;
	v38 =	vadd.s32 v37, v38;
	_ =	sdelay $0x4  }
0x2db: {  	[tilespmem:v38+s28+$0x0] =	vst.idx.add.f32.msk $0xf, v61  }
0x2dc: {  	v38 =	vld.idx.msk [tilespmem:v6+s18+$0x0], $0xffff;
	_ =	sdelay $0x4  }
0x2dd: {  	v62 =	vshll.u32 v38, $0x2  }
0x2de: {  	v38 =	vand.u32 $0x7F, v38;
	v39 =	vand.u32 $0xFFFFFE00, v62  }
0x2df: {  	v38 =	vor.u32 v38, v39  }
0x2e0: {  	v63 =	vld.idx.msk [tilespmem:v6+s19+$0x0], $0xffff;
	v38 =	vadd.s32 v37, v38;
	_ =	sdelay $0x4  }
0x2e1: {  	[tilespmem:v38+s28+$0x0] =	vst.idx.add.f32.msk $0xf, v63  }
0x2e2: {  	v38 =	vld.idx.msk [tilespmem:v7+s18+$0x0], $0xffff;
	_ =	sdelay $0x4  }
0x2e3: {  	v42 =	vshll.u32 v38, $0x2  }
0x2e4: {  	v38 =	vand.u32 $0x7F, v38;
	v39 =	vand.u32 $0xFFFFFE00, v42  }
0x2e5: {  	v38 =	vor.u32 v38, v39  }
0x2e6: {  	v43 =	vld.idx.msk [tilespmem:v7+s19+$0x0], $0xffff;
	v38 =	vadd.s32 v37, v38;
	_ =	sdelay $0x4  }
0x2e7: {  	[tilespmem:v38+s28+$0x0] =	vst.idx.add.f32.msk $0xf, v43  }
0x2e8: {  	v38 =	vld.idx.msk [tilespmem:v8+s18+$0x0], $0xffff;
	_ =	sdelay $0x4  }
0x2e9: {  	v44 =	vshll.u32 v38, $0x2  }
0x2ea: {  	v38 =	vand.u32 $0x7F, v38;
	v39 =	vand.u32 $0xFFFFFE00, v44  }
0x2eb: {  	v38 =	vor.u32 v38, v39  }
0x2ec: {  	v45 =	vld.idx.msk [tilespmem:v8+s19+$0x0], $0xffff;
	v38 =	vadd.s32 v37, v38;
	_ =	sdelay $0x4  }
0x2ed: {  	[tilespmem:v38+s28+$0x0] =	vst.idx.add.f32.msk $0xf, v45  }
0x2ee: {  	v38 =	vld.idx.msk [tilespmem:v9+s18+$0x0], $0xffff;
	_ =	sdelay $0x4  }
0x2ef: {  	v46 =	vshll.u32 v38, $0x2  }
0x2f0: {  	v38 =	vand.u32 $0x7F, v38;
	v39 =	vand.u32 $0xFFFFFE00, v46  }
0x2f1: {  	v38 =	vor.u32 v38, v39  }
0x2f2: {  	v47 =	vld.idx.msk [tilespmem:v9+s19+$0x0], $0xffff;
	v38 =	vadd.s32 v37, v38;
	_ =	sdelay $0x4  }
0x2f3: {  	[tilespmem:v38+s28+$0x0] =	vst.idx.add.f32.msk $0xf, v47  }
0x2f4: {  	v38 =	vld.idx.msk [tilespmem:v10+s18+$0x0], $0xffff;
	_ =	sdelay $0x4  }
0x2f5: {  	v48 =	vshll.u32 v38, $0x2  }
0x2f6: {  	v38 =	vand.u32 $0x7F, v38;
	v39 =	vand.u32 $0xFFFFFE00, v48  }
0x2f7: {  	v38 =	vor.u32 v38, v39  }
0x2f8: {  	v49 =	vld.idx.msk [tilespmem:v10+s19+$0x0], $0xffff;
	v38 =	vadd.s32 v37, v38;
	_ =	sdelay $0x4  }
0x2f9: {  	[tilespmem:v38+s28+$0x0] =	vst.idx.add.f32.msk $0xf, v49  }
0x2fa: {  	v38 =	vld.idx.msk [tilespmem:v11+s18+$0x0], $0xffff;
	_ =	sdelay $0x4  }
0x2fb: {  	v50 =	vshll.u32 v38, $0x2  }
0x2fc: {  	v38 =	vand.u32 $0x7F, v38;
	v39 =	vand.u32 $0xFFFFFE00, v50  }
0x2fd: {  	v38 =	vor.u32 v38, v39  }
0x2fe: {  	v51 =	vld.idx.msk [tilespmem:v11+s19+$0x0], $0xffff;
	v38 =	vadd.s32 v37, v38;
	_ =	sdelay $0x4  }
0x2ff: {  	[tilespmem:v38+s28+$0x0] =	vst.idx.add.f32.msk $0xf, v51  }
0x300: {  	v38 =	vld.idx.msk [tilespmem:v12+s18+$0x0], $0xffff;
	_ =	sdelay $0x4  }
0x301: {  	v52 =	vshll.u32 v38, $0x2  }
0x302: {  	v38 =	vand.u32 $0x7F, v38;
	v39 =	vand.u32 $0xFFFFFE00, v52  }
0x303: {  	v38 =	vor.u32 v38, v39  }
0x304: {  	v53 =	vld.idx.msk [tilespmem:v12+s19+$0x0], $0xffff;
	v38 =	vadd.s32 v37, v38;
	_ =	sdelay $0x4  }
0x305: {  	[tilespmem:v38+s28+$0x0] =	vst.idx.add.f32.msk $0xf, v53  }
0x306: {  	v38 =	vld.idx.msk [tilespmem:v13+s18+$0x0], $0xffff;
	_ =	sdelay $0x4  }
0x307: {  	v54 =	vshll.u32 v38, $0x2  }
0x308: {  	v38 =	vand.u32 $0x7F, v38;
	v39 =	vand.u32 $0xFFFFFE00, v54  }
0x309: {  	v38 =	vor.u32 v38, v39  }
0x30a: {  	v55 =	vld.idx.msk [tilespmem:v13+s19+$0x0], $0xffff;
	v38 =	vadd.s32 v37, v38;
	_ =	sdelay $0x4  }
0x30b: {  	[tilespmem:v38+s28+$0x0] =	vst.idx.add.f32.msk $0xf, v55  }
0x30c: {  	v38 =	vld.idx.msk [tilespmem:v14+s18+$0x0], $0xffff;
	_ =	sdelay $0x4  }
0x30d: {  	v56 =	vshll.u32 v38, $0x2  }
0x30e: {  	v38 =	vand.u32 $0x7F, v38;
	v39 =	vand.u32 $0xFFFFFE00, v56  }
0x30f: {  	v38 =	vor.u32 v38, v39  }
0x310: {  	v57 =	vld.idx.msk [tilespmem:v14+s19+$0x0], $0xffff;
	v38 =	vadd.s32 v37, v38;
	_ =	sdelay $0x4  }
0x311: {  	[tilespmem:v38+s28+$0x0] =	vst.idx.add.f32.msk $0xf, v57  }
0x312: {  	v38 =	vld.idx.msk [tilespmem:v15+s18+$0x0], $0xffff;
	_ =	sdelay $0x4  }
0x313: {  	v58 =	vshll.u32 v38, $0x2  }
0x314: {  	v38 =	vand.u32 $0x7F, v38;
	v39 =	vand.u32 $0xFFFFFE00, v58  }
0x315: {  	v38 =	vor.u32 v38, v39  }
0x316: {  	v59 =	vld.idx.msk [tilespmem:v15+s19+$0x0], $0xffff;
	v38 =	vadd.s32 v37, v38;
	_ =	sdelay $0x4  }
0x317: {  	[tilespmem:v38+s28+$0x0] =	vst.idx.add.f32.msk $0xf, v59  }
0x318: {  	v38 =	vld.idx.msk [tilespmem:v16+s18+$0x0], $0xffff;
	_ =	sdelay $0x4  }
0x319: {  	v60 =	vshll.u32 v38, $0x2  }
0x31a: {  	v38 =	vand.u32 $0x7F, v38;
	v39 =	vand.u32 $0xFFFFFE00, v60  }
0x31b: {  	v38 =	vor.u32 v38, v39  }
0x31c: {  	v61 =	vld.idx.msk [tilespmem:v16+s19+$0x0], $0xffff;
	v38 =	vadd.s32 v37, v38;
	_ =	sdelay $0x4  }
0x31d: {  	[tilespmem:v38+s28+$0x0] =	vst.idx.add.f32.msk $0xf, v61  }
0x31e: {  	v38 =	vld.idx.msk [tilespmem:v17+s18+$0x0], $0xffff;
	_ =	sdelay $0x4  }
0x31f: {  	v62 =	vshll.u32 v38, $0x2  }
0x320: {  	v38 =	vand.u32 $0x7F, v38;
	v39 =	vand.u32 $0xFFFFFE00, v62  }
0x321: {  	v38 =	vor.u32 v38, v39  }
0x322: {  	v63 =	vld.idx.msk [tilespmem:v17+s19+$0x0], $0xffff;
	v38 =	vadd.s32 v37, v38;
	_ =	sdelay $0x4  }
0x323: {  	[tilespmem:v38+s28+$0x0] =	vst.idx.add.f32.msk $0xf, v63  }
0x324: {  	[hbm4b:s13+s15] =	stream.strided.scatter [tilespmem:s28], [sflag:$0x4], $0x1000, s24, s15, $0x38;
	[tilespmem:$0xB900] =	vst v63  }
0x325: {  	_ =	swait.ge [sflag:s29], $0x4000  }
0x326: {  	[sflag:s29] =	ssyncset.done $0x0  }
0x327: {  	[sflag:s29] =	ssyncadd.s32 $0xFFFFC000  }
0x328: {  	_ =	swait.ge [sflag:s29], $0x4000  }
0x329: {  	[sflag:s29] =	ssyncset.done $0x0  }
0x32a: {  	[sflag:s29] =	ssyncadd.s32 $0xFFFFC000  }
0x32b: {  	_ =	swait.ge [sflag:s29], $0x1000  }
0x32c: {  	[sflag:s29] =	ssyncset.done $0x0  }
0x32d: {  	s30 =	sadd.s32 $0x1, s30;
	[sflag:s29] =	ssyncadd.s32 $0xFFFFF000  }
0x32e: {  	p0 =	sne.s32 s30, s14;
	_ =	swait.ge [sflag:s29], $0x1000  }
.Ltmp3:
0x32f: {  	[sflag:s29] =	ssyncset.done $0x0;
	(pc) =	sbr.rel @p0 .LBB2_1-.Ltmp3, $4  }
0x330: {  	[sflag:s29] =	ssyncadd.s32 $0xFFFFF000  }
0x331: {  	_ =	swait.ge [sflag:s29], $0x1000  }
0x332: {  	[sflag:s29] =	ssyncset.done $0x0  }
0x333: {  	[sflag:s29] =	ssyncadd.s32 $0xFFFFF000  }
0x334: {  	_ =	sfence.sel $0x180000  }
0x335: {  	[bflag:$0x0] =	sbarrier.arrive $0xFFFF  }
0x336: {  	_ =	strace $0x90000047  }
0x337: {  	s0 =	stileid.u32;
	[bflag:$0x2] =	sbarrier.arrive $0xFFFF  }
0x338: {  	p0 =	sne.s32 s0, $0x0;
	s0 =	rddreg [dreg:$0x8]  }
0x339: {  	s0 =	sadd.s32 @!p0 $0x100000, s0  }
0x33a: {  	[sflag:s0] =	ssyncadd.tile.s32 @!p0 $0x1;
	_ =	shalt  }
.Lfunc_end2:
_tile_overlayer_lowered:
.L_overlay_start_2:
0x33b: {  	(tag) =	ssettag $0x2  }
0x33c: {  	s0 =	rddreg [dreg:$0x0];
	s2 =	stileid.u32  }
0x33d: {  	s1 =	rddreg [dreg:$0x1];
	p0 =	sne.s32 s2, $0x0  }
0x33e: {  	s3 =	rddreg [dreg:$0x2];
	[bflag:$0x3] =	sbarrier.arrive $0xFFFF;
	s2 =	simm.s32 @!p0 $0x1C05  }
0x33f: {  	[timem:s3], [sflag:s2] =	dma.local @!p0 [hbm:s0], s1  }
0x340: {  	s0 =	simm.s32 @!p0 $0x5  }
0x341: {  	_ =	swait.ge @!p0 [sflag:s0], s1  }
0x342: {  	s1 =	ssub.s32 @!p0 $0x0, s1;
	[sflag:s0] =	ssyncset.done @!p0 $0x0  }
0x343: {  	[sflag:s0] =	ssyncadd.s32 @!p0 s1  }
0x344: {  	[bflag:$0x3] =	sbarrier.arrive $0xFFFF  }
0x345: {  	_ =	shalt  }

</sc_bundles>
